<compile_context>
chip_gen: v7x
topology: tpu7x:2x2x1
jax: 0.10.2.dev20260603
libtpu: 0.0.44.dev20260713+nightly
codegen_flags: <defaults>
</compile_context>

<pallas_src>
import functools

import jax
import jax.numpy as jnp
from jax import lax
from jax.experimental import pallas as pl
from jax.experimental.pallas import tpu as pltpu
from jax.experimental.pallas import tpu_sc as plsc

N = 10000
NC, NS = 2, 16
NT = NC * NS
NPAD = 10240
CHUNK = 64
CPT = 160
EPAD = NT * CPT * CHUNK
RPT = NPAD // NS


def _mesh():
    return plsc.VectorSubcoreMesh(
        core_axis_name="c", subcore_axis_name="s", num_cores=NC, num_subcores=NS
    )


def _deg_partials(dst1d):

    @functools.partial(
        pl.kernel,
        out_type=jax.ShapeDtypeStruct((NC * NPAD,), jnp.float32),
        mesh=_mesh(),
        scratch_types=[
            [pltpu.VMEM((CHUNK,), jnp.int32)] * 4,
            pltpu.VMEM((CHUNK,), jnp.float32),
            pltpu.VMEM((RPT,), jnp.float32),
            pltpu.VMEM_SHARED((NPAD,), jnp.float32),
            [pltpu.SemaphoreType.DMA] * 4,
        ],
    )
    def k(dst_hbm, out_hbm, idx_v, ones_v, z_v, acc_sh, sd):
        c = lax.axis_index("c")
        s = lax.axis_index("s")

        def fill_ones(i, _):
            ones_v[pl.ds(i * 16, 16)] = jnp.ones((16,), jnp.float32)
            return 0

        lax.fori_loop(0, CHUNK // 16, fill_ones, 0)

        def fill_z(i, _):
            z_v[pl.ds(i * 16, 16)] = jnp.zeros((16,), jnp.float32)
            return 0

        lax.fori_loop(0, RPT // 16, fill_z, 0)
        pltpu.sync_copy(z_v, acc_sh.at[pl.ds(s * RPT, RPT)])
        plsc.subcore_barrier()

        base = (c * NS + s) * CPT * CHUNK
        nb = 4

        def start(j, b):
            pltpu.async_copy(
                dst_hbm.at[pl.ds(base + j * CHUNK, CHUNK)], idx_v[b], sd[b]
            )

        def finish(j, b):
            pltpu.make_async_copy(
                dst_hbm.at[pl.ds(base + j * CHUNK, CHUNK)], idx_v[b], sd[b]
            ).wait()
            pltpu.sync_copy(ones_v, acc_sh.at[idx_v[b]], add=True)

        for i in range(nb - 1):
            start(i, i)

        def body(t, _):
            j0 = nb * t
            for i in range(nb):
                j = j0 + i
                jn = j + nb - 1

                @pl.when(jn < CPT)
                def _():
                    start(jn, (i + nb - 1) % nb)

                finish(j, i)
            return 0

        lax.fori_loop(0, CPT // nb, body, 0)
        plsc.subcore_barrier()
        pltpu.sync_copy(
            acc_sh.at[pl.ds(s * RPT, RPT)],
            out_hbm.at[pl.ds(c * NPAD + s * RPT, RPT)],
        )

    return k(dst1d)


def _msg_partials(hp, src1d, dst1d, feat):

    params = (
        pltpu.CompilerParams(use_tc_tiling_on_sc=False) if feat != 128 else None
    )

    nb = 4 if feat == 128 else 8

    @functools.partial(
        pl.kernel,
        out_type=jax.ShapeDtypeStruct((NC, NPAD, feat), jnp.float32),
        mesh=_mesh(),
        compiler_params=params,
        scratch_types=[
            pltpu.VMEM((CPT * CHUNK,), jnp.int32),
            [pltpu.VMEM((CHUNK,), jnp.int32)] * nb,
            [pltpu.VMEM((CHUNK, feat), jnp.float32)] * nb,
            pltpu.VMEM_SHARED((NPAD, feat), jnp.float32),
            [pltpu.SemaphoreType.DMA] * nb,
            [pltpu.SemaphoreType.DMA] * nb,
        ],
    )
    def k(h_hbm, src_hbm, dst_hbm, out_hbm, si_all, di_v, rows_v, acc_sh,
          sg, sd):
        c = lax.axis_index("c")
        s = lax.axis_index("s")

        def zrow(i, _):
            def zcol(t, _):
                rows_v[0][i, pl.ds(t * 16, 16)] = jnp.zeros((16,), jnp.float32)
                return 0

            lax.fori_loop(0, feat // 16, zcol, 0)
            return 0

        lax.fori_loop(0, CHUNK, zrow, 0)

        def zacc(q, _):
            pltpu.sync_copy(rows_v[0], acc_sh.at[pl.ds(s * RPT + q * CHUNK, CHUNK)])
            return 0

        lax.fori_loop(0, RPT // CHUNK, zacc, 0)
        plsc.subcore_barrier()

        base = (c * NS + s) * CPT * CHUNK
        pltpu.sync_copy(src_hbm.at[pl.ds(base, CPT * CHUNK)], si_all)

        def start(j, b):
            pltpu.async_copy(
                dst_hbm.at[pl.ds(base + j * CHUNK, CHUNK)], di_v[b], sd[b]
            )
            pltpu.async_copy(
                h_hbm.at[si_all.at[pl.ds(j * CHUNK, CHUNK)]], rows_v[b], sg[b]
            )

        def finish(j, b):
            pltpu.make_async_copy(
                dst_hbm.at[pl.ds(base + j * CHUNK, CHUNK)], di_v[b], sd[b]
            ).wait()
            pltpu.make_async_copy(
                h_hbm.at[si_all.at[pl.ds(j * CHUNK, CHUNK)]], rows_v[b], sg[b]
            ).wait()
            pltpu.sync_copy(rows_v[b], acc_sh.at[di_v[b]], add=True)

        for i in range(nb - 1):
            start(i, i)

        def body(t, _):
            j0 = nb * t
            for i in range(nb):
                j = j0 + i
                jn = j + nb - 1

                @pl.when(jn < CPT)
                def _():
                    start(jn, (i + nb - 1) % nb)

                finish(j, i)
            return 0

        lax.fori_loop(0, CPT // nb, body, 0)
        plsc.subcore_barrier()
        pltpu.sync_copy(
            acc_sh.at[pl.ds(s * RPT, RPT)], out_hbm.at[c, pl.ds(s * RPT, RPT)]
        )

    return k(hp, src1d, dst1d)


def _tc_first(dp, x, W1):
    def body(dp_ref, x_ref, w_ref, o_ref):
        deg = dp_ref[0, :N] + dp_ref[1, :N] + 1.0
        dinv = lax.rsqrt(deg)
        h = jnp.dot(x_ref[...], w_ref[...], preferred_element_type=jnp.float32)
        hp = h * dinv[:, None]
        o_ref[...] = jnp.concatenate(
            [hp, jnp.zeros((NPAD - N, 128), jnp.float32)], axis=0
        )

    return pl.pallas_call(
        body, out_shape=jax.ShapeDtypeStruct((NPAD, 128), jnp.float32)
    )(dp, x, W1)


def _tc_mid(P, hp, dp, b1, W2):
    def body(p_ref, h_ref, dp_ref, b_ref, w_ref, o_ref):
        deg = dp_ref[0, :] + dp_ref[1, :] + 1.0
        dinv = lax.rsqrt(deg)
        z = (p_ref[0] + p_ref[1] + h_ref[...]) * dinv[:, None] + b_ref[...][None, :]
        z = jnp.maximum(z, 0.0)
        h2 = jnp.dot(z, w_ref[...], preferred_element_type=jnp.float32)
        o_ref[...] = h2 * dinv[:, None]

    return pl.pallas_call(
        body, out_shape=jax.ShapeDtypeStruct((NPAD, 64), jnp.float32)
    )(P, hp, dp, b1, W2)


def _tc_last(P, hp, dp, b2):
    def body(p_ref, h_ref, dp_ref, b_ref, o_ref):
        deg = dp_ref[0, :N] + dp_ref[1, :N] + 1.0
        dinv = lax.rsqrt(deg)
        z = (p_ref[0, :N] + p_ref[1, :N] + h_ref[:N]) * dinv[:, None]
        z = z + b_ref[...][None, :]
        m = jnp.max(z, axis=1, keepdims=True)
        e = jnp.exp(z - m)
        lse = jnp.log(jnp.sum(e, axis=1, keepdims=True))
        o_ref[...] = z - m - lse

    return pl.pallas_call(
        body, out_shape=jax.ShapeDtypeStruct((N, 64), jnp.float32)
    )(P, hp, dp, b2)


@jax.jit
def _run(x, edge_index, W1, b1, W2, b2):
    src = edge_index[0]
    dst = edge_index[1]
    pad = N + (jnp.arange(EPAD - src.shape[0], dtype=jnp.int32) % (NPAD - N))
    src1d = jnp.concatenate([src, pad])
    dst1d = jnp.concatenate([dst, pad])

    dp = _deg_partials(dst1d).reshape(NC, NPAD)
    hp1 = _tc_first(dp, x, W1)
    P1 = _msg_partials(hp1, src1d, dst1d, 128)
    hp2 = _tc_mid(P1, hp1, dp, b1, W2)
    P2 = _msg_partials(hp2, src1d, dst1d, 64)
    return _tc_last(P2, hp2, dp, b2)


def kernel(x, edge_index, W1, b1, W2, b2):
    return _run(x, edge_index, W1, b1, W2, b2)

# --- scband reference (transcript-rebuilt; emitter-appended) ---
"""Pipeline reference for scband-gcn-18700287607644 (READ-ONLY COPY).

The authoritative reference and input builder live on the scoring server;
editing this copy changes nothing except your own understanding.
"""

import jax, jax.numpy as jnp
import numpy as np

N = 10000
E = 320000
D = 128
H = 128
C = 64


def setup_inputs(seed: int = 0) -> dict:
    key = jax.random.key(seed)
    k1, k2, k3, k4, k5, k6 = jax.random.split(key, 6)
    x = jax.random.normal(k1, (N, D), dtype=jnp.float32)
    edge_index = jax.random.randint(k2, (2, E), 0, N, dtype=jnp.int32)
    W1 = jax.random.normal(k3, (D, H), dtype=jnp.float32) * 0.05
    b1 = jnp.zeros((H,), dtype=jnp.float32)
    W2 = jax.random.normal(k4, (H, C), dtype=jnp.float32) * 0.05
    b2 = jnp.zeros((C,), dtype=jnp.float32)
    return {"x": x, "edge_index": edge_index, "W1": W1, "b1": b1, "W2": W2, "b2": b2}


def _gcn_conv(x, edge_index, W, b):
    # GCNConv: out = D^{-1/2} (A + I) D^{-1/2} X W + b  (add self loops, symmetric norm)
    n = x.shape[0]
    src = edge_index[0]
    dst = edge_index[1]
    loop = jnp.arange(n, dtype=src.dtype)
    row = jnp.concatenate([src, loop])
    col = jnp.concatenate([dst, loop])
    deg = jax.ops.segment_sum(jnp.ones_like(col, dtype=x.dtype), col, num_segments=n)
    dinv = jnp.where(deg > 0, jax.lax.rsqrt(deg), 0.0)
    norm = dinv[row] * dinv[col]
    h = x @ W
    msgs = jnp.take(h, row, axis=0) * norm[:, None]
    out = jax.ops.segment_sum(msgs, col, num_segments=n)
    return out + b


def reference(x, edge_index, W1, b1, W2, b2):
    h = _gcn_conv(x, edge_index, W1, b1)
    h = jax.nn.relu(h)
    # dropout is identity in eval/reference mode
    h = _gcn_conv(h, edge_index, W2, b2)
    return jax.nn.log_softmax(h, axis=1)

if __name__ == "__main__":
    import jax
    _d = setup_inputs()
    print(jax.jit(kernel)(*tuple(_d.values())))

</pallas_src>

<mosaic_0001>
#map = affine_map<(d0, d1) -> (0)>
module attributes {stable_mosaic.version = 14 : i64} {
  func.func @k(%arg0: i32, %arg1: i32, %arg2: memref<327680xi32, #tpu.memory_space<hbm>>, %arg3: memref<20480xf32, #tpu.memory_space<hbm>>, %arg4: memref<64xi32, #tpu.memory_space<vmem>>, %arg5: memref<64xi32, #tpu.memory_space<vmem>>, %arg6: memref<64xi32, #tpu.memory_space<vmem>>, %arg7: memref<64xi32, #tpu.memory_space<vmem>>, %arg8: memref<64xf32, #tpu.memory_space<vmem>>, %arg9: memref<640xf32, #tpu.memory_space<vmem>>, %arg10: memref<10240xf32, #tpu.memory_space<vmem_shared>>, %arg11: memref<!tpu.dma_semaphore, #tpu.memory_space<semaphore_mem>>, %arg12: memref<!tpu.dma_semaphore, #tpu.memory_space<semaphore_mem>>, %arg13: memref<!tpu.dma_semaphore, #tpu.memory_space<semaphore_mem>>, %arg14: memref<!tpu.dma_semaphore, #tpu.memory_space<semaphore_mem>>) attributes {dimension_semantics = [#tpu.dimension_semantics<core_parallel>, #tpu.dimension_semantics<subcore_parallel>], iteration_bounds = array<i64: 2, 16>, scalar_prefetch = 0 : i64, scratch_operands = 11 : i64, tpu.core_type = #tpu.core_type<sc_vector_subcore>, window_params = [{transform_indices = #map}, {transform_indices = #map}]} {
    %scan3A = arith.constant 0 : i32
    %scan3A_0 = arith.constant 0 : i32
    %scan3A_1 = arith.constant 4 : i32
    %scan3A_2 = arith.addi %scan3A_0, %scan3A_1 : i32
    %scan3A_3 = arith.constant 1 : i32
    %scan3A_4 = scf.for %scan3A_46 = %scan3A_0 to %scan3A_2 step %scan3A_3 iter_args(%scan3A_47 = %scan3A) -> (i32)  : i32 {
      %broadcast_in_dim3A = arith.constant 1.000000e+00 : f32
      %broadcast_in_dim3A_48 = vector.broadcast %broadcast_in_dim3A : f32 to vector<16xf32>
      %mul3A_49 = arith.constant 16 : i32
      %mul3A_50 = arith.muli %scan3A_46, %mul3A_49 : i32
      %swap3A = arith.index_cast %mul3A_50 : i32 to index
      %swap3A_51 = tpu.vector_load %arg8[%swap3A] {strides = array<i32>} : memref<64xf32, #tpu.memory_space<vmem>>, vector<16xf32>,
      %swap3A_52 = vector.shape_cast %swap3A_51 : vector<16xf32> to vector<16xf32>
      %swap3A_53 = vector.shape_cast %broadcast_in_dim3A_48 : vector<16xf32> to vector<16xf32>
      tpu.vector_store %arg8[%swap3A], %swap3A_53 {strides = array<i32>} : memref<64xf32, #tpu.memory_space<vmem>>, vector<16xf32>,
      %scan3A_54 = arith.constant 0 : i32
      scf.yield %scan3A_54 : i32
    }
    %scan3A_5 = arith.constant 4 : i32
    %scan3A_6 = arith.constant 0 : i32
    %scan3A_7 = arith.constant 0 : i32
    %scan3A_8 = arith.constant 40 : i32
    %scan3A_9 = arith.addi %scan3A_7, %scan3A_8 : i32
    %scan3A_10 = arith.constant 1 : i32
    %scan3A_11 = scf.for %scan3A_46 = %scan3A_7 to %scan3A_9 step %scan3A_10 iter_args(%scan3A_47 = %scan3A_6) -> (i32)  : i32 {
      %broadcast_in_dim3A = arith.constant 0.000000e+00 : f32
      %broadcast_in_dim3A_48 = vector.broadcast %broadcast_in_dim3A : f32 to vector<16xf32>
      %mul3A_49 = arith.constant 16 : i32
      %mul3A_50 = arith.muli %scan3A_46, %mul3A_49 : i32
      %swap3A = arith.index_cast %mul3A_50 : i32 to index
      %swap3A_51 = tpu.vector_load %arg9[%swap3A] {strides = array<i32>} : memref<640xf32, #tpu.memory_space<vmem>>, vector<16xf32>,
      %swap3A_52 = vector.shape_cast %swap3A_51 : vector<16xf32> to vector<16xf32>
      %swap3A_53 = vector.shape_cast %broadcast_in_dim3A_48 : vector<16xf32> to vector<16xf32>
      tpu.vector_store %arg9[%swap3A], %swap3A_53 {strides = array<i32>} : memref<640xf32, #tpu.memory_space<vmem>>, vector<16xf32>,
      %scan3A_54 = arith.constant 0 : i32
      scf.yield %scan3A_54 : i32
    }
    %scan3A_12 = arith.constant 40 : i32
    %mul3A = arith.constant 640 : i32
    %mul3A_13 = arith.muli %arg1, %mul3A : i32
    "tpu.region"() ({
      %run_scoped3A = tpu.sem_alloc : memref<!tpu.dma_semaphore, #tpu.memory_space<semaphore_mem>>
      %dma_start3A_46 = tpu.memref_slice %arg10[%mul3A_13] : memref<10240xf32, #tpu.memory_space<vmem_shared>> -> memref<640xf32, #tpu.memory_space<vmem_shared>>
      %dma_start3A_47 = tpu.memref_slice %arg10[%mul3A_13] : memref<10240xf32, #tpu.memory_space<vmem_shared>> -> memref<640xf32, #tpu.memory_space<vmem_shared>>
      tpu.enqueue_dma source(%arg9 : memref<640xf32, #tpu.memory_space<vmem>>) target(%dma_start3A_47 : memref<640xf32, #tpu.memory_space<vmem_shared>>) target_semaphore(%run_scoped3A : memref<!tpu.dma_semaphore, #tpu.memory_space<semaphore_mem>>)
      %dma_wait3A = tpu.memref_slice %arg10[%mul3A_13] : memref<10240xf32, #tpu.memory_space<vmem_shared>> -> memref<640xf32, #tpu.memory_space<vmem_shared>>
      %dma_wait3A_48 = tpu.memref_slice %arg10[%mul3A_13] : memref<10240xf32, #tpu.memory_space<vmem_shared>> -> memref<640xf32, #tpu.memory_space<vmem_shared>>
      tpu.wait_dma2 semaphore(%run_scoped3A : memref<!tpu.dma_semaphore, #tpu.memory_space<semaphore_mem>>) src(%arg9 : memref<640xf32, #tpu.memory_space<vmem>>) dst(%dma_wait3A_48 : memref<640xf32, #tpu.memory_space<vmem_shared>>)
      tpu.yield
    }) : () -> ()
    %barrier3A = arith.constant 0 : index
    tpu.barrier barrier_id(%barrier3A)
    %mul3A_14 = arith.constant 16 : i32
    %mul3A_15 = arith.muli %arg0, %mul3A_14 : i32
    %add3A = arith.addi %mul3A_15, %arg1 : i32
    %mul3A_16 = arith.constant 160 : i32
    %mul3A_17 = arith.muli %add3A, %mul3A_16 : i32
    %mul3A_18 = arith.constant 64 : i32
    %mul3A_19 = arith.muli %mul3A_17, %mul3A_18 : i32
    %add3A_20 = arith.constant 0 : i32
    %add3A_21 = arith.addi %mul3A_19, %add3A_20 : i32
    %dma_start3A = tpu.memref_slice %arg2[%add3A_21] : memref<327680xi32, #tpu.memory_space<hbm>> -> memref<64xi32, #tpu.memory_space<hbm>>
    %dma_start3A_22 = tpu.memref_slice %arg2[%add3A_21] : memref<327680xi32, #tpu.memory_space<hbm>> -> memref<64xi32, #tpu.memory_space<hbm>>
    tpu.enqueue_dma source(%dma_start3A_22 : memref<64xi32, #tpu.memory_space<hbm>>) target(%arg4 : memref<64xi32, #tpu.memory_space<vmem>>) target_semaphore(%arg11 : memref<!tpu.dma_semaphore, #tpu.memory_space<semaphore_mem>>)
    %add3A_23 = arith.constant 64 : i32
    %add3A_24 = arith.addi %mul3A_19, %add3A_23 : i32
    %dma_start3A_25 = tpu.memref_slice %arg2[%add3A_24] : memref<327680xi32, #tpu.memory_space<hbm>> -> memref<64xi32, #tpu.memory_space<hbm>>
    %dma_start3A_26 = tpu.memref_slice %arg2[%add3A_24] : memref<327680xi32, #tpu.memory_space<hbm>> -> memref<64xi32, #tpu.memory_space<hbm>>
    tpu.enqueue_dma source(%dma_start3A_26 : memref<64xi32, #tpu.memory_space<hbm>>) target(%arg5 : memref<64xi32, #tpu.memory_space<vmem>>) target_semaphore(%arg12 : memref<!tpu.dma_semaphore, #tpu.memory_space<semaphore_mem>>)
    %add3A_27 = arith.constant 128 : i32
    %add3A_28 = arith.addi %mul3A_19, %add3A_27 : i32
    %dma_start3A_29 = tpu.memref_slice %arg2[%add3A_28] : memref<327680xi32, #tpu.memory_space<hbm>> -> memref<64xi32, #tpu.memory_space<hbm>>
    %dma_start3A_30 = tpu.memref_slice %arg2[%add3A_28] : memref<327680xi32, #tpu.memory_space<hbm>> -> memref<64xi32, #tpu.memory_space<hbm>>
    tpu.enqueue_dma source(%dma_start3A_30 : memref<64xi32, #tpu.memory_space<hbm>>) target(%arg6 : memref<64xi32, #tpu.memory_space<vmem>>) target_semaphore(%arg13 : memref<!tpu.dma_semaphore, #tpu.memory_space<semaphore_mem>>)
    %scan3A_31 = arith.constant 0 : i32
    %scan3A_32 = arith.constant 0 : i32
    %scan3A_33 = arith.constant 40 : i32
    %scan3A_34 = arith.addi %scan3A_32, %scan3A_33 : i32
    %scan3A_35 = arith.constant 1 : i32
    %scan3A_36 = scf.for %scan3A_46 = %scan3A_32 to %scan3A_34 step %scan3A_35 iter_args(%scan3A_47 = %scan3A_31) -> (i32)  : i32 {
      %mul3A_48 = arith.constant 4 : i32
      %mul3A_49 = arith.muli %mul3A_48, %scan3A_46 : i32
      %add3A_50 = arith.constant 0 : i32
      %add3A_51 = arith.addi %mul3A_49, %add3A_50 : i32
      %add3A_52 = arith.constant 4 : i32
      %add3A_53 = arith.addi %add3A_51, %add3A_52 : i32
      %sub3A = arith.constant 1 : i32
      %sub3A_54 = arith.subi %add3A_53, %sub3A : i32
      %lt3A = arith.constant 160 : i32
      %lt3A_55 = arith.cmpi slt, %sub3A_54, %lt3A : i32
      %convert_element_type3A = arith.extui %lt3A_55 : i1 to i32
      %cond3A = arith.constant 0 : i32
      %cond3A_56 = arith.cmpi ne, %convert_element_type3A, %cond3A : i32
      scf.if %cond3A_56 {
        %mul3A_110 = arith.constant 64 : i32
        %mul3A_111 = arith.muli %sub3A_54, %mul3A_110 : i32
        %add3A_112 = arith.addi %mul3A_19, %mul3A_111 : i32
        %dma_start3A_113 = tpu.memref_slice %arg2[%add3A_112] : memref<327680xi32, #tpu.memory_space<hbm>> -> memref<64xi32, #tpu.memory_space<hbm>>
        %dma_start3A_114 = tpu.memref_slice %arg2[%add3A_112] : memref<327680xi32, #tpu.memory_space<hbm>> -> memref<64xi32, #tpu.memory_space<hbm>>
        tpu.enqueue_dma source(%dma_start3A_114 : memref<64xi32, #tpu.memory_space<hbm>>) target(%arg7 : memref<64xi32, #tpu.memory_space<vmem>>) target_semaphore(%arg14 : memref<!tpu.dma_semaphore, #tpu.memory_space<semaphore_mem>>)
      } else {
      }
      %mul3A_57 = arith.constant 64 : i32
      %mul3A_58 = arith.muli %add3A_51, %mul3A_57 : i32
      %add3A_59 = arith.addi %mul3A_19, %mul3A_58 : i32
      %dma_wait3A = tpu.memref_slice %arg2[%add3A_59] : memref<327680xi32, #tpu.memory_space<hbm>> -> memref<64xi32, #tpu.memory_space<hbm>>
      %dma_wait3A_60 = tpu.memref_slice %arg2[%add3A_59] : memref<327680xi32, #tpu.memory_space<hbm>> -> memref<64xi32, #tpu.memory_space<hbm>>
      tpu.wait_dma2 semaphore(%arg11 : memref<!tpu.dma_semaphore, #tpu.memory_space<semaphore_mem>>) src(%dma_wait3A_60 : memref<64xi32, #tpu.memory_space<hbm>>) dst(%arg4 : memref<64xi32, #tpu.memory_space<vmem>>)
      "tpu.region"() ({
        %run_scoped3A = tpu.sem_alloc : memref<!tpu.dma_semaphore, #tpu.memory_space<semaphore_mem>>
        %dma_start3A_110 = arith.constant 0 : i32
        %dma_start3A_111 = tpu.memref_slice %arg10[%dma_start3A_110] : memref<10240xf32, #tpu.memory_space<vmem_shared>> -> memref<10240xf32, #tpu.memory_space<vmem_shared>>
        tpu.enqueue_indirect_dma source(%arg8 : memref<64xf32, #tpu.memory_space<vmem>>) target(%dma_start3A_111 : memref<10240xf32, #tpu.memory_space<vmem_shared>>) offsets(%arg4 : memref<64xi32, #tpu.memory_space<vmem>>) semaphore(%run_scoped3A : memref<!tpu.dma_semaphore, #tpu.memory_space<semaphore_mem>>) {add = true}
        %dma_wait3A_112 = arith.constant 0 : i32
        %dma_wait3A_113 = tpu.memref_slice %arg10[%dma_wait3A_112] : memref<10240xf32, #tpu.memory_space<vmem_shared>> -> memref<10240xf32, #tpu.memory_space<vmem_shared>>
        tpu.wait_indirect_dma semaphore(%run_scoped3A : memref<!tpu.dma_semaphore, #tpu.memory_space<semaphore_mem>>) src(%arg8 : memref<64xf32, #tpu.memory_space<vmem>>) dst(%dma_wait3A_113 : memref<10240xf32, #tpu.memory_space<vmem_shared>>)
        tpu.yield
      }) : () -> ()
      %add3A_61 = arith.constant 1 : i32
      %add3A_62 = arith.addi %mul3A_49, %add3A_61 : i32
      %add3A_63 = arith.constant 4 : i32
      %add3A_64 = arith.addi %add3A_62, %add3A_63 : i32
      %sub3A_65 = arith.constant 1 : i32
      %sub3A_66 = arith.subi %add3A_64, %sub3A_65 : i32
      %lt3A_67 = arith.constant 160 : i32
      %lt3A_68 = arith.cmpi slt, %sub3A_66, %lt3A_67 : i32
      %convert_element_type3A_69 = arith.extui %lt3A_68 : i1 to i32
      %cond3A_70 = arith.constant 0 : i32
      %cond3A_71 = arith.cmpi ne, %convert_element_type3A_69, %cond3A_70 : i32
      scf.if %cond3A_71 {
        %mul3A_110 = arith.constant 64 : i32
        %mul3A_111 = arith.muli %sub3A_66, %mul3A_110 : i32
        %add3A_112 = arith.addi %mul3A_19, %mul3A_111 : i32
        %dma_start3A_113 = tpu.memref_slice %arg2[%add3A_112] : memref<327680xi32, #tpu.memory_space<hbm>> -> memref<64xi32, #tpu.memory_space<hbm>>
        %dma_start3A_114 = tpu.memref_slice %arg2[%add3A_112] : memref<327680xi32, #tpu.memory_space<hbm>> -> memref<64xi32, #tpu.memory_space<hbm>>
        tpu.enqueue_dma source(%dma_start3A_114 : memref<64xi32, #tpu.memory_space<hbm>>) target(%arg4 : memref<64xi32, #tpu.memory_space<vmem>>) target_semaphore(%arg11 : memref<!tpu.dma_semaphore, #tpu.memory_space<semaphore_mem>>)
      } else {
      }
      %mul3A_72 = arith.constant 64 : i32
      %mul3A_73 = arith.muli %add3A_62, %mul3A_72 : i32
      %add3A_74 = arith.addi %mul3A_19, %mul3A_73 : i32
      %dma_wait3A_75 = tpu.memref_slice %arg2[%add3A_74] : memref<327680xi32, #tpu.memory_space<hbm>> -> memref<64xi32, #tpu.memory_space<hbm>>
      %dma_wait3A_76 = tpu.memref_slice %arg2[%add3A_74] : memref<327680xi32, #tpu.memory_space<hbm>> -> memref<64xi32, #tpu.memory_space<hbm>>
      tpu.wait_dma2 semaphore(%arg12 : memref<!tpu.dma_semaphore, #tpu.memory_space<semaphore_mem>>) src(%dma_wait3A_76 : memref<64xi32, #tpu.memory_space<hbm>>) dst(%arg5 : memref<64xi32, #tpu.memory_space<vmem>>)
      "tpu.region"() ({
        %run_scoped3A = tpu.sem_alloc : memref<!tpu.dma_semaphore, #tpu.memory_space<semaphore_mem>>
        %dma_start3A_110 = arith.constant 0 : i32
        %dma_start3A_111 = tpu.memref_slice %arg10[%dma_start3A_110] : memref<10240xf32, #tpu.memory_space<vmem_shared>> -> memref<10240xf32, #tpu.memory_space<vmem_shared>>
        tpu.enqueue_indirect_dma source(%arg8 : memref<64xf32, #tpu.memory_space<vmem>>) target(%dma_start3A_111 : memref<10240xf32, #tpu.memory_space<vmem_shared>>) offsets(%arg5 : memref<64xi32, #tpu.memory_space<vmem>>) semaphore(%run_scoped3A : memref<!tpu.dma_semaphore, #tpu.memory_space<semaphore_mem>>) {add = true}
        %dma_wait3A_112 = arith.constant 0 : i32
        %dma_wait3A_113 = tpu.memref_slice %arg10[%dma_wait3A_112] : memref<10240xf32, #tpu.memory_space<vmem_shared>> -> memref<10240xf32, #tpu.memory_space<vmem_shared>>
        tpu.wait_indirect_dma semaphore(%run_scoped3A : memref<!tpu.dma_semaphore, #tpu.memory_space<semaphore_mem>>) src(%arg8 : memref<64xf32, #tpu.memory_space<vmem>>) dst(%dma_wait3A_113 : memref<10240xf32, #tpu.memory_space<vmem_shared>>)
        tpu.yield
      }) : () -> ()
      %add3A_77 = arith.constant 2 : i32
      %add3A_78 = arith.addi %mul3A_49, %add3A_77 : i32
      %add3A_79 = arith.constant 4 : i32
      %add3A_80 = arith.addi %add3A_78, %add3A_79 : i32
      %sub3A_81 = arith.constant 1 : i32
      %sub3A_82 = arith.subi %add3A_80, %sub3A_81 : i32
      %lt3A_83 = arith.constant 160 : i32
      %lt3A_84 = arith.cmpi slt, %sub3A_82, %lt3A_83 : i32
      %convert_element_type3A_85 = arith.extui %lt3A_84 : i1 to i32
      %cond3A_86 = arith.constant 0 : i32
      %cond3A_87 = arith.cmpi ne, %convert_element_type3A_85, %cond3A_86 : i32
      scf.if %cond3A_87 {
        %mul3A_110 = arith.constant 64 : i32
        %mul3A_111 = arith.muli %sub3A_82, %mul3A_110 : i32
        %add3A_112 = arith.addi %mul3A_19, %mul3A_111 : i32
        %dma_start3A_113 = tpu.memref_slice %arg2[%add3A_112] : memref<327680xi32, #tpu.memory_space<hbm>> -> memref<64xi32, #tpu.memory_space<hbm>>
        %dma_start3A_114 = tpu.memref_slice %arg2[%add3A_112] : memref<327680xi32, #tpu.memory_space<hbm>> -> memref<64xi32, #tpu.memory_space<hbm>>
        tpu.enqueue_dma source(%dma_start3A_114 : memref<64xi32, #tpu.memory_space<hbm>>) target(%arg5 : memref<64xi32, #tpu.memory_space<vmem>>) target_semaphore(%arg12 : memref<!tpu.dma_semaphore, #tpu.memory_space<semaphore_mem>>)
      } else {
      }
      %mul3A_88 = arith.constant 64 : i32
      %mul3A_89 = arith.muli %add3A_78, %mul3A_88 : i32
      %add3A_90 = arith.addi %mul3A_19, %mul3A_89 : i32
      %dma_wait3A_91 = tpu.memref_slice %arg2[%add3A_90] : memref<327680xi32, #tpu.memory_space<hbm>> -> memref<64xi32, #tpu.memory_space<hbm>>
      %dma_wait3A_92 = tpu.memref_slice %arg2[%add3A_90] : memref<327680xi32, #tpu.memory_space<hbm>> -> memref<64xi32, #tpu.memory_space<hbm>>
      tpu.wait_dma2 semaphore(%arg13 : memref<!tpu.dma_semaphore, #tpu.memory_space<semaphore_mem>>) src(%dma_wait3A_92 : memref<64xi32, #tpu.memory_space<hbm>>) dst(%arg6 : memref<64xi32, #tpu.memory_space<vmem>>)
      "tpu.region"() ({
        %run_scoped3A = tpu.sem_alloc : memref<!tpu.dma_semaphore, #tpu.memory_space<semaphore_mem>>
        %dma_start3A_110 = arith.constant 0 : i32
        %dma_start3A_111 = tpu.memref_slice %arg10[%dma_start3A_110] : memref<10240xf32, #tpu.memory_space<vmem_shared>> -> memref<10240xf32, #tpu.memory_space<vmem_shared>>
        tpu.enqueue_indirect_dma source(%arg8 : memref<64xf32, #tpu.memory_space<vmem>>) target(%dma_start3A_111 : memref<10240xf32, #tpu.memory_space<vmem_shared>>) offsets(%arg6 : memref<64xi32, #tpu.memory_space<vmem>>) semaphore(%run_scoped3A : memref<!tpu.dma_semaphore, #tpu.memory_space<semaphore_mem>>) {add = true}
        %dma_wait3A_112 = arith.constant 0 : i32
        %dma_wait3A_113 = tpu.memref_slice %arg10[%dma_wait3A_112] : memref<10240xf32, #tpu.memory_space<vmem_shared>> -> memref<10240xf32, #tpu.memory_space<vmem_shared>>
        tpu.wait_indirect_dma semaphore(%run_scoped3A : memref<!tpu.dma_semaphore, #tpu.memory_space<semaphore_mem>>) src(%arg8 : memref<64xf32, #tpu.memory_space<vmem>>) dst(%dma_wait3A_113 : memref<10240xf32, #tpu.memory_space<vmem_shared>>)
        tpu.yield
      }) : () -> ()
      %add3A_93 = arith.constant 3 : i32
      %add3A_94 = arith.addi %mul3A_49, %add3A_93 : i32
      %add3A_95 = arith.constant 4 : i32
      %add3A_96 = arith.addi %add3A_94, %add3A_95 : i32
      %sub3A_97 = arith.constant 1 : i32
      %sub3A_98 = arith.subi %add3A_96, %sub3A_97 : i32
      %lt3A_99 = arith.constant 160 : i32
      %lt3A_100 = arith.cmpi slt, %sub3A_98, %lt3A_99 : i32
      %convert_element_type3A_101 = arith.extui %lt3A_100 : i1 to i32
      %cond3A_102 = arith.constant 0 : i32
      %cond3A_103 = arith.cmpi ne, %convert_element_type3A_101, %cond3A_102 : i32
      scf.if %cond3A_103 {
        %mul3A_110 = arith.constant 64 : i32
        %mul3A_111 = arith.muli %sub3A_98, %mul3A_110 : i32
        %add3A_112 = arith.addi %mul3A_19, %mul3A_111 : i32
        %dma_start3A_113 = tpu.memref_slice %arg2[%add3A_112] : memref<327680xi32, #tpu.memory_space<hbm>> -> memref<64xi32, #tpu.memory_space<hbm>>
        %dma_start3A_114 = tpu.memref_slice %arg2[%add3A_112] : memref<327680xi32, #tpu.memory_space<hbm>> -> memref<64xi32, #tpu.memory_space<hbm>>
        tpu.enqueue_dma source(%dma_start3A_114 : memref<64xi32, #tpu.memory_space<hbm>>) target(%arg6 : memref<64xi32, #tpu.memory_space<vmem>>) target_semaphore(%arg13 : memref<!tpu.dma_semaphore, #tpu.memory_space<semaphore_mem>>)
      } else {
      }
      %mul3A_104 = arith.constant 64 : i32
      %mul3A_105 = arith.muli %add3A_94, %mul3A_104 : i32
      %add3A_106 = arith.addi %mul3A_19, %mul3A_105 : i32
      %dma_wait3A_107 = tpu.memref_slice %arg2[%add3A_106] : memref<327680xi32, #tpu.memory_space<hbm>> -> memref<64xi32, #tpu.memory_space<hbm>>
      %dma_wait3A_108 = tpu.memref_slice %arg2[%add3A_106] : memref<327680xi32, #tpu.memory_space<hbm>> -> memref<64xi32, #tpu.memory_space<hbm>>
      tpu.wait_dma2 semaphore(%arg14 : memref<!tpu.dma_semaphore, #tpu.memory_space<semaphore_mem>>) src(%dma_wait3A_108 : memref<64xi32, #tpu.memory_space<hbm>>) dst(%arg7 : memref<64xi32, #tpu.memory_space<vmem>>)
      "tpu.region"() ({
        %run_scoped3A = tpu.sem_alloc : memref<!tpu.dma_semaphore, #tpu.memory_space<semaphore_mem>>
        %dma_start3A_110 = arith.constant 0 : i32
        %dma_start3A_111 = tpu.memref_slice %arg10[%dma_start3A_110] : memref<10240xf32, #tpu.memory_space<vmem_shared>> -> memref<10240xf32, #tpu.memory_space<vmem_shared>>
        tpu.enqueue_indirect_dma source(%arg8 : memref<64xf32, #tpu.memory_space<vmem>>) target(%dma_start3A_111 : memref<10240xf32, #tpu.memory_space<vmem_shared>>) offsets(%arg7 : memref<64xi32, #tpu.memory_space<vmem>>) semaphore(%run_scoped3A : memref<!tpu.dma_semaphore, #tpu.memory_space<semaphore_mem>>) {add = true}
        %dma_wait3A_112 = arith.constant 0 : i32
        %dma_wait3A_113 = tpu.memref_slice %arg10[%dma_wait3A_112] : memref<10240xf32, #tpu.memory_space<vmem_shared>> -> memref<10240xf32, #tpu.memory_space<vmem_shared>>
        tpu.wait_indirect_dma semaphore(%run_scoped3A : memref<!tpu.dma_semaphore, #tpu.memory_space<semaphore_mem>>) src(%arg8 : memref<64xf32, #tpu.memory_space<vmem>>) dst(%dma_wait3A_113 : memref<10240xf32, #tpu.memory_space<vmem_shared>>)
        tpu.yield
      }) : () -> ()
      %scan3A_109 = arith.constant 0 : i32
      scf.yield %scan3A_109 : i32
    }
    %scan3A_37 = arith.constant 40 : i32
    %barrier3A_38 = arith.constant 0 : index
    tpu.barrier barrier_id(%barrier3A_38)
    %mul3A_39 = arith.constant 640 : i32
    %mul3A_40 = arith.muli %arg1, %mul3A_39 : i32
    %mul3A_41 = arith.constant 10240 : i32
    %mul3A_42 = arith.muli %arg0, %mul3A_41 : i32
    %mul3A_43 = arith.constant 640 : i32
    %mul3A_44 = arith.muli %arg1, %mul3A_43 : i32
    %add3A_45 = arith.addi %mul3A_42, %mul3A_44 : i32
    "tpu.region"() ({
      %run_scoped3A = tpu.sem_alloc : memref<!tpu.dma_semaphore, #tpu.memory_space<semaphore_mem>>
      %dma_start3A_46 = tpu.memref_slice %arg3[%add3A_45] : memref<20480xf32, #tpu.memory_space<hbm>> -> memref<640xf32, #tpu.memory_space<hbm>>
      %dma_start3A_47 = tpu.memref_slice %arg10[%mul3A_40] : memref<10240xf32, #tpu.memory_space<vmem_shared>> -> memref<640xf32, #tpu.memory_space<vmem_shared>>
      tpu.enqueue_dma source(%dma_start3A_47 : memref<640xf32, #tpu.memory_space<vmem_shared>>) target(%dma_start3A_46 : memref<640xf32, #tpu.memory_space<hbm>>) target_semaphore(%run_scoped3A : memref<!tpu.dma_semaphore, #tpu.memory_space<semaphore_mem>>)
      %dma_wait3A = tpu.memref_slice %arg3[%add3A_45] : memref<20480xf32, #tpu.memory_space<hbm>> -> memref<640xf32, #tpu.memory_space<hbm>>
      %dma_wait3A_48 = tpu.memref_slice %arg10[%mul3A_40] : memref<10240xf32, #tpu.memory_space<vmem_shared>> -> memref<640xf32, #tpu.memory_space<vmem_shared>>
      tpu.wait_dma2 semaphore(%run_scoped3A : memref<!tpu.dma_semaphore, #tpu.memory_space<semaphore_mem>>) src(%dma_wait3A_48 : memref<640xf32, #tpu.memory_space<vmem_shared>>) dst(%dma_wait3A : memref<640xf32, #tpu.memory_space<hbm>>)
      tpu.yield
    }) : () -> ()
    return
  }
}

#map = affine_map<(d0, d1) -> (0, 0)>
#map1 = affine_map<(d0, d1) -> (0)>
#map2 = affine_map<(d0, d1) -> (0, 0, 0)>
module attributes {stable_mosaic.version = 14 : i64} {
  func.func @k(%arg0: i32, %arg1: i32, %arg2: memref<10240x64xf32, #tpu.memory_space<hbm>>, %arg3: memref<327680xi32, #tpu.memory_space<hbm>>, %arg4: memref<327680xi32, #tpu.memory_space<hbm>>, %arg5: memref<2x10240x64xf32, #tpu.memory_space<hbm>>, %arg6: memref<10240xi32, #tpu.memory_space<vmem>>, %arg7: memref<64xi32, #tpu.memory_space<vmem>>, %arg8: memref<64xi32, #tpu.memory_space<vmem>>, %arg9: memref<64xi32, #tpu.memory_space<vmem>>, %arg10: memref<64xi32, #tpu.memory_space<vmem>>, %arg11: memref<64xi32, #tpu.memory_space<vmem>>, %arg12: memref<64xi32, #tpu.memory_space<vmem>>, %arg13: memref<64xi32, #tpu.memory_space<vmem>>, %arg14: memref<64xi32, #tpu.memory_space<vmem>>, %arg15: memref<64x64xf32, #tpu.memory_space<vmem>>, %arg16: memref<64x64xf32, #tpu.memory_space<vmem>>, %arg17: memref<64x64xf32, #tpu.memory_space<vmem>>, %arg18: memref<64x64xf32, #tpu.memory_space<vmem>>, %arg19: memref<64x64xf32, #tpu.memory_space<vmem>>, %arg20: memref<64x64xf32, #tpu.memory_space<vmem>>, %arg21: memref<64x64xf32, #tpu.memory_space<vmem>>, %arg22: memref<64x64xf32, #tpu.memory_space<vmem>>, %arg23: memref<10240x64xf32, #tpu.memory_space<vmem_shared>>, %arg24: memref<!tpu.dma_semaphore, #tpu.memory_space<semaphore_mem>>, %arg25: memref<!tpu.dma_semaphore, #tpu.memory_space<semaphore_mem>>, %arg26: memref<!tpu.dma_semaphore, #tpu.memory_space<semaphore_mem>>, %arg27: memref<!tpu.dma_semaphore, #tpu.memory_space<semaphore_mem>>, %arg28: memref<!tpu.dma_semaphore, #tpu.memory_space<semaphore_mem>>, %arg29: memref<!tpu.dma_semaphore, #tpu.memory_space<semaphore_mem>>, %arg30: memref<!tpu.dma_semaphore, #tpu.memory_space<semaphore_mem>>, %arg31: memref<!tpu.dma_semaphore, #tpu.memory_space<semaphore_mem>>, %arg32: memref<!tpu.dma_semaphore, #tpu.memory_space<semaphore_mem>>, %arg33: memref<!tpu.dma_semaphore, #tpu.memory_space<semaphore_mem>>, %arg34: memref<!tpu.dma_semaphore, #tpu.memory_space<semaphore_mem>>, %arg35: memref<!tpu.dma_semaphore, #tpu.memory_space<semaphore_mem>>, %arg36: memref<!tpu.dma_semaphore, #tpu.memory_space<semaphore_mem>>, %arg37: memref<!tpu.dma_semaphore, #tpu.memory_space<semaphore_mem>>, %arg38: memref<!tpu.dma_semaphore, #tpu.memory_space<semaphore_mem>>, %arg39: memref<!tpu.dma_semaphore, #tpu.memory_space<semaphore_mem>>) attributes {dimension_semantics = [#tpu.dimension_semantics<core_parallel>, #tpu.dimension_semantics<subcore_parallel>], iteration_bounds = array<i64: 2, 16>, scalar_prefetch = 0 : i64, scratch_operands = 34 : i64, tpu.core_type = #tpu.core_type<sc_vector_subcore>, window_params = [{transform_indices = #map}, {transform_indices = #map1}, {transform_indices = #map1}, {transform_indices = #map2}]} {
    %scan3A = arith.constant 0 : i32
    %scan3A_0 = arith.constant 0 : i32
    %scan3A_1 = arith.constant 64 : i32
    %scan3A_2 = arith.addi %scan3A_0, %scan3A_1 : i32
    %scan3A_3 = arith.constant 1 : i32
    %scan3A_4 = scf.for %scan3A_92 = %scan3A_0 to %scan3A_2 step %scan3A_3 iter_args(%scan3A_93 = %scan3A) -> (i32)  : i32 {
      %scan3A_94 = arith.constant 0 : i32
      %scan3A_95 = arith.constant 0 : i32
      %scan3A_96 = arith.constant 4 : i32
      %scan3A_97 = arith.addi %scan3A_95, %scan3A_96 : i32
      %scan3A_98 = arith.constant 1 : i32
      %scan3A_99 = scf.for %scan3A_102 = %scan3A_95 to %scan3A_97 step %scan3A_98 iter_args(%scan3A_103 = %scan3A_94) -> (i32)  : i32 {
        %broadcast_in_dim3A = arith.constant 0.000000e+00 : f32
        %broadcast_in_dim3A_104 = vector.broadcast %broadcast_in_dim3A : f32 to vector<16xf32>
        %mul3A_105 = arith.constant 16 : i32
        %mul3A_106 = arith.muli %scan3A_102, %mul3A_105 : i32
        %swap3A = arith.index_cast %scan3A_92 : i32 to index
        %swap3A_107 = arith.index_cast %mul3A_106 : i32 to index
        %swap3A_108 = tpu.vector_load %arg15[%swap3A, %swap3A_107] {strides = array<i32>} : memref<64x64xf32, #tpu.memory_space<vmem>>, vector<1x16xf32>,
        %swap3A_109 = vector.shape_cast %swap3A_108 : vector<1x16xf32> to vector<16xf32>
        %swap3A_110 = vector.shape_cast %broadcast_in_dim3A_104 : vector<16xf32> to vector<1x16xf32>
        tpu.vector_store %arg15[%swap3A, %swap3A_107], %swap3A_110 {strides = array<i32>} : memref<64x64xf32, #tpu.memory_space<vmem>>, vector<1x16xf32>,
        %scan3A_111 = arith.constant 0 : i32
        scf.yield %scan3A_111 : i32
      }
      %scan3A_100 = arith.constant 4 : i32
      %scan3A_101 = arith.constant 0 : i32
      scf.yield %scan3A_101 : i32
    }
    %scan3A_5 = arith.constant 64 : i32
    %scan3A_6 = arith.constant 0 : i32
    %scan3A_7 = arith.constant 0 : i32
    %scan3A_8 = arith.constant 10 : i32
    %scan3A_9 = arith.addi %scan3A_7, %scan3A_8 : i32
    %scan3A_10 = arith.constant 1 : i32
    %scan3A_11 = scf.for %scan3A_92 = %scan3A_7 to %scan3A_9 step %scan3A_10 iter_args(%scan3A_93 = %scan3A_6) -> (i32)  : i32 {
      %mul3A_94 = arith.constant 640 : i32
      %mul3A_95 = arith.muli %arg1, %mul3A_94 : i32
      %mul3A_96 = arith.constant 64 : i32
      %mul3A_97 = arith.muli %scan3A_92, %mul3A_96 : i32
      %add3A_98 = arith.addi %mul3A_95, %mul3A_97 : i32
      "tpu.region"() ({
        %run_scoped3A = tpu.sem_alloc : memref<!tpu.dma_semaphore, #tpu.memory_space<semaphore_mem>>
        %dma_start3A_100 = arith.constant 0 : i32
        %dma_start3A_101 = tpu.memref_slice %arg23[%add3A_98, %dma_start3A_100] : memref<10240x64xf32, #tpu.memory_space<vmem_shared>> -> memref<64x64xf32, #tpu.memory_space<vmem_shared>>
        %dma_start3A_102 = arith.constant 0 : i32
        %dma_start3A_103 = tpu.memref_slice %arg23[%add3A_98, %dma_start3A_102] : memref<10240x64xf32, #tpu.memory_space<vmem_shared>> -> memref<64x64xf32, #tpu.memory_space<vmem_shared>>
        tpu.enqueue_dma source(%arg15 : memref<64x64xf32, #tpu.memory_space<vmem>>) target(%dma_start3A_103 : memref<64x64xf32, #tpu.memory_space<vmem_shared>>) target_semaphore(%run_scoped3A : memref<!tpu.dma_semaphore, #tpu.memory_space<semaphore_mem>>)
        %dma_wait3A = arith.constant 0 : i32
        %dma_wait3A_104 = tpu.memref_slice %arg23[%add3A_98, %dma_wait3A] : memref<10240x64xf32, #tpu.memory_space<vmem_shared>> -> memref<64x64xf32, #tpu.memory_space<vmem_shared>>
        %dma_wait3A_105 = arith.constant 0 : i32
        %dma_wait3A_106 = tpu.memref_slice %arg23[%add3A_98, %dma_wait3A_105] : memref<10240x64xf32, #tpu.memory_space<vmem_shared>> -> memref<64x64xf32, #tpu.memory_space<vmem_shared>>
        tpu.wait_dma2 semaphore(%run_scoped3A : memref<!tpu.dma_semaphore, #tpu.memory_space<semaphore_mem>>) src(%arg15 : memref<64x64xf32, #tpu.memory_space<vmem>>) dst(%dma_wait3A_106 : memref<64x64xf32, #tpu.memory_space<vmem_shared>>)
        tpu.yield
      }) : () -> ()
      %scan3A_99 = arith.constant 0 : i32
      scf.yield %scan3A_99 : i32
    }
    %scan3A_12 = arith.constant 10 : i32
    %barrier3A = arith.constant 0 : index
    tpu.barrier barrier_id(%barrier3A)
    %mul3A = arith.constant 16 : i32
    %mul3A_13 = arith.muli %arg0, %mul3A : i32
    %add3A = arith.addi %mul3A_13, %arg1 : i32
    %mul3A_14 = arith.constant 160 : i32
    %mul3A_15 = arith.muli %add3A, %mul3A_14 : i32
    %mul3A_16 = arith.constant 64 : i32
    %mul3A_17 = arith.muli %mul3A_15, %mul3A_16 : i32
    "tpu.region"() ({
      %run_scoped3A = tpu.sem_alloc : memref<!tpu.dma_semaphore, #tpu.memory_space<semaphore_mem>>
      %dma_start3A_92 = tpu.memref_slice %arg3[%mul3A_17] : memref<327680xi32, #tpu.memory_space<hbm>> -> memref<10240xi32, #tpu.memory_space<hbm>>
      %dma_start3A_93 = tpu.memref_slice %arg3[%mul3A_17] : memref<327680xi32, #tpu.memory_space<hbm>> -> memref<10240xi32, #tpu.memory_space<hbm>>
      tpu.enqueue_dma source(%dma_start3A_93 : memref<10240xi32, #tpu.memory_space<hbm>>) target(%arg6 : memref<10240xi32, #tpu.memory_space<vmem>>) target_semaphore(%run_scoped3A : memref<!tpu.dma_semaphore, #tpu.memory_space<semaphore_mem>>)
      %dma_wait3A = tpu.memref_slice %arg3[%mul3A_17] : memref<327680xi32, #tpu.memory_space<hbm>> -> memref<10240xi32, #tpu.memory_space<hbm>>
      %dma_wait3A_94 = tpu.memref_slice %arg3[%mul3A_17] : memref<327680xi32, #tpu.memory_space<hbm>> -> memref<10240xi32, #tpu.memory_space<hbm>>
      tpu.wait_dma2 semaphore(%run_scoped3A : memref<!tpu.dma_semaphore, #tpu.memory_space<semaphore_mem>>) src(%dma_wait3A_94 : memref<10240xi32, #tpu.memory_space<hbm>>) dst(%arg6 : memref<10240xi32, #tpu.memory_space<vmem>>)
      tpu.yield
    }) : () -> ()
    %add3A_18 = arith.constant 0 : i32
    %add3A_19 = arith.addi %mul3A_17, %add3A_18 : i32
    %dma_start3A = tpu.memref_slice %arg4[%add3A_19] : memref<327680xi32, #tpu.memory_space<hbm>> -> memref<64xi32, #tpu.memory_space<hbm>>
    %dma_start3A_20 = tpu.memref_slice %arg4[%add3A_19] : memref<327680xi32, #tpu.memory_space<hbm>> -> memref<64xi32, #tpu.memory_space<hbm>>
    tpu.enqueue_dma source(%dma_start3A_20 : memref<64xi32, #tpu.memory_space<hbm>>) target(%arg7 : memref<64xi32, #tpu.memory_space<vmem>>) target_semaphore(%arg32 : memref<!tpu.dma_semaphore, #tpu.memory_space<semaphore_mem>>)
    %dma_start3A_21 = arith.constant 0 : i32
    %dma_start3A_22 = tpu.memref_slice %arg6[%dma_start3A_21] : memref<10240xi32, #tpu.memory_space<vmem>> -> memref<64xi32, #tpu.memory_space<vmem>>
    %dma_start3A_23 = arith.constant 0 : i32
    %dma_start3A_24 = arith.constant 0 : i32
    %dma_start3A_25 = tpu.memref_slice %arg2[%dma_start3A_23, %dma_start3A_24] : memref<10240x64xf32, #tpu.memory_space<hbm>> -> memref<10240x64xf32, #tpu.memory_space<hbm>>
    tpu.enqueue_indirect_dma source(%dma_start3A_25 : memref<10240x64xf32, #tpu.memory_space<hbm>>) target(%arg15 : memref<64x64xf32, #tpu.memory_space<vmem>>) offsets(%dma_start3A_22 : memref<64xi32, #tpu.memory_space<vmem>>) semaphore(%arg24 : memref<!tpu.dma_semaphore, #tpu.memory_space<semaphore_mem>>)
    %add3A_26 = arith.constant 64 : i32
    %add3A_27 = arith.addi %mul3A_17, %add3A_26 : i32
    %dma_start3A_28 = tpu.memref_slice %arg4[%add3A_27] : memref<327680xi32, #tpu.memory_space<hbm>> -> memref<64xi32, #tpu.memory_space<hbm>>
    %dma_start3A_29 = tpu.memref_slice %arg4[%add3A_27] : memref<327680xi32, #tpu.memory_space<hbm>> -> memref<64xi32, #tpu.memory_space<hbm>>
    tpu.enqueue_dma source(%dma_start3A_29 : memref<64xi32, #tpu.memory_space<hbm>>) target(%arg8 : memref<64xi32, #tpu.memory_space<vmem>>) target_semaphore(%arg33 : memref<!tpu.dma_semaphore, #tpu.memory_space<semaphore_mem>>)
    %dma_start3A_30 = arith.constant 64 : i32
    %dma_start3A_31 = tpu.memref_slice %arg6[%dma_start3A_30] : memref<10240xi32, #tpu.memory_space<vmem>> -> memref<64xi32, #tpu.memory_space<vmem>>
    %dma_start3A_32 = arith.constant 0 : i32
    %dma_start3A_33 = arith.constant 0 : i32
    %dma_start3A_34 = tpu.memref_slice %arg2[%dma_start3A_32, %dma_start3A_33] : memref<10240x64xf32, #tpu.memory_space<hbm>> -> memref<10240x64xf32, #tpu.memory_space<hbm>>
    tpu.enqueue_indirect_dma source(%dma_start3A_34 : memref<10240x64xf32, #tpu.memory_space<hbm>>) target(%arg16 : memref<64x64xf32, #tpu.memory_space<vmem>>) offsets(%dma_start3A_31 : memref<64xi32, #tpu.memory_space<vmem>>) semaphore(%arg25 : memref<!tpu.dma_semaphore, #tpu.memory_space<semaphore_mem>>)
    %add3A_35 = arith.constant 128 : i32
    %add3A_36 = arith.addi %mul3A_17, %add3A_35 : i32
    %dma_start3A_37 = tpu.memref_slice %arg4[%add3A_36] : memref<327680xi32, #tpu.memory_space<hbm>> -> memref<64xi32, #tpu.memory_space<hbm>>
    %dma_start3A_38 = tpu.memref_slice %arg4[%add3A_36] : memref<327680xi32, #tpu.memory_space<hbm>> -> memref<64xi32, #tpu.memory_space<hbm>>
    tpu.enqueue_dma source(%dma_start3A_38 : memref<64xi32, #tpu.memory_space<hbm>>) target(%arg9 : memref<64xi32, #tpu.memory_space<vmem>>) target_semaphore(%arg34 : memref<!tpu.dma_semaphore, #tpu.memory_space<semaphore_mem>>)
    %dma_start3A_39 = arith.constant 128 : i32
    %dma_start3A_40 = tpu.memref_slice %arg6[%dma_start3A_39] : memref<10240xi32, #tpu.memory_space<vmem>> -> memref<64xi32, #tpu.memory_space<vmem>>
    %dma_start3A_41 = arith.constant 0 : i32
    %dma_start3A_42 = arith.constant 0 : i32
    %dma_start3A_43 = tpu.memref_slice %arg2[%dma_start3A_41, %dma_start3A_42] : memref<10240x64xf32, #tpu.memory_space<hbm>> -> memref<10240x64xf32, #tpu.memory_space<hbm>>
    tpu.enqueue_indirect_dma source(%dma_start3A_43 : memref<10240x64xf32, #tpu.memory_space<hbm>>) target(%arg17 : memref<64x64xf32, #tpu.memory_space<vmem>>) offsets(%dma_start3A_40 : memref<64xi32, #tpu.memory_space<vmem>>) semaphore(%arg26 : memref<!tpu.dma_semaphore, #tpu.memory_space<semaphore_mem>>)
    %add3A_44 = arith.constant 192 : i32
    %add3A_45 = arith.addi %mul3A_17, %add3A_44 : i32
    %dma_start3A_46 = tpu.memref_slice %arg4[%add3A_45] : memref<327680xi32, #tpu.memory_space<hbm>> -> memref<64xi32, #tpu.memory_space<hbm>>
    %dma_start3A_47 = tpu.memref_slice %arg4[%add3A_45] : memref<327680xi32, #tpu.memory_space<hbm>> -> memref<64xi32, #tpu.memory_space<hbm>>
    tpu.enqueue_dma source(%dma_start3A_47 : memref<64xi32, #tpu.memory_space<hbm>>) target(%arg10 : memref<64xi32, #tpu.memory_space<vmem>>) target_semaphore(%arg35 : memref<!tpu.dma_semaphore, #tpu.memory_space<semaphore_mem>>)
    %dma_start3A_48 = arith.constant 192 : i32
    %dma_start3A_49 = tpu.memref_slice %arg6[%dma_start3A_48] : memref<10240xi32, #tpu.memory_space<vmem>> -> memref<64xi32, #tpu.memory_space<vmem>>
    %dma_start3A_50 = arith.constant 0 : i32
    %dma_start3A_51 = arith.constant 0 : i32
    %dma_start3A_52 = tpu.memref_slice %arg2[%dma_start3A_50, %dma_start3A_51] : memref<10240x64xf32, #tpu.memory_space<hbm>> -> memref<10240x64xf32, #tpu.memory_space<hbm>>
    tpu.enqueue_indirect_dma source(%dma_start3A_52 : memref<10240x64xf32, #tpu.memory_space<hbm>>) target(%arg18 : memref<64x64xf32, #tpu.memory_space<vmem>>) offsets(%dma_start3A_49 : memref<64xi32, #tpu.memory_space<vmem>>) semaphore(%arg27 : memref<!tpu.dma_semaphore, #tpu.memory_space<semaphore_mem>>)
    %add3A_53 = arith.constant 256 : i32
    %add3A_54 = arith.addi %mul3A_17, %add3A_53 : i32
    %dma_start3A_55 = tpu.memref_slice %arg4[%add3A_54] : memref<327680xi32, #tpu.memory_space<hbm>> -> memref<64xi32, #tpu.memory_space<hbm>>
    %dma_start3A_56 = tpu.memref_slice %arg4[%add3A_54] : memref<327680xi32, #tpu.memory_space<hbm>> -> memref<64xi32, #tpu.memory_space<hbm>>
    tpu.enqueue_dma source(%dma_start3A_56 : memref<64xi32, #tpu.memory_space<hbm>>) target(%arg11 : memref<64xi32, #tpu.memory_space<vmem>>) target_semaphore(%arg36 : memref<!tpu.dma_semaphore, #tpu.memory_space<semaphore_mem>>)
    %dma_start3A_57 = arith.constant 256 : i32
    %dma_start3A_58 = tpu.memref_slice %arg6[%dma_start3A_57] : memref<10240xi32, #tpu.memory_space<vmem>> -> memref<64xi32, #tpu.memory_space<vmem>>
    %dma_start3A_59 = arith.constant 0 : i32
    %dma_start3A_60 = arith.constant 0 : i32
    %dma_start3A_61 = tpu.memref_slice %arg2[%dma_start3A_59, %dma_start3A_60] : memref<10240x64xf32, #tpu.memory_space<hbm>> -> memref<10240x64xf32, #tpu.memory_space<hbm>>
    tpu.enqueue_indirect_dma source(%dma_start3A_61 : memref<10240x64xf32, #tpu.memory_space<hbm>>) target(%arg19 : memref<64x64xf32, #tpu.memory_space<vmem>>) offsets(%dma_start3A_58 : memref<64xi32, #tpu.memory_space<vmem>>) semaphore(%arg28 : memref<!tpu.dma_semaphore, #tpu.memory_space<semaphore_mem>>)
    %add3A_62 = arith.constant 320 : i32
    %add3A_63 = arith.addi %mul3A_17, %add3A_62 : i32
    %dma_start3A_64 = tpu.memref_slice %arg4[%add3A_63] : memref<327680xi32, #tpu.memory_space<hbm>> -> memref<64xi32, #tpu.memory_space<hbm>>
    %dma_start3A_65 = tpu.memref_slice %arg4[%add3A_63] : memref<327680xi32, #tpu.memory_space<hbm>> -> memref<64xi32, #tpu.memory_space<hbm>>
    tpu.enqueue_dma source(%dma_start3A_65 : memref<64xi32, #tpu.memory_space<hbm>>) target(%arg12 : memref<64xi32, #tpu.memory_space<vmem>>) target_semaphore(%arg37 : memref<!tpu.dma_semaphore, #tpu.memory_space<semaphore_mem>>)
    %dma_start3A_66 = arith.constant 320 : i32
    %dma_start3A_67 = tpu.memref_slice %arg6[%dma_start3A_66] : memref<10240xi32, #tpu.memory_space<vmem>> -> memref<64xi32, #tpu.memory_space<vmem>>
    %dma_start3A_68 = arith.constant 0 : i32
    %dma_start3A_69 = arith.constant 0 : i32
    %dma_start3A_70 = tpu.memref_slice %arg2[%dma_start3A_68, %dma_start3A_69] : memref<10240x64xf32, #tpu.memory_space<hbm>> -> memref<10240x64xf32, #tpu.memory_space<hbm>>
    tpu.enqueue_indirect_dma source(%dma_start3A_70 : memref<10240x64xf32, #tpu.memory_space<hbm>>) target(%arg20 : memref<64x64xf32, #tpu.memory_space<vmem>>) offsets(%dma_start3A_67 : memref<64xi32, #tpu.memory_space<vmem>>) semaphore(%arg29 : memref<!tpu.dma_semaphore, #tpu.memory_space<semaphore_mem>>)
    %add3A_71 = arith.constant 384 : i32
    %add3A_72 = arith.addi %mul3A_17, %add3A_71 : i32
    %dma_start3A_73 = tpu.memref_slice %arg4[%add3A_72] : memref<327680xi32, #tpu.memory_space<hbm>> -> memref<64xi32, #tpu.memory_space<hbm>>
    %dma_start3A_74 = tpu.memref_slice %arg4[%add3A_72] : memref<327680xi32, #tpu.memory_space<hbm>> -> memref<64xi32, #tpu.memory_space<hbm>>
    tpu.enqueue_dma source(%dma_start3A_74 : memref<64xi32, #tpu.memory_space<hbm>>) target(%arg13 : memref<64xi32, #tpu.memory_space<vmem>>) target_semaphore(%arg38 : memref<!tpu.dma_semaphore, #tpu.memory_space<semaphore_mem>>)
    %dma_start3A_75 = arith.constant 384 : i32
    %dma_start3A_76 = tpu.memref_slice %arg6[%dma_start3A_75] : memref<10240xi32, #tpu.memory_space<vmem>> -> memref<64xi32, #tpu.memory_space<vmem>>
    %dma_start3A_77 = arith.constant 0 : i32
    %dma_start3A_78 = arith.constant 0 : i32
    %dma_start3A_79 = tpu.memref_slice %arg2[%dma_start3A_77, %dma_start3A_78] : memref<10240x64xf32, #tpu.memory_space<hbm>> -> memref<10240x64xf32, #tpu.memory_space<hbm>>
    tpu.enqueue_indirect_dma source(%dma_start3A_79 : memref<10240x64xf32, #tpu.memory_space<hbm>>) target(%arg21 : memref<64x64xf32, #tpu.memory_space<vmem>>) offsets(%dma_start3A_76 : memref<64xi32, #tpu.memory_space<vmem>>) semaphore(%arg30 : memref<!tpu.dma_semaphore, #tpu.memory_space<semaphore_mem>>)
    %scan3A_80 = arith.constant 0 : i32
    %scan3A_81 = arith.constant 0 : i32
    %scan3A_82 = arith.constant 20 : i32
    %scan3A_83 = arith.addi %scan3A_81, %scan3A_82 : i32
    %scan3A_84 = arith.constant 1 : i32
    %scan3A_85 = scf.for %scan3A_92 = %scan3A_81 to %scan3A_83 step %scan3A_84 iter_args(%scan3A_93 = %scan3A_80) -> (i32)  : i32 {
      %mul3A_94 = arith.constant 8 : i32
      %mul3A_95 = arith.muli %mul3A_94, %scan3A_92 : i32
      %add3A_96 = arith.constant 0 : i32
      %add3A_97 = arith.addi %mul3A_95, %add3A_96 : i32
      %add3A_98 = arith.constant 8 : i32
      %add3A_99 = arith.addi %add3A_97, %add3A_98 : i32
      %sub3A = arith.constant 1 : i32
      %sub3A_100 = arith.subi %add3A_99, %sub3A : i32
      %lt3A = arith.constant 160 : i32
      %lt3A_101 = arith.cmpi slt, %sub3A_100, %lt3A : i32
      %convert_element_type3A = arith.extui %lt3A_101 : i1 to i32
      %cond3A = arith.constant 0 : i32
      %cond3A_102 = arith.cmpi ne, %convert_element_type3A, %cond3A : i32
      scf.if %cond3A_102 {
        %mul3A_268 = arith.constant 64 : i32
        %mul3A_269 = arith.muli %sub3A_100, %mul3A_268 : i32
        %add3A_270 = arith.addi %mul3A_17, %mul3A_269 : i32
        %dma_start3A_271 = tpu.memref_slice %arg4[%add3A_270] : memref<327680xi32, #tpu.memory_space<hbm>> -> memref<64xi32, #tpu.memory_space<hbm>>
        %dma_start3A_272 = tpu.memref_slice %arg4[%add3A_270] : memref<327680xi32, #tpu.memory_space<hbm>> -> memref<64xi32, #tpu.memory_space<hbm>>
        tpu.enqueue_dma source(%dma_start3A_272 : memref<64xi32, #tpu.memory_space<hbm>>) target(%arg14 : memref<64xi32, #tpu.memory_space<vmem>>) target_semaphore(%arg39 : memref<!tpu.dma_semaphore, #tpu.memory_space<semaphore_mem>>)
        %mul3A_273 = arith.constant 64 : i32
        %mul3A_274 = arith.muli %sub3A_100, %mul3A_273 : i32
        %dma_start3A_275 = tpu.memref_slice %arg6[%mul3A_274] : memref<10240xi32, #tpu.memory_space<vmem>> -> memref<64xi32, #tpu.memory_space<vmem>>
        %dma_start3A_276 = arith.constant 0 : i32
        %dma_start3A_277 = arith.constant 0 : i32
        %dma_start3A_278 = tpu.memref_slice %arg2[%dma_start3A_276, %dma_start3A_277] : memref<10240x64xf32, #tpu.memory_space<hbm>> -> memref<10240x64xf32, #tpu.memory_space<hbm>>
        tpu.enqueue_indirect_dma source(%dma_start3A_278 : memref<10240x64xf32, #tpu.memory_space<hbm>>) target(%arg22 : memref<64x64xf32, #tpu.memory_space<vmem>>) offsets(%dma_start3A_275 : memref<64xi32, #tpu.memory_space<vmem>>) semaphore(%arg31 : memref<!tpu.dma_semaphore, #tpu.memory_space<semaphore_mem>>)
      } else {
      }
      %mul3A_103 = arith.constant 64 : i32
      %mul3A_104 = arith.muli %add3A_97, %mul3A_103 : i32
      %add3A_105 = arith.addi %mul3A_17, %mul3A_104 : i32
      %dma_wait3A = tpu.memref_slice %arg4[%add3A_105] : memref<327680xi32, #tpu.memory_space<hbm>> -> memref<64xi32, #tpu.memory_space<hbm>>
      %dma_wait3A_106 = tpu.memref_slice %arg4[%add3A_105] : memref<327680xi32, #tpu.memory_space<hbm>> -> memref<64xi32, #tpu.memory_space<hbm>>
      tpu.wait_dma2 semaphore(%arg32 : memref<!tpu.dma_semaphore, #tpu.memory_space<semaphore_mem>>) src(%dma_wait3A_106 : memref<64xi32, #tpu.memory_space<hbm>>) dst(%arg7 : memref<64xi32, #tpu.memory_space<vmem>>)
      %mul3A_107 = arith.constant 64 : i32
      %mul3A_108 = arith.muli %add3A_97, %mul3A_107 : i32
      %dma_wait3A_109 = tpu.memref_slice %arg6[%mul3A_108] : memref<10240xi32, #tpu.memory_space<vmem>> -> memref<64xi32, #tpu.memory_space<vmem>>
      %dma_wait3A_110 = arith.constant 0 : i32
      %dma_wait3A_111 = arith.constant 0 : i32
      %dma_wait3A_112 = tpu.memref_slice %arg2[%dma_wait3A_110, %dma_wait3A_111] : memref<10240x64xf32, #tpu.memory_space<hbm>> -> memref<10240x64xf32, #tpu.memory_space<hbm>>
      tpu.wait_indirect_dma semaphore(%arg24 : memref<!tpu.dma_semaphore, #tpu.memory_space<semaphore_mem>>) src(%dma_wait3A_112 : memref<10240x64xf32, #tpu.memory_space<hbm>>) dst(%arg15 : memref<64x64xf32, #tpu.memory_space<vmem>>)
      "tpu.region"() ({
        %run_scoped3A = tpu.sem_alloc : memref<!tpu.dma_semaphore, #tpu.memory_space<semaphore_mem>>
        %dma_start3A_268 = arith.constant 0 : i32
        %dma_start3A_269 = arith.constant 0 : i32
        %dma_start3A_270 = tpu.memref_slice %arg23[%dma_start3A_268, %dma_start3A_269] : memref<10240x64xf32, #tpu.memory_space<vmem_shared>> -> memref<10240x64xf32, #tpu.memory_space<vmem_shared>>
        tpu.enqueue_indirect_dma source(%arg15 : memref<64x64xf32, #tpu.memory_space<vmem>>) target(%dma_start3A_270 : memref<10240x64xf32, #tpu.memory_space<vmem_shared>>) offsets(%arg7 : memref<64xi32, #tpu.memory_space<vmem>>) semaphore(%run_scoped3A : memref<!tpu.dma_semaphore, #tpu.memory_space<semaphore_mem>>) {add = true}
        %dma_wait3A_271 = arith.constant 0 : i32
        %dma_wait3A_272 = arith.constant 0 : i32
        %dma_wait3A_273 = tpu.memref_slice %arg23[%dma_wait3A_271, %dma_wait3A_272] : memref<10240x64xf32, #tpu.memory_space<vmem_shared>> -> memref<10240x64xf32, #tpu.memory_space<vmem_shared>>
        tpu.wait_indirect_dma semaphore(%run_scoped3A : memref<!tpu.dma_semaphore, #tpu.memory_space<semaphore_mem>>) src(%arg15 : memref<64x64xf32, #tpu.memory_space<vmem>>) dst(%dma_wait3A_273 : memref<10240x64xf32, #tpu.memory_space<vmem_shared>>)
        tpu.yield
      }) : () -> ()
      %add3A_113 = arith.constant 1 : i32
      %add3A_114 = arith.addi %mul3A_95, %add3A_113 : i32
      %add3A_115 = arith.constant 8 : i32
      %add3A_116 = arith.addi %add3A_114, %add3A_115 : i32
      %sub3A_117 = arith.constant 1 : i32
      %sub3A_118 = arith.subi %add3A_116, %sub3A_117 : i32
      %lt3A_119 = arith.constant 160 : i32
      %lt3A_120 = arith.cmpi slt, %sub3A_118, %lt3A_119 : i32
      %convert_element_type3A_121 = arith.extui %lt3A_120 : i1 to i32
      %cond3A_122 = arith.constant 0 : i32
      %cond3A_123 = arith.cmpi ne, %convert_element_type3A_121, %cond3A_122 : i32
      scf.if %cond3A_123 {
        %mul3A_268 = arith.constant 64 : i32
        %mul3A_269 = arith.muli %sub3A_118, %mul3A_268 : i32
        %add3A_270 = arith.addi %mul3A_17, %mul3A_269 : i32
        %dma_start3A_271 = tpu.memref_slice %arg4[%add3A_270] : memref<327680xi32, #tpu.memory_space<hbm>> -> memref<64xi32, #tpu.memory_space<hbm>>
        %dma_start3A_272 = tpu.memref_slice %arg4[%add3A_270] : memref<327680xi32, #tpu.memory_space<hbm>> -> memref<64xi32, #tpu.memory_space<hbm>>
        tpu.enqueue_dma source(%dma_start3A_272 : memref<64xi32, #tpu.memory_space<hbm>>) target(%arg7 : memref<64xi32, #tpu.memory_space<vmem>>) target_semaphore(%arg32 : memref<!tpu.dma_semaphore, #tpu.memory_space<semaphore_mem>>)
        %mul3A_273 = arith.constant 64 : i32
        %mul3A_274 = arith.muli %sub3A_118, %mul3A_273 : i32
        %dma_start3A_275 = tpu.memref_slice %arg6[%mul3A_274] : memref<10240xi32, #tpu.memory_space<vmem>> -> memref<64xi32, #tpu.memory_space<vmem>>
        %dma_start3A_276 = arith.constant 0 : i32
        %dma_start3A_277 = arith.constant 0 : i32
        %dma_start3A_278 = tpu.memref_slice %arg2[%dma_start3A_276, %dma_start3A_277] : memref<10240x64xf32, #tpu.memory_space<hbm>> -> memref<10240x64xf32, #tpu.memory_space<hbm>>
        tpu.enqueue_indirect_dma source(%dma_start3A_278 : memref<10240x64xf32, #tpu.memory_space<hbm>>) target(%arg15 : memref<64x64xf32, #tpu.memory_space<vmem>>) offsets(%dma_start3A_275 : memref<64xi32, #tpu.memory_space<vmem>>) semaphore(%arg24 : memref<!tpu.dma_semaphore, #tpu.memory_space<semaphore_mem>>)
      } else {
      }
      %mul3A_124 = arith.constant 64 : i32
      %mul3A_125 = arith.muli %add3A_114, %mul3A_124 : i32
      %add3A_126 = arith.addi %mul3A_17, %mul3A_125 : i32
      %dma_wait3A_127 = tpu.memref_slice %arg4[%add3A_126] : memref<327680xi32, #tpu.memory_space<hbm>> -> memref<64xi32, #tpu.memory_space<hbm>>
      %dma_wait3A_128 = tpu.memref_slice %arg4[%add3A_126] : memref<327680xi32, #tpu.memory_space<hbm>> -> memref<64xi32, #tpu.memory_space<hbm>>
      tpu.wait_dma2 semaphore(%arg33 : memref<!tpu.dma_semaphore, #tpu.memory_space<semaphore_mem>>) src(%dma_wait3A_128 : memref<64xi32, #tpu.memory_space<hbm>>) dst(%arg8 : memref<64xi32, #tpu.memory_space<vmem>>)
      %mul3A_129 = arith.constant 64 : i32
      %mul3A_130 = arith.muli %add3A_114, %mul3A_129 : i32
      %dma_wait3A_131 = tpu.memref_slice %arg6[%mul3A_130] : memref<10240xi32, #tpu.memory_space<vmem>> -> memref<64xi32, #tpu.memory_space<vmem>>
      %dma_wait3A_132 = arith.constant 0 : i32
      %dma_wait3A_133 = arith.constant 0 : i32
      %dma_wait3A_134 = tpu.memref_slice %arg2[%dma_wait3A_132, %dma_wait3A_133] : memref<10240x64xf32, #tpu.memory_space<hbm>> -> memref<10240x64xf32, #tpu.memory_space<hbm>>
      tpu.wait_indirect_dma semaphore(%arg25 : memref<!tpu.dma_semaphore, #tpu.memory_space<semaphore_mem>>) src(%dma_wait3A_134 : memref<10240x64xf32, #tpu.memory_space<hbm>>) dst(%arg16 : memref<64x64xf32, #tpu.memory_space<vmem>>)
      "tpu.region"() ({
        %run_scoped3A = tpu.sem_alloc : memref<!tpu.dma_semaphore, #tpu.memory_space<semaphore_mem>>
        %dma_start3A_268 = arith.constant 0 : i32
        %dma_start3A_269 = arith.constant 0 : i32
        %dma_start3A_270 = tpu.memref_slice %arg23[%dma_start3A_268, %dma_start3A_269] : memref<10240x64xf32, #tpu.memory_space<vmem_shared>> -> memref<10240x64xf32, #tpu.memory_space<vmem_shared>>
        tpu.enqueue_indirect_dma source(%arg16 : memref<64x64xf32, #tpu.memory_space<vmem>>) target(%dma_start3A_270 : memref<10240x64xf32, #tpu.memory_space<vmem_shared>>) offsets(%arg8 : memref<64xi32, #tpu.memory_space<vmem>>) semaphore(%run_scoped3A : memref<!tpu.dma_semaphore, #tpu.memory_space<semaphore_mem>>) {add = true}
        %dma_wait3A_271 = arith.constant 0 : i32
        %dma_wait3A_272 = arith.constant 0 : i32
        %dma_wait3A_273 = tpu.memref_slice %arg23[%dma_wait3A_271, %dma_wait3A_272] : memref<10240x64xf32, #tpu.memory_space<vmem_shared>> -> memref<10240x64xf32, #tpu.memory_space<vmem_shared>>
        tpu.wait_indirect_dma semaphore(%run_scoped3A : memref<!tpu.dma_semaphore, #tpu.memory_space<semaphore_mem>>) src(%arg16 : memref<64x64xf32, #tpu.memory_space<vmem>>) dst(%dma_wait3A_273 : memref<10240x64xf32, #tpu.memory_space<vmem_shared>>)
        tpu.yield
      }) : () -> ()
      %add3A_135 = arith.constant 2 : i32
      %add3A_136 = arith.addi %mul3A_95, %add3A_135 : i32
      %add3A_137 = arith.constant 8 : i32
      %add3A_138 = arith.addi %add3A_136, %add3A_137 : i32
      %sub3A_139 = arith.constant 1 : i32
      %sub3A_140 = arith.subi %add3A_138, %sub3A_139 : i32
      %lt3A_141 = arith.constant 160 : i32
      %lt3A_142 = arith.cmpi slt, %sub3A_140, %lt3A_141 : i32
      %convert_element_type3A_143 = arith.extui %lt3A_142 : i1 to i32
      %cond3A_144 = arith.constant 0 : i32
      %cond3A_145 = arith.cmpi ne, %convert_element_type3A_143, %cond3A_144 : i32
      scf.if %cond3A_145 {
        %mul3A_268 = arith.constant 64 : i32
        %mul3A_269 = arith.muli %sub3A_140, %mul3A_268 : i32
        %add3A_270 = arith.addi %mul3A_17, %mul3A_269 : i32
        %dma_start3A_271 = tpu.memref_slice %arg4[%add3A_270] : memref<327680xi32, #tpu.memory_space<hbm>> -> memref<64xi32, #tpu.memory_space<hbm>>
        %dma_start3A_272 = tpu.memref_slice %arg4[%add3A_270] : memref<327680xi32, #tpu.memory_space<hbm>> -> memref<64xi32, #tpu.memory_space<hbm>>
        tpu.enqueue_dma source(%dma_start3A_272 : memref<64xi32, #tpu.memory_space<hbm>>) target(%arg8 : memref<64xi32, #tpu.memory_space<vmem>>) target_semaphore(%arg33 : memref<!tpu.dma_semaphore, #tpu.memory_space<semaphore_mem>>)
        %mul3A_273 = arith.constant 64 : i32
        %mul3A_274 = arith.muli %sub3A_140, %mul3A_273 : i32
        %dma_start3A_275 = tpu.memref_slice %arg6[%mul3A_274] : memref<10240xi32, #tpu.memory_space<vmem>> -> memref<64xi32, #tpu.memory_space<vmem>>
        %dma_start3A_276 = arith.constant 0 : i32
        %dma_start3A_277 = arith.constant 0 : i32
        %dma_start3A_278 = tpu.memref_slice %arg2[%dma_start3A_276, %dma_start3A_277] : memref<10240x64xf32, #tpu.memory_space<hbm>> -> memref<10240x64xf32, #tpu.memory_space<hbm>>
        tpu.enqueue_indirect_dma source(%dma_start3A_278 : memref<10240x64xf32, #tpu.memory_space<hbm>>) target(%arg16 : memref<64x64xf32, #tpu.memory_space<vmem>>) offsets(%dma_start3A_275 : memref<64xi32, #tpu.memory_space<vmem>>) semaphore(%arg25 : memref<!tpu.dma_semaphore, #tpu.memory_space<semaphore_mem>>)
      } else {
      }
      %mul3A_146 = arith.constant 64 : i32
      %mul3A_147 = arith.muli %add3A_136, %mul3A_146 : i32
      %add3A_148 = arith.addi %mul3A_17, %mul3A_147 : i32
      %dma_wait3A_149 = tpu.memref_slice %arg4[%add3A_148] : memref<327680xi32, #tpu.memory_space<hbm>> -> memref<64xi32, #tpu.memory_space<hbm>>
      %dma_wait3A_150 = tpu.memref_slice %arg4[%add3A_148] : memref<327680xi32, #tpu.memory_space<hbm>> -> memref<64xi32, #tpu.memory_space<hbm>>
      tpu.wait_dma2 semaphore(%arg34 : memref<!tpu.dma_semaphore, #tpu.memory_space<semaphore_mem>>) src(%dma_wait3A_150 : memref<64xi32, #tpu.memory_space<hbm>>) dst(%arg9 : memref<64xi32, #tpu.memory_space<vmem>>)
      %mul3A_151 = arith.constant 64 : i32
      %mul3A_152 = arith.muli %add3A_136, %mul3A_151 : i32
      %dma_wait3A_153 = tpu.memref_slice %arg6[%mul3A_152] : memref<10240xi32, #tpu.memory_space<vmem>> -> memref<64xi32, #tpu.memory_space<vmem>>
      %dma_wait3A_154 = arith.constant 0 : i32
      %dma_wait3A_155 = arith.constant 0 : i32
      %dma_wait3A_156 = tpu.memref_slice %arg2[%dma_wait3A_154, %dma_wait3A_155] : memref<10240x64xf32, #tpu.memory_space<hbm>> -> memref<10240x64xf32, #tpu.memory_space<hbm>>
      tpu.wait_indirect_dma semaphore(%arg26 : memref<!tpu.dma_semaphore, #tpu.memory_space<semaphore_mem>>) src(%dma_wait3A_156 : memref<10240x64xf32, #tpu.memory_space<hbm>>) dst(%arg17 : memref<64x64xf32, #tpu.memory_space<vmem>>)
      "tpu.region"() ({
        %run_scoped3A = tpu.sem_alloc : memref<!tpu.dma_semaphore, #tpu.memory_space<semaphore_mem>>
        %dma_start3A_268 = arith.constant 0 : i32
        %dma_start3A_269 = arith.constant 0 : i32
        %dma_start3A_270 = tpu.memref_slice %arg23[%dma_start3A_268, %dma_start3A_269] : memref<10240x64xf32, #tpu.memory_space<vmem_shared>> -> memref<10240x64xf32, #tpu.memory_space<vmem_shared>>
        tpu.enqueue_indirect_dma source(%arg17 : memref<64x64xf32, #tpu.memory_space<vmem>>) target(%dma_start3A_270 : memref<10240x64xf32, #tpu.memory_space<vmem_shared>>) offsets(%arg9 : memref<64xi32, #tpu.memory_space<vmem>>) semaphore(%run_scoped3A : memref<!tpu.dma_semaphore, #tpu.memory_space<semaphore_mem>>) {add = true}
        %dma_wait3A_271 = arith.constant 0 : i32
        %dma_wait3A_272 = arith.constant 0 : i32
        %dma_wait3A_273 = tpu.memref_slice %arg23[%dma_wait3A_271, %dma_wait3A_272] : memref<10240x64xf32, #tpu.memory_space<vmem_shared>> -> memref<10240x64xf32, #tpu.memory_space<vmem_shared>>
        tpu.wait_indirect_dma semaphore(%run_scoped3A : memref<!tpu.dma_semaphore, #tpu.memory_space<semaphore_mem>>) src(%arg17 : memref<64x64xf32, #tpu.memory_space<vmem>>) dst(%dma_wait3A_273 : memref<10240x64xf32, #tpu.memory_space<vmem_shared>>)
        tpu.yield
      }) : () -> ()
      %add3A_157 = arith.constant 3 : i32
      %add3A_158 = arith.addi %mul3A_95, %add3A_157 : i32
      %add3A_159 = arith.constant 8 : i32
      %add3A_160 = arith.addi %add3A_158, %add3A_159 : i32
      %sub3A_161 = arith.constant 1 : i32
      %sub3A_162 = arith.subi %add3A_160, %sub3A_161 : i32
      %lt3A_163 = arith.constant 160 : i32
      %lt3A_164 = arith.cmpi slt, %sub3A_162, %lt3A_163 : i32
      %convert_element_type3A_165 = arith.extui %lt3A_164 : i1 to i32
      %cond3A_166 = arith.constant 0 : i32
      %cond3A_167 = arith.cmpi ne, %convert_element_type3A_165, %cond3A_166 : i32
      scf.if %cond3A_167 {
        %mul3A_268 = arith.constant 64 : i32
        %mul3A_269 = arith.muli %sub3A_162, %mul3A_268 : i32
        %add3A_270 = arith.addi %mul3A_17, %mul3A_269 : i32
        %dma_start3A_271 = tpu.memref_slice %arg4[%add3A_270] : memref<327680xi32, #tpu.memory_space<hbm>> -> memref<64xi32, #tpu.memory_space<hbm>>
        %dma_start3A_272 = tpu.memref_slice %arg4[%add3A_270] : memref<327680xi32, #tpu.memory_space<hbm>> -> memref<64xi32, #tpu.memory_space<hbm>>
        tpu.enqueue_dma source(%dma_start3A_272 : memref<64xi32, #tpu.memory_space<hbm>>) target(%arg9 : memref<64xi32, #tpu.memory_space<vmem>>) target_semaphore(%arg34 : memref<!tpu.dma_semaphore, #tpu.memory_space<semaphore_mem>>)
        %mul3A_273 = arith.constant 64 : i32
        %mul3A_274 = arith.muli %sub3A_162, %mul3A_273 : i32
        %dma_start3A_275 = tpu.memref_slice %arg6[%mul3A_274] : memref<10240xi32, #tpu.memory_space<vmem>> -> memref<64xi32, #tpu.memory_space<vmem>>
        %dma_start3A_276 = arith.constant 0 : i32
        %dma_start3A_277 = arith.constant 0 : i32
        %dma_start3A_278 = tpu.memref_slice %arg2[%dma_start3A_276, %dma_start3A_277] : memref<10240x64xf32, #tpu.memory_space<hbm>> -> memref<10240x64xf32, #tpu.memory_space<hbm>>
        tpu.enqueue_indirect_dma source(%dma_start3A_278 : memref<10240x64xf32, #tpu.memory_space<hbm>>) target(%arg17 : memref<64x64xf32, #tpu.memory_space<vmem>>) offsets(%dma_start3A_275 : memref<64xi32, #tpu.memory_space<vmem>>) semaphore(%arg26 : memref<!tpu.dma_semaphore, #tpu.memory_space<semaphore_mem>>)
      } else {
      }
      %mul3A_168 = arith.constant 64 : i32
      %mul3A_169 = arith.muli %add3A_158, %mul3A_168 : i32
      %add3A_170 = arith.addi %mul3A_17, %mul3A_169 : i32
      %dma_wait3A_171 = tpu.memref_slice %arg4[%add3A_170] : memref<327680xi32, #tpu.memory_space<hbm>> -> memref<64xi32, #tpu.memory_space<hbm>>
      %dma_wait3A_172 = tpu.memref_slice %arg4[%add3A_170] : memref<327680xi32, #tpu.memory_space<hbm>> -> memref<64xi32, #tpu.memory_space<hbm>>
      tpu.wait_dma2 semaphore(%arg35 : memref<!tpu.dma_semaphore, #tpu.memory_space<semaphore_mem>>) src(%dma_wait3A_172 : memref<64xi32, #tpu.memory_space<hbm>>) dst(%arg10 : memref<64xi32, #tpu.memory_space<vmem>>)
      %mul3A_173 = arith.constant 64 : i32
      %mul3A_174 = arith.muli %add3A_158, %mul3A_173 : i32
      %dma_wait3A_175 = tpu.memref_slice %arg6[%mul3A_174] : memref<10240xi32, #tpu.memory_space<vmem>> -> memref<64xi32, #tpu.memory_space<vmem>>
      %dma_wait3A_176 = arith.constant 0 : i32
      %dma_wait3A_177 = arith.constant 0 : i32
      %dma_wait3A_178 = tpu.memref_slice %arg2[%dma_wait3A_176, %dma_wait3A_177] : memref<10240x64xf32, #tpu.memory_space<hbm>> -> memref<10240x64xf32, #tpu.memory_space<hbm>>
      tpu.wait_indirect_dma semaphore(%arg27 : memref<!tpu.dma_semaphore, #tpu.memory_space<semaphore_mem>>) src(%dma_wait3A_178 : memref<10240x64xf32, #tpu.memory_space<hbm>>) dst(%arg18 : memref<64x64xf32, #tpu.memory_space<vmem>>)
      "tpu.region"() ({
        %run_scoped3A = tpu.sem_alloc : memref<!tpu.dma_semaphore, #tpu.memory_space<semaphore_mem>>
        %dma_start3A_268 = arith.constant 0 : i32
        %dma_start3A_269 = arith.constant 0 : i32
        %dma_start3A_270 = tpu.memref_slice %arg23[%dma_start3A_268, %dma_start3A_269] : memref<10240x64xf32, #tpu.memory_space<vmem_shared>> -> memref<10240x64xf32, #tpu.memory_space<vmem_shared>>
        tpu.enqueue_indirect_dma source(%arg18 : memref<64x64xf32, #tpu.memory_space<vmem>>) target(%dma_start3A_270 : memref<10240x64xf32, #tpu.memory_space<vmem_shared>>) offsets(%arg10 : memref<64xi32, #tpu.memory_space<vmem>>) semaphore(%run_scoped3A : memref<!tpu.dma_semaphore, #tpu.memory_space<semaphore_mem>>) {add = true}
        %dma_wait3A_271 = arith.constant 0 : i32
        %dma_wait3A_272 = arith.constant 0 : i32
        %dma_wait3A_273 = tpu.memref_slice %arg23[%dma_wait3A_271, %dma_wait3A_272] : memref<10240x64xf32, #tpu.memory_space<vmem_shared>> -> memref<10240x64xf32, #tpu.memory_space<vmem_shared>>
        tpu.wait_indirect_dma semaphore(%run_scoped3A : memref<!tpu.dma_semaphore, #tpu.memory_space<semaphore_mem>>) src(%arg18 : memref<64x64xf32, #tpu.memory_space<vmem>>) dst(%dma_wait3A_273 : memref<10240x64xf32, #tpu.memory_space<vmem_shared>>)
        tpu.yield
      }) : () -> ()
      %add3A_179 = arith.constant 4 : i32
      %add3A_180 = arith.addi %mul3A_95, %add3A_179 : i32
      %add3A_181 = arith.constant 8 : i32
      %add3A_182 = arith.addi %add3A_180, %add3A_181 : i32
      %sub3A_183 = arith.constant 1 : i32
      %sub3A_184 = arith.subi %add3A_182, %sub3A_183 : i32
      %lt3A_185 = arith.constant 160 : i32
      %lt3A_186 = arith.cmpi slt, %sub3A_184, %lt3A_185 : i32
      %convert_element_type3A_187 = arith.extui %lt3A_186 : i1 to i32
      %cond3A_188 = arith.constant 0 : i32
      %cond3A_189 = arith.cmpi ne, %convert_element_type3A_187, %cond3A_188 : i32
      scf.if %cond3A_189 {
        %mul3A_268 = arith.constant 64 : i32
        %mul3A_269 = arith.muli %sub3A_184, %mul3A_268 : i32
        %add3A_270 = arith.addi %mul3A_17, %mul3A_269 : i32
        %dma_start3A_271 = tpu.memref_slice %arg4[%add3A_270] : memref<327680xi32, #tpu.memory_space<hbm>> -> memref<64xi32, #tpu.memory_space<hbm>>
        %dma_start3A_272 = tpu.memref_slice %arg4[%add3A_270] : memref<327680xi32, #tpu.memory_space<hbm>> -> memref<64xi32, #tpu.memory_space<hbm>>
        tpu.enqueue_dma source(%dma_start3A_272 : memref<64xi32, #tpu.memory_space<hbm>>) target(%arg10 : memref<64xi32, #tpu.memory_space<vmem>>) target_semaphore(%arg35 : memref<!tpu.dma_semaphore, #tpu.memory_space<semaphore_mem>>)
        %mul3A_273 = arith.constant 64 : i32
        %mul3A_274 = arith.muli %sub3A_184, %mul3A_273 : i32
        %dma_start3A_275 = tpu.memref_slice %arg6[%mul3A_274] : memref<10240xi32, #tpu.memory_space<vmem>> -> memref<64xi32, #tpu.memory_space<vmem>>
        %dma_start3A_276 = arith.constant 0 : i32
        %dma_start3A_277 = arith.constant 0 : i32
        %dma_start3A_278 = tpu.memref_slice %arg2[%dma_start3A_276, %dma_start3A_277] : memref<10240x64xf32, #tpu.memory_space<hbm>> -> memref<10240x64xf32, #tpu.memory_space<hbm>>
        tpu.enqueue_indirect_dma source(%dma_start3A_278 : memref<10240x64xf32, #tpu.memory_space<hbm>>) target(%arg18 : memref<64x64xf32, #tpu.memory_space<vmem>>) offsets(%dma_start3A_275 : memref<64xi32, #tpu.memory_space<vmem>>) semaphore(%arg27 : memref<!tpu.dma_semaphore, #tpu.memory_space<semaphore_mem>>)
      } else {
      }
      %mul3A_190 = arith.constant 64 : i32
      %mul3A_191 = arith.muli %add3A_180, %mul3A_190 : i32
      %add3A_192 = arith.addi %mul3A_17, %mul3A_191 : i32
      %dma_wait3A_193 = tpu.memref_slice %arg4[%add3A_192] : memref<327680xi32, #tpu.memory_space<hbm>> -> memref<64xi32, #tpu.memory_space<hbm>>
      %dma_wait3A_194 = tpu.memref_slice %arg4[%add3A_192] : memref<327680xi32, #tpu.memory_space<hbm>> -> memref<64xi32, #tpu.memory_space<hbm>>
      tpu.wait_dma2 semaphore(%arg36 : memref<!tpu.dma_semaphore, #tpu.memory_space<semaphore_mem>>) src(%dma_wait3A_194 : memref<64xi32, #tpu.memory_space<hbm>>) dst(%arg11 : memref<64xi32, #tpu.memory_space<vmem>>)
      %mul3A_195 = arith.constant 64 : i32
      %mul3A_196 = arith.muli %add3A_180, %mul3A_195 : i32
      %dma_wait3A_197 = tpu.memref_slice %arg6[%mul3A_196] : memref<10240xi32, #tpu.memory_space<vmem>> -> memref<64xi32, #tpu.memory_space<vmem>>
      %dma_wait3A_198 = arith.constant 0 : i32
      %dma_wait3A_199 = arith.constant 0 : i32
      %dma_wait3A_200 = tpu.memref_slice %arg2[%dma_wait3A_198, %dma_wait3A_199] : memref<10240x64xf32, #tpu.memory_space<hbm>> -> memref<10240x64xf32, #tpu.memory_space<hbm>>
      tpu.wait_indirect_dma semaphore(%arg28 : memref<!tpu.dma_semaphore, #tpu.memory_space<semaphore_mem>>) src(%dma_wait3A_200 : memref<10240x64xf32, #tpu.memory_space<hbm>>) dst(%arg19 : memref<64x64xf32, #tpu.memory_space<vmem>>)
      "tpu.region"() ({
        %run_scoped3A = tpu.sem_alloc : memref<!tpu.dma_semaphore, #tpu.memory_space<semaphore_mem>>
        %dma_start3A_268 = arith.constant 0 : i32
        %dma_start3A_269 = arith.constant 0 : i32
        %dma_start3A_270 = tpu.memref_slice %arg23[%dma_start3A_268, %dma_start3A_269] : memref<10240x64xf32, #tpu.memory_space<vmem_shared>> -> memref<10240x64xf32, #tpu.memory_space<vmem_shared>>
        tpu.enqueue_indirect_dma source(%arg19 : memref<64x64xf32, #tpu.memory_space<vmem>>) target(%dma_start3A_270 : memref<10240x64xf32, #tpu.memory_space<vmem_shared>>) offsets(%arg11 : memref<64xi32, #tpu.memory_space<vmem>>) semaphore(%run_scoped3A : memref<!tpu.dma_semaphore, #tpu.memory_space<semaphore_mem>>) {add = true}
        %dma_wait3A_271 = arith.constant 0 : i32
        %dma_wait3A_272 = arith.constant 0 : i32
        %dma_wait3A_273 = tpu.memref_slice %arg23[%dma_wait3A_271, %dma_wait3A_272] : memref<10240x64xf32, #tpu.memory_space<vmem_shared>> -> memref<10240x64xf32, #tpu.memory_space<vmem_shared>>
        tpu.wait_indirect_dma semaphore(%run_scoped3A : memref<!tpu.dma_semaphore, #tpu.memory_space<semaphore_mem>>) src(%arg19 : memref<64x64xf32, #tpu.memory_space<vmem>>) dst(%dma_wait3A_273 : memref<10240x64xf32, #tpu.memory_space<vmem_shared>>)
        tpu.yield
      }) : () -> ()
      %add3A_201 = arith.constant 5 : i32
      %add3A_202 = arith.addi %mul3A_95, %add3A_201 : i32
      %add3A_203 = arith.constant 8 : i32
      %add3A_204 = arith.addi %add3A_202, %add3A_203 : i32
      %sub3A_205 = arith.constant 1 : i32
      %sub3A_206 = arith.subi %add3A_204, %sub3A_205 : i32
      %lt3A_207 = arith.constant 160 : i32
      %lt3A_208 = arith.cmpi slt, %sub3A_206, %lt3A_207 : i32
      %convert_element_type3A_209 = arith.extui %lt3A_208 : i1 to i32
      %cond3A_210 = arith.constant 0 : i32
      %cond3A_211 = arith.cmpi ne, %convert_element_type3A_209, %cond3A_210 : i32
      scf.if %cond3A_211 {
        %mul3A_268 = arith.constant 64 : i32
        %mul3A_269 = arith.muli %sub3A_206, %mul3A_268 : i32
        %add3A_270 = arith.addi %mul3A_17, %mul3A_269 : i32
        %dma_start3A_271 = tpu.memref_slice %arg4[%add3A_270] : memref<327680xi32, #tpu.memory_space<hbm>> -> memref<64xi32, #tpu.memory_space<hbm>>
        %dma_start3A_272 = tpu.memref_slice %arg4[%add3A_270] : memref<327680xi32, #tpu.memory_space<hbm>> -> memref<64xi32, #tpu.memory_space<hbm>>
        tpu.enqueue_dma source(%dma_start3A_272 : memref<64xi32, #tpu.memory_space<hbm>>) target(%arg11 : memref<64xi32, #tpu.memory_space<vmem>>) target_semaphore(%arg36 : memref<!tpu.dma_semaphore, #tpu.memory_space<semaphore_mem>>)
        %mul3A_273 = arith.constant 64 : i32
        %mul3A_274 = arith.muli %sub3A_206, %mul3A_273 : i32
        %dma_start3A_275 = tpu.memref_slice %arg6[%mul3A_274] : memref<10240xi32, #tpu.memory_space<vmem>> -> memref<64xi32, #tpu.memory_space<vmem>>
        %dma_start3A_276 = arith.constant 0 : i32
        %dma_start3A_277 = arith.constant 0 : i32
        %dma_start3A_278 = tpu.memref_slice %arg2[%dma_start3A_276, %dma_start3A_277] : memref<10240x64xf32, #tpu.memory_space<hbm>> -> memref<10240x64xf32, #tpu.memory_space<hbm>>
        tpu.enqueue_indirect_dma source(%dma_start3A_278 : memref<10240x64xf32, #tpu.memory_space<hbm>>) target(%arg19 : memref<64x64xf32, #tpu.memory_space<vmem>>) offsets(%dma_start3A_275 : memref<64xi32, #tpu.memory_space<vmem>>) semaphore(%arg28 : memref<!tpu.dma_semaphore, #tpu.memory_space<semaphore_mem>>)
      } else {
      }
      %mul3A_212 = arith.constant 64 : i32
      %mul3A_213 = arith.muli %add3A_202, %mul3A_212 : i32
      %add3A_214 = arith.addi %mul3A_17, %mul3A_213 : i32
      %dma_wait3A_215 = tpu.memref_slice %arg4[%add3A_214] : memref<327680xi32, #tpu.memory_space<hbm>> -> memref<64xi32, #tpu.memory_space<hbm>>
      %dma_wait3A_216 = tpu.memref_slice %arg4[%add3A_214] : memref<327680xi32, #tpu.memory_space<hbm>> -> memref<64xi32, #tpu.memory_space<hbm>>
      tpu.wait_dma2 semaphore(%arg37 : memref<!tpu.dma_semaphore, #tpu.memory_space<semaphore_mem>>) src(%dma_wait3A_216 : memref<64xi32, #tpu.memory_space<hbm>>) dst(%arg12 : memref<64xi32, #tpu.memory_space<vmem>>)
      %mul3A_217 = arith.constant 64 : i32
      %mul3A_218 = arith.muli %add3A_202, %mul3A_217 : i32
      %dma_wait3A_219 = tpu.memref_slice %arg6[%mul3A_218] : memref<10240xi32, #tpu.memory_space<vmem>> -> memref<64xi32, #tpu.memory_space<vmem>>
      %dma_wait3A_220 = arith.constant 0 : i32
      %dma_wait3A_221 = arith.constant 0 : i32
      %dma_wait3A_222 = tpu.memref_slice %arg2[%dma_wait3A_220, %dma_wait3A_221] : memref<10240x64xf32, #tpu.memory_space<hbm>> -> memref<10240x64xf32, #tpu.memory_space<hbm>>
      tpu.wait_indirect_dma semaphore(%arg29 : memref<!tpu.dma_semaphore, #tpu.memory_space<semaphore_mem>>) src(%dma_wait3A_222 : memref<10240x64xf32, #tpu.memory_space<hbm>>) dst(%arg20 : memref<64x64xf32, #tpu.memory_space<vmem>>)
      "tpu.region"() ({
        %run_scoped3A = tpu.sem_alloc : memref<!tpu.dma_semaphore, #tpu.memory_space<semaphore_mem>>
        %dma_start3A_268 = arith.constant 0 : i32
        %dma_start3A_269 = arith.constant 0 : i32
        %dma_start3A_270 = tpu.memref_slice %arg23[%dma_start3A_268, %dma_start3A_269] : memref<10240x64xf32, #tpu.memory_space<vmem_shared>> -> memref<10240x64xf32, #tpu.memory_space<vmem_shared>>
        tpu.enqueue_indirect_dma source(%arg20 : memref<64x64xf32, #tpu.memory_space<vmem>>) target(%dma_start3A_270 : memref<10240x64xf32, #tpu.memory_space<vmem_shared>>) offsets(%arg12 : memref<64xi32, #tpu.memory_space<vmem>>) semaphore(%run_scoped3A : memref<!tpu.dma_semaphore, #tpu.memory_space<semaphore_mem>>) {add = true}
        %dma_wait3A_271 = arith.constant 0 : i32
        %dma_wait3A_272 = arith.constant 0 : i32
        %dma_wait3A_273 = tpu.memref_slice %arg23[%dma_wait3A_271, %dma_wait3A_272] : memref<10240x64xf32, #tpu.memory_space<vmem_shared>> -> memref<10240x64xf32, #tpu.memory_space<vmem_shared>>
        tpu.wait_indirect_dma semaphore(%run_scoped3A : memref<!tpu.dma_semaphore, #tpu.memory_space<semaphore_mem>>) src(%arg20 : memref<64x64xf32, #tpu.memory_space<vmem>>) dst(%dma_wait3A_273 : memref<10240x64xf32, #tpu.memory_space<vmem_shared>>)
        tpu.yield
      }) : () -> ()
      %add3A_223 = arith.constant 6 : i32
      %add3A_224 = arith.addi %mul3A_95, %add3A_223 : i32
      %add3A_225 = arith.constant 8 : i32
      %add3A_226 = arith.addi %add3A_224, %add3A_225 : i32
      %sub3A_227 = arith.constant 1 : i32
      %sub3A_228 = arith.subi %add3A_226, %sub3A_227 : i32
      %lt3A_229 = arith.constant 160 : i32
      %lt3A_230 = arith.cmpi slt, %sub3A_228, %lt3A_229 : i32
      %convert_element_type3A_231 = arith.extui %lt3A_230 : i1 to i32
      %cond3A_232 = arith.constant 0 : i32
      %cond3A_233 = arith.cmpi ne, %convert_element_type3A_231, %cond3A_232 : i32
      scf.if %cond3A_233 {
        %mul3A_268 = arith.constant 64 : i32
        %mul3A_269 = arith.muli %sub3A_228, %mul3A_268 : i32
        %add3A_270 = arith.addi %mul3A_17, %mul3A_269 : i32
        %dma_start3A_271 = tpu.memref_slice %arg4[%add3A_270] : memref<327680xi32, #tpu.memory_space<hbm>> -> memref<64xi32, #tpu.memory_space<hbm>>
        %dma_start3A_272 = tpu.memref_slice %arg4[%add3A_270] : memref<327680xi32, #tpu.memory_space<hbm>> -> memref<64xi32, #tpu.memory_space<hbm>>
        tpu.enqueue_dma source(%dma_start3A_272 : memref<64xi32, #tpu.memory_space<hbm>>) target(%arg12 : memref<64xi32, #tpu.memory_space<vmem>>) target_semaphore(%arg37 : memref<!tpu.dma_semaphore, #tpu.memory_space<semaphore_mem>>)
        %mul3A_273 = arith.constant 64 : i32
        %mul3A_274 = arith.muli %sub3A_228, %mul3A_273 : i32
        %dma_start3A_275 = tpu.memref_slice %arg6[%mul3A_274] : memref<10240xi32, #tpu.memory_space<vmem>> -> memref<64xi32, #tpu.memory_space<vmem>>
        %dma_start3A_276 = arith.constant 0 : i32
        %dma_start3A_277 = arith.constant 0 : i32
        %dma_start3A_278 = tpu.memref_slice %arg2[%dma_start3A_276, %dma_start3A_277] : memref<10240x64xf32, #tpu.memory_space<hbm>> -> memref<10240x64xf32, #tpu.memory_space<hbm>>
        tpu.enqueue_indirect_dma source(%dma_start3A_278 : memref<10240x64xf32, #tpu.memory_space<hbm>>) target(%arg20 : memref<64x64xf32, #tpu.memory_space<vmem>>) offsets(%dma_start3A_275 : memref<64xi32, #tpu.memory_space<vmem>>) semaphore(%arg29 : memref<!tpu.dma_semaphore, #tpu.memory_space<semaphore_mem>>)
      } else {
      }
      %mul3A_234 = arith.constant 64 : i32
      %mul3A_235 = arith.muli %add3A_224, %mul3A_234 : i32
      %add3A_236 = arith.addi %mul3A_17, %mul3A_235 : i32
      %dma_wait3A_237 = tpu.memref_slice %arg4[%add3A_236] : memref<327680xi32, #tpu.memory_space<hbm>> -> memref<64xi32, #tpu.memory_space<hbm>>
      %dma_wait3A_238 = tpu.memref_slice %arg4[%add3A_236] : memref<327680xi32, #tpu.memory_space<hbm>> -> memref<64xi32, #tpu.memory_space<hbm>>
      tpu.wait_dma2 semaphore(%arg38 : memref<!tpu.dma_semaphore, #tpu.memory_space<semaphore_mem>>) src(%dma_wait3A_238 : memref<64xi32, #tpu.memory_space<hbm>>) dst(%arg13 : memref<64xi32, #tpu.memory_space<vmem>>)
      %mul3A_239 = arith.constant 64 : i32
      %mul3A_240 = arith.muli %add3A_224, %mul3A_239 : i32
      %dma_wait3A_241 = tpu.memref_slice %arg6[%mul3A_240] : memref<10240xi32, #tpu.memory_space<vmem>> -> memref<64xi32, #tpu.memory_space<vmem>>
      %dma_wait3A_242 = arith.constant 0 : i32
      %dma_wait3A_243 = arith.constant 0 : i32
      %dma_wait3A_244 = tpu.memref_slice %arg2[%dma_wait3A_242, %dma_wait3A_243] : memref<10240x64xf32, #tpu.memory_space<hbm>> -> memref<10240x64xf32, #tpu.memory_space<hbm>>
      tpu.wait_indirect_dma semaphore(%arg30 : memref<!tpu.dma_semaphore, #tpu.memory_space<semaphore_mem>>) src(%dma_wait3A_244 : memref<10240x64xf32, #tpu.memory_space<hbm>>) dst(%arg21 : memref<64x64xf32, #tpu.memory_space<vmem>>)
      "tpu.region"() ({
        %run_scoped3A = tpu.sem_alloc : memref<!tpu.dma_semaphore, #tpu.memory_space<semaphore_mem>>
        %dma_start3A_268 = arith.constant 0 : i32
        %dma_start3A_269 = arith.constant 0 : i32
        %dma_start3A_270 = tpu.memref_slice %arg23[%dma_start3A_268, %dma_start3A_269] : memref<10240x64xf32, #tpu.memory_space<vmem_shared>> -> memref<10240x64xf32, #tpu.memory_space<vmem_shared>>
        tpu.enqueue_indirect_dma source(%arg21 : memref<64x64xf32, #tpu.memory_space<vmem>>) target(%dma_start3A_270 : memref<10240x64xf32, #tpu.memory_space<vmem_shared>>) offsets(%arg13 : memref<64xi32, #tpu.memory_space<vmem>>) semaphore(%run_scoped3A : memref<!tpu.dma_semaphore, #tpu.memory_space<semaphore_mem>>) {add = true}
        %dma_wait3A_271 = arith.constant 0 : i32
        %dma_wait3A_272 = arith.constant 0 : i32
        %dma_wait3A_273 = tpu.memref_slice %arg23[%dma_wait3A_271, %dma_wait3A_272] : memref<10240x64xf32, #tpu.memory_space<vmem_shared>> -> memref<10240x64xf32, #tpu.memory_space<vmem_shared>>
        tpu.wait_indirect_dma semaphore(%run_scoped3A : memref<!tpu.dma_semaphore, #tpu.memory_space<semaphore_mem>>) src(%arg21 : memref<64x64xf32, #tpu.memory_space<vmem>>) dst(%dma_wait3A_273 : memref<10240x64xf32, #tpu.memory_space<vmem_shared>>)
        tpu.yield
      }) : () -> ()
      %add3A_245 = arith.constant 7 : i32
      %add3A_246 = arith.addi %mul3A_95, %add3A_245 : i32
      %add3A_247 = arith.constant 8 : i32
      %add3A_248 = arith.addi %add3A_246, %add3A_247 : i32
      %sub3A_249 = arith.constant 1 : i32
      %sub3A_250 = arith.subi %add3A_248, %sub3A_249 : i32
      %lt3A_251 = arith.constant 160 : i32
      %lt3A_252 = arith.cmpi slt, %sub3A_250, %lt3A_251 : i32
      %convert_element_type3A_253 = arith.extui %lt3A_252 : i1 to i32
      %cond3A_254 = arith.constant 0 : i32
      %cond3A_255 = arith.cmpi ne, %convert_element_type3A_253, %cond3A_254 : i32
      scf.if %cond3A_255 {
        %mul3A_268 = arith.constant 64 : i32
        %mul3A_269 = arith.muli %sub3A_250, %mul3A_268 : i32
        %add3A_270 = arith.addi %mul3A_17, %mul3A_269 : i32
        %dma_start3A_271 = tpu.memref_slice %arg4[%add3A_270] : memref<327680xi32, #tpu.memory_space<hbm>> -> memref<64xi32, #tpu.memory_space<hbm>>
        %dma_start3A_272 = tpu.memref_slice %arg4[%add3A_270] : memref<327680xi32, #tpu.memory_space<hbm>> -> memref<64xi32, #tpu.memory_space<hbm>>
        tpu.enqueue_dma source(%dma_start3A_272 : memref<64xi32, #tpu.memory_space<hbm>>) target(%arg13 : memref<64xi32, #tpu.memory_space<vmem>>) target_semaphore(%arg38 : memref<!tpu.dma_semaphore, #tpu.memory_space<semaphore_mem>>)
        %mul3A_273 = arith.constant 64 : i32
        %mul3A_274 = arith.muli %sub3A_250, %mul3A_273 : i32
        %dma_start3A_275 = tpu.memref_slice %arg6[%mul3A_274] : memref<10240xi32, #tpu.memory_space<vmem>> -> memref<64xi32, #tpu.memory_space<vmem>>
        %dma_start3A_276 = arith.constant 0 : i32
        %dma_start3A_277 = arith.constant 0 : i32
        %dma_start3A_278 = tpu.memref_slice %arg2[%dma_start3A_276, %dma_start3A_277] : memref<10240x64xf32, #tpu.memory_space<hbm>> -> memref<10240x64xf32, #tpu.memory_space<hbm>>
        tpu.enqueue_indirect_dma source(%dma_start3A_278 : memref<10240x64xf32, #tpu.memory_space<hbm>>) target(%arg21 : memref<64x64xf32, #tpu.memory_space<vmem>>) offsets(%dma_start3A_275 : memref<64xi32, #tpu.memory_space<vmem>>) semaphore(%arg30 : memref<!tpu.dma_semaphore, #tpu.memory_space<semaphore_mem>>)
      } else {
      }
      %mul3A_256 = arith.constant 64 : i32
      %mul3A_257 = arith.muli %add3A_246, %mul3A_256 : i32
      %add3A_258 = arith.addi %mul3A_17, %mul3A_257 : i32
      %dma_wait3A_259 = tpu.memref_slice %arg4[%add3A_258] : memref<327680xi32, #tpu.memory_space<hbm>> -> memref<64xi32, #tpu.memory_space<hbm>>
      %dma_wait3A_260 = tpu.memref_slice %arg4[%add3A_258] : memref<327680xi32, #tpu.memory_space<hbm>> -> memref<64xi32, #tpu.memory_space<hbm>>
      tpu.wait_dma2 semaphore(%arg39 : memref<!tpu.dma_semaphore, #tpu.memory_space<semaphore_mem>>) src(%dma_wait3A_260 : memref<64xi32, #tpu.memory_space<hbm>>) dst(%arg14 : memref<64xi32, #tpu.memory_space<vmem>>)
      %mul3A_261 = arith.constant 64 : i32
      %mul3A_262 = arith.muli %add3A_246, %mul3A_261 : i32
      %dma_wait3A_263 = tpu.memref_slice %arg6[%mul3A_262] : memref<10240xi32, #tpu.memory_space<vmem>> -> memref<64xi32, #tpu.memory_space<vmem>>
      %dma_wait3A_264 = arith.constant 0 : i32
      %dma_wait3A_265 = arith.constant 0 : i32
      %dma_wait3A_266 = tpu.memref_slice %arg2[%dma_wait3A_264, %dma_wait3A_265] : memref<10240x64xf32, #tpu.memory_space<hbm>> -> memref<10240x64xf32, #tpu.memory_space<hbm>>
      tpu.wait_indirect_dma semaphore(%arg31 : memref<!tpu.dma_semaphore, #tpu.memory_space<semaphore_mem>>) src(%dma_wait3A_266 : memref<10240x64xf32, #tpu.memory_space<hbm>>) dst(%arg22 : memref<64x64xf32, #tpu.memory_space<vmem>>)
      "tpu.region"() ({
        %run_scoped3A = tpu.sem_alloc : memref<!tpu.dma_semaphore, #tpu.memory_space<semaphore_mem>>
        %dma_start3A_268 = arith.constant 0 : i32
        %dma_start3A_269 = arith.constant 0 : i32
        %dma_start3A_270 = tpu.memref_slice %arg23[%dma_start3A_268, %dma_start3A_269] : memref<10240x64xf32, #tpu.memory_space<vmem_shared>> -> memref<10240x64xf32, #tpu.memory_space<vmem_shared>>
        tpu.enqueue_indirect_dma source(%arg22 : memref<64x64xf32, #tpu.memory_space<vmem>>) target(%dma_start3A_270 : memref<10240x64xf32, #tpu.memory_space<vmem_shared>>) offsets(%arg14 : memref<64xi32, #tpu.memory_space<vmem>>) semaphore(%run_scoped3A : memref<!tpu.dma_semaphore, #tpu.memory_space<semaphore_mem>>) {add = true}
        %dma_wait3A_271 = arith.constant 0 : i32
        %dma_wait3A_272 = arith.constant 0 : i32
        %dma_wait3A_273 = tpu.memref_slice %arg23[%dma_wait3A_271, %dma_wait3A_272] : memref<10240x64xf32, #tpu.memory_space<vmem_shared>> -> memref<10240x64xf32, #tpu.memory_space<vmem_shared>>
        tpu.wait_indirect_dma semaphore(%run_scoped3A : memref<!tpu.dma_semaphore, #tpu.memory_space<semaphore_mem>>) src(%arg22 : memref<64x64xf32, #tpu.memory_space<vmem>>) dst(%dma_wait3A_273 : memref<10240x64xf32, #tpu.memory_space<vmem_shared>>)
        tpu.yield
      }) : () -> ()
      %scan3A_267 = arith.constant 0 : i32
      scf.yield %scan3A_267 : i32
    }
    %scan3A_86 = arith.constant 20 : i32
    %barrier3A_87 = arith.constant 0 : index
    tpu.barrier barrier_id(%barrier3A_87)
    %mul3A_88 = arith.constant 640 : i32
    %mul3A_89 = arith.muli %arg1, %mul3A_88 : i32
    %mul3A_90 = arith.constant 640 : i32
    %mul3A_91 = arith.muli %arg1, %mul3A_90 : i32
    "tpu.region"() ({
      %run_scoped3A = tpu.sem_alloc : memref<!tpu.dma_semaphore, #tpu.memory_space<semaphore_mem>>
      %dma_start3A_92 = arith.constant 0 : i32
      %dma_start3A_93 = tpu.memref_slice %arg5[%arg0, %mul3A_91, %dma_start3A_92] : memref<2x10240x64xf32, #tpu.memory_space<hbm>> -> memref<1x640x64xf32, #tpu.memory_space<hbm>>
      %dma_start3A_94 = tpu.memref_squeeze %dma_start3A_93 : memref<1x640x64xf32, #tpu.memory_space<hbm>> -> memref<640x64xf32, #tpu.memory_space<hbm>>
      %dma_start3A_95 = arith.constant 0 : i32
      %dma_start3A_96 = tpu.memref_slice %arg23[%mul3A_89, %dma_start3A_95] : memref<10240x64xf32, #tpu.memory_space<vmem_shared>> -> memref<640x64xf32, #tpu.memory_space<vmem_shared>>
      tpu.enqueue_dma source(%dma_start3A_96 : memref<640x64xf32, #tpu.memory_space<vmem_shared>>) target(%dma_start3A_94 : memref<640x64xf32, #tpu.memory_space<hbm>>) target_semaphore(%run_scoped3A : memref<!tpu.dma_semaphore, #tpu.memory_space<semaphore_mem>>)
      %dma_wait3A = arith.constant 0 : i32
      %dma_wait3A_97 = tpu.memref_slice %arg5[%arg0, %mul3A_91, %dma_wait3A] : memref<2x10240x64xf32, #tpu.memory_space<hbm>> -> memref<1x640x64xf32, #tpu.memory_space<hbm>>
      %dma_wait3A_98 = tpu.memref_squeeze %dma_wait3A_97 : memref<1x640x64xf32, #tpu.memory_space<hbm>> -> memref<640x64xf32, #tpu.memory_space<hbm>>
      %dma_wait3A_99 = arith.constant 0 : i32
      %dma_wait3A_100 = tpu.memref_slice %arg23[%mul3A_89, %dma_wait3A_99] : memref<10240x64xf32, #tpu.memory_space<vmem_shared>> -> memref<640x64xf32, #tpu.memory_space<vmem_shared>>
      tpu.wait_dma2 semaphore(%run_scoped3A : memref<!tpu.dma_semaphore, #tpu.memory_space<semaphore_mem>>) src(%dma_wait3A_100 : memref<640x64xf32, #tpu.memory_space<vmem_shared>>) dst(%dma_wait3A_98 : memref<640x64xf32, #tpu.memory_space<hbm>>)
      tpu.yield
    }) : () -> ()
    return
  }
}

#map = affine_map<(d0, d1) -> (0, 0)>
#map1 = affine_map<(d0, d1) -> (0)>
#map2 = affine_map<(d0, d1) -> (0, 0, 0)>
module attributes {stable_mosaic.version = 14 : i64} {
  func.func @k(%arg0: i32, %arg1: i32, %arg2: memref<10240x128xf32, #tpu.memory_space<hbm>>, %arg3: memref<327680xi32, #tpu.memory_space<hbm>>, %arg4: memref<327680xi32, #tpu.memory_space<hbm>>, %arg5: memref<2x10240x128xf32, #tpu.memory_space<hbm>>, %arg6: memref<10240xi32, #tpu.memory_space<vmem>>, %arg7: memref<64xi32, #tpu.memory_space<vmem>>, %arg8: memref<64xi32, #tpu.memory_space<vmem>>, %arg9: memref<64xi32, #tpu.memory_space<vmem>>, %arg10: memref<64xi32, #tpu.memory_space<vmem>>, %arg11: memref<64x128xf32, #tpu.memory_space<vmem>>, %arg12: memref<64x128xf32, #tpu.memory_space<vmem>>, %arg13: memref<64x128xf32, #tpu.memory_space<vmem>>, %arg14: memref<64x128xf32, #tpu.memory_space<vmem>>, %arg15: memref<10240x128xf32, #tpu.memory_space<vmem_shared>>, %arg16: memref<!tpu.dma_semaphore, #tpu.memory_space<semaphore_mem>>, %arg17: memref<!tpu.dma_semaphore, #tpu.memory_space<semaphore_mem>>, %arg18: memref<!tpu.dma_semaphore, #tpu.memory_space<semaphore_mem>>, %arg19: memref<!tpu.dma_semaphore, #tpu.memory_space<semaphore_mem>>, %arg20: memref<!tpu.dma_semaphore, #tpu.memory_space<semaphore_mem>>, %arg21: memref<!tpu.dma_semaphore, #tpu.memory_space<semaphore_mem>>, %arg22: memref<!tpu.dma_semaphore, #tpu.memory_space<semaphore_mem>>, %arg23: memref<!tpu.dma_semaphore, #tpu.memory_space<semaphore_mem>>) attributes {dimension_semantics = [#tpu.dimension_semantics<core_parallel>, #tpu.dimension_semantics<subcore_parallel>], iteration_bounds = array<i64: 2, 16>, scalar_prefetch = 0 : i64, scratch_operands = 18 : i64, tpu.core_type = #tpu.core_type<sc_vector_subcore>, window_params = [{transform_indices = #map}, {transform_indices = #map1}, {transform_indices = #map1}, {transform_indices = #map2}]} {
    %scan3A = arith.constant 0 : i32
    %scan3A_0 = arith.constant 0 : i32
    %scan3A_1 = arith.constant 64 : i32
    %scan3A_2 = arith.addi %scan3A_0, %scan3A_1 : i32
    %scan3A_3 = arith.constant 1 : i32
    %scan3A_4 = scf.for %scan3A_56 = %scan3A_0 to %scan3A_2 step %scan3A_3 iter_args(%scan3A_57 = %scan3A) -> (i32)  : i32 {
      %scan3A_58 = arith.constant 0 : i32
      %scan3A_59 = arith.constant 0 : i32
      %scan3A_60 = arith.constant 8 : i32
      %scan3A_61 = arith.addi %scan3A_59, %scan3A_60 : i32
      %scan3A_62 = arith.constant 1 : i32
      %scan3A_63 = scf.for %scan3A_66 = %scan3A_59 to %scan3A_61 step %scan3A_62 iter_args(%scan3A_67 = %scan3A_58) -> (i32)  : i32 {
        %broadcast_in_dim3A = arith.constant 0.000000e+00 : f32
        %broadcast_in_dim3A_68 = vector.broadcast %broadcast_in_dim3A : f32 to vector<16xf32>
        %mul3A_69 = arith.constant 16 : i32
        %mul3A_70 = arith.muli %scan3A_66, %mul3A_69 : i32
        %swap3A = arith.index_cast %scan3A_56 : i32 to index
        %swap3A_71 = arith.index_cast %mul3A_70 : i32 to index
        %swap3A_72 = tpu.vector_load %arg11[%swap3A, %swap3A_71] {strides = array<i32>} : memref<64x128xf32, #tpu.memory_space<vmem>>, vector<1x16xf32>,
        %swap3A_73 = vector.shape_cast %swap3A_72 : vector<1x16xf32> to vector<16xf32>
        %swap3A_74 = vector.shape_cast %broadcast_in_dim3A_68 : vector<16xf32> to vector<1x16xf32>
        tpu.vector_store %arg11[%swap3A, %swap3A_71], %swap3A_74 {strides = array<i32>} : memref<64x128xf32, #tpu.memory_space<vmem>>, vector<1x16xf32>,
        %scan3A_75 = arith.constant 0 : i32
        scf.yield %scan3A_75 : i32
      }
      %scan3A_64 = arith.constant 8 : i32
      %scan3A_65 = arith.constant 0 : i32
      scf.yield %scan3A_65 : i32
    }
    %scan3A_5 = arith.constant 64 : i32
    %scan3A_6 = arith.constant 0 : i32
    %scan3A_7 = arith.constant 0 : i32
    %scan3A_8 = arith.constant 10 : i32
    %scan3A_9 = arith.addi %scan3A_7, %scan3A_8 : i32
    %scan3A_10 = arith.constant 1 : i32
    %scan3A_11 = scf.for %scan3A_56 = %scan3A_7 to %scan3A_9 step %scan3A_10 iter_args(%scan3A_57 = %scan3A_6) -> (i32)  : i32 {
      %mul3A_58 = arith.constant 640 : i32
      %mul3A_59 = arith.muli %arg1, %mul3A_58 : i32
      %mul3A_60 = arith.constant 64 : i32
      %mul3A_61 = arith.muli %scan3A_56, %mul3A_60 : i32
      %add3A_62 = arith.addi %mul3A_59, %mul3A_61 : i32
      "tpu.region"() ({
        %run_scoped3A = tpu.sem_alloc : memref<!tpu.dma_semaphore, #tpu.memory_space<semaphore_mem>>
        %dma_start3A_64 = arith.constant 0 : i32
        %dma_start3A_65 = tpu.memref_slice %arg15[%add3A_62, %dma_start3A_64] : memref<10240x128xf32, #tpu.memory_space<vmem_shared>> -> memref<64x128xf32, #tpu.memory_space<vmem_shared>>
        %dma_start3A_66 = arith.constant 0 : i32
        %dma_start3A_67 = tpu.memref_slice %arg15[%add3A_62, %dma_start3A_66] : memref<10240x128xf32, #tpu.memory_space<vmem_shared>> -> memref<64x128xf32, #tpu.memory_space<vmem_shared>>
        tpu.enqueue_dma source(%arg11 : memref<64x128xf32, #tpu.memory_space<vmem>>) target(%dma_start3A_67 : memref<64x128xf32, #tpu.memory_space<vmem_shared>>) target_semaphore(%run_scoped3A : memref<!tpu.dma_semaphore, #tpu.memory_space<semaphore_mem>>)
        %dma_wait3A = arith.constant 0 : i32
        %dma_wait3A_68 = tpu.memref_slice %arg15[%add3A_62, %dma_wait3A] : memref<10240x128xf32, #tpu.memory_space<vmem_shared>> -> memref<64x128xf32, #tpu.memory_space<vmem_shared>>
        %dma_wait3A_69 = arith.constant 0 : i32
        %dma_wait3A_70 = tpu.memref_slice %arg15[%add3A_62, %dma_wait3A_69] : memref<10240x128xf32, #tpu.memory_space<vmem_shared>> -> memref<64x128xf32, #tpu.memory_space<vmem_shared>>
        tpu.wait_dma2 semaphore(%run_scoped3A : memref<!tpu.dma_semaphore, #tpu.memory_space<semaphore_mem>>) src(%arg11 : memref<64x128xf32, #tpu.memory_space<vmem>>) dst(%dma_wait3A_70 : memref<64x128xf32, #tpu.memory_space<vmem_shared>>)
        tpu.yield
      }) : () -> ()
      %scan3A_63 = arith.constant 0 : i32
      scf.yield %scan3A_63 : i32
    }
    %scan3A_12 = arith.constant 10 : i32
    %barrier3A = arith.constant 0 : index
    tpu.barrier barrier_id(%barrier3A)
    %mul3A = arith.constant 16 : i32
    %mul3A_13 = arith.muli %arg0, %mul3A : i32
    %add3A = arith.addi %mul3A_13, %arg1 : i32
    %mul3A_14 = arith.constant 160 : i32
    %mul3A_15 = arith.muli %add3A, %mul3A_14 : i32
    %mul3A_16 = arith.constant 64 : i32
    %mul3A_17 = arith.muli %mul3A_15, %mul3A_16 : i32
    "tpu.region"() ({
      %run_scoped3A = tpu.sem_alloc : memref<!tpu.dma_semaphore, #tpu.memory_space<semaphore_mem>>
      %dma_start3A_56 = tpu.memref_slice %arg3[%mul3A_17] : memref<327680xi32, #tpu.memory_space<hbm>> -> memref<10240xi32, #tpu.memory_space<hbm>>
      %dma_start3A_57 = tpu.memref_slice %arg3[%mul3A_17] : memref<327680xi32, #tpu.memory_space<hbm>> -> memref<10240xi32, #tpu.memory_space<hbm>>
      tpu.enqueue_dma source(%dma_start3A_57 : memref<10240xi32, #tpu.memory_space<hbm>>) target(%arg6 : memref<10240xi32, #tpu.memory_space<vmem>>) target_semaphore(%run_scoped3A : memref<!tpu.dma_semaphore, #tpu.memory_space<semaphore_mem>>)
      %dma_wait3A = tpu.memref_slice %arg3[%mul3A_17] : memref<327680xi32, #tpu.memory_space<hbm>> -> memref<10240xi32, #tpu.memory_space<hbm>>
      %dma_wait3A_58 = tpu.memref_slice %arg3[%mul3A_17] : memref<327680xi32, #tpu.memory_space<hbm>> -> memref<10240xi32, #tpu.memory_space<hbm>>
      tpu.wait_dma2 semaphore(%run_scoped3A : memref<!tpu.dma_semaphore, #tpu.memory_space<semaphore_mem>>) src(%dma_wait3A_58 : memref<10240xi32, #tpu.memory_space<hbm>>) dst(%arg6 : memref<10240xi32, #tpu.memory_space<vmem>>)
      tpu.yield
    }) : () -> ()
    %add3A_18 = arith.constant 0 : i32
    %add3A_19 = arith.addi %mul3A_17, %add3A_18 : i32
    %dma_start3A = tpu.memref_slice %arg4[%add3A_19] : memref<327680xi32, #tpu.memory_space<hbm>> -> memref<64xi32, #tpu.memory_space<hbm>>
    %dma_start3A_20 = tpu.memref_slice %arg4[%add3A_19] : memref<327680xi32, #tpu.memory_space<hbm>> -> memref<64xi32, #tpu.memory_space<hbm>>
    tpu.enqueue_dma source(%dma_start3A_20 : memref<64xi32, #tpu.memory_space<hbm>>) target(%arg7 : memref<64xi32, #tpu.memory_space<vmem>>) target_semaphore(%arg20 : memref<!tpu.dma_semaphore, #tpu.memory_space<semaphore_mem>>)
    %dma_start3A_21 = arith.constant 0 : i32
    %dma_start3A_22 = tpu.memref_slice %arg6[%dma_start3A_21] : memref<10240xi32, #tpu.memory_space<vmem>> -> memref<64xi32, #tpu.memory_space<vmem>>
    %dma_start3A_23 = arith.constant 0 : i32
    %dma_start3A_24 = arith.constant 0 : i32
    %dma_start3A_25 = tpu.memref_slice %arg2[%dma_start3A_23, %dma_start3A_24] : memref<10240x128xf32, #tpu.memory_space<hbm>> -> memref<10240x128xf32, #tpu.memory_space<hbm>>
    tpu.enqueue_indirect_dma source(%dma_start3A_25 : memref<10240x128xf32, #tpu.memory_space<hbm>>) target(%arg11 : memref<64x128xf32, #tpu.memory_space<vmem>>) offsets(%dma_start3A_22 : memref<64xi32, #tpu.memory_space<vmem>>) semaphore(%arg16 : memref<!tpu.dma_semaphore, #tpu.memory_space<semaphore_mem>>)
    %add3A_26 = arith.constant 64 : i32
    %add3A_27 = arith.addi %mul3A_17, %add3A_26 : i32
    %dma_start3A_28 = tpu.memref_slice %arg4[%add3A_27] : memref<327680xi32, #tpu.memory_space<hbm>> -> memref<64xi32, #tpu.memory_space<hbm>>
    %dma_start3A_29 = tpu.memref_slice %arg4[%add3A_27] : memref<327680xi32, #tpu.memory_space<hbm>> -> memref<64xi32, #tpu.memory_space<hbm>>
    tpu.enqueue_dma source(%dma_start3A_29 : memref<64xi32, #tpu.memory_space<hbm>>) target(%arg8 : memref<64xi32, #tpu.memory_space<vmem>>) target_semaphore(%arg21 : memref<!tpu.dma_semaphore, #tpu.memory_space<semaphore_mem>>)
    %dma_start3A_30 = arith.constant 64 : i32
    %dma_start3A_31 = tpu.memref_slice %arg6[%dma_start3A_30] : memref<10240xi32, #tpu.memory_space<vmem>> -> memref<64xi32, #tpu.memory_space<vmem>>
    %dma_start3A_32 = arith.constant 0 : i32
    %dma_start3A_33 = arith.constant 0 : i32
    %dma_start3A_34 = tpu.memref_slice %arg2[%dma_start3A_32, %dma_start3A_33] : memref<10240x128xf32, #tpu.memory_space<hbm>> -> memref<10240x128xf32, #tpu.memory_space<hbm>>
    tpu.enqueue_indirect_dma source(%dma_start3A_34 : memref<10240x128xf32, #tpu.memory_space<hbm>>) target(%arg12 : memref<64x128xf32, #tpu.memory_space<vmem>>) offsets(%dma_start3A_31 : memref<64xi32, #tpu.memory_space<vmem>>) semaphore(%arg17 : memref<!tpu.dma_semaphore, #tpu.memory_space<semaphore_mem>>)
    %add3A_35 = arith.constant 128 : i32
    %add3A_36 = arith.addi %mul3A_17, %add3A_35 : i32
    %dma_start3A_37 = tpu.memref_slice %arg4[%add3A_36] : memref<327680xi32, #tpu.memory_space<hbm>> -> memref<64xi32, #tpu.memory_space<hbm>>
    %dma_start3A_38 = tpu.memref_slice %arg4[%add3A_36] : memref<327680xi32, #tpu.memory_space<hbm>> -> memref<64xi32, #tpu.memory_space<hbm>>
    tpu.enqueue_dma source(%dma_start3A_38 : memref<64xi32, #tpu.memory_space<hbm>>) target(%arg9 : memref<64xi32, #tpu.memory_space<vmem>>) target_semaphore(%arg22 : memref<!tpu.dma_semaphore, #tpu.memory_space<semaphore_mem>>)
    %dma_start3A_39 = arith.constant 128 : i32
    %dma_start3A_40 = tpu.memref_slice %arg6[%dma_start3A_39] : memref<10240xi32, #tpu.memory_space<vmem>> -> memref<64xi32, #tpu.memory_space<vmem>>
    %dma_start3A_41 = arith.constant 0 : i32
    %dma_start3A_42 = arith.constant 0 : i32
    %dma_start3A_43 = tpu.memref_slice %arg2[%dma_start3A_41, %dma_start3A_42] : memref<10240x128xf32, #tpu.memory_space<hbm>> -> memref<10240x128xf32, #tpu.memory_space<hbm>>
    tpu.enqueue_indirect_dma source(%dma_start3A_43 : memref<10240x128xf32, #tpu.memory_space<hbm>>) target(%arg13 : memref<64x128xf32, #tpu.memory_space<vmem>>) offsets(%dma_start3A_40 : memref<64xi32, #tpu.memory_space<vmem>>) semaphore(%arg18 : memref<!tpu.dma_semaphore, #tpu.memory_space<semaphore_mem>>)
    %scan3A_44 = arith.constant 0 : i32
    %scan3A_45 = arith.constant 0 : i32
    %scan3A_46 = arith.constant 40 : i32
    %scan3A_47 = arith.addi %scan3A_45, %scan3A_46 : i32
    %scan3A_48 = arith.constant 1 : i32
    %scan3A_49 = scf.for %scan3A_56 = %scan3A_45 to %scan3A_47 step %scan3A_48 iter_args(%scan3A_57 = %scan3A_44) -> (i32)  : i32 {
      %mul3A_58 = arith.constant 4 : i32
      %mul3A_59 = arith.muli %mul3A_58, %scan3A_56 : i32
      %add3A_60 = arith.constant 0 : i32
      %add3A_61 = arith.addi %mul3A_59, %add3A_60 : i32
      %add3A_62 = arith.constant 4 : i32
      %add3A_63 = arith.addi %add3A_61, %add3A_62 : i32
      %sub3A = arith.constant 1 : i32
      %sub3A_64 = arith.subi %add3A_63, %sub3A : i32
      %lt3A = arith.constant 160 : i32
      %lt3A_65 = arith.cmpi slt, %sub3A_64, %lt3A : i32
      %convert_element_type3A = arith.extui %lt3A_65 : i1 to i32
      %cond3A = arith.constant 0 : i32
      %cond3A_66 = arith.cmpi ne, %convert_element_type3A, %cond3A : i32
      scf.if %cond3A_66 {
        %mul3A_144 = arith.constant 64 : i32
        %mul3A_145 = arith.muli %sub3A_64, %mul3A_144 : i32
        %add3A_146 = arith.addi %mul3A_17, %mul3A_145 : i32
        %dma_start3A_147 = tpu.memref_slice %arg4[%add3A_146] : memref<327680xi32, #tpu.memory_space<hbm>> -> memref<64xi32, #tpu.memory_space<hbm>>
        %dma_start3A_148 = tpu.memref_slice %arg4[%add3A_146] : memref<327680xi32, #tpu.memory_space<hbm>> -> memref<64xi32, #tpu.memory_space<hbm>>
        tpu.enqueue_dma source(%dma_start3A_148 : memref<64xi32, #tpu.memory_space<hbm>>) target(%arg10 : memref<64xi32, #tpu.memory_space<vmem>>) target_semaphore(%arg23 : memref<!tpu.dma_semaphore, #tpu.memory_space<semaphore_mem>>)
        %mul3A_149 = arith.constant 64 : i32
        %mul3A_150 = arith.muli %sub3A_64, %mul3A_149 : i32
        %dma_start3A_151 = tpu.memref_slice %arg6[%mul3A_150] : memref<10240xi32, #tpu.memory_space<vmem>> -> memref<64xi32, #tpu.memory_space<vmem>>
        %dma_start3A_152 = arith.constant 0 : i32
        %dma_start3A_153 = arith.constant 0 : i32
        %dma_start3A_154 = tpu.memref_slice %arg2[%dma_start3A_152, %dma_start3A_153] : memref<10240x128xf32, #tpu.memory_space<hbm>> -> memref<10240x128xf32, #tpu.memory_space<hbm>>
        tpu.enqueue_indirect_dma source(%dma_start3A_154 : memref<10240x128xf32, #tpu.memory_space<hbm>>) target(%arg14 : memref<64x128xf32, #tpu.memory_space<vmem>>) offsets(%dma_start3A_151 : memref<64xi32, #tpu.memory_space<vmem>>) semaphore(%arg19 : memref<!tpu.dma_semaphore, #tpu.memory_space<semaphore_mem>>)
      } else {
      }
      %mul3A_67 = arith.constant 64 : i32
      %mul3A_68 = arith.muli %add3A_61, %mul3A_67 : i32
      %add3A_69 = arith.addi %mul3A_17, %mul3A_68 : i32
      %dma_wait3A = tpu.memref_slice %arg4[%add3A_69] : memref<327680xi32, #tpu.memory_space<hbm>> -> memref<64xi32, #tpu.memory_space<hbm>>
      %dma_wait3A_70 = tpu.memref_slice %arg4[%add3A_69] : memref<327680xi32, #tpu.memory_space<hbm>> -> memref<64xi32, #tpu.memory_space<hbm>>
      tpu.wait_dma2 semaphore(%arg20 : memref<!tpu.dma_semaphore, #tpu.memory_space<semaphore_mem>>) src(%dma_wait3A_70 : memref<64xi32, #tpu.memory_space<hbm>>) dst(%arg7 : memref<64xi32, #tpu.memory_space<vmem>>)
      %mul3A_71 = arith.constant 64 : i32
      %mul3A_72 = arith.muli %add3A_61, %mul3A_71 : i32
      %dma_wait3A_73 = tpu.memref_slice %arg6[%mul3A_72] : memref<10240xi32, #tpu.memory_space<vmem>> -> memref<64xi32, #tpu.memory_space<vmem>>
      %dma_wait3A_74 = arith.constant 0 : i32
      %dma_wait3A_75 = arith.constant 0 : i32
      %dma_wait3A_76 = tpu.memref_slice %arg2[%dma_wait3A_74, %dma_wait3A_75] : memref<10240x128xf32, #tpu.memory_space<hbm>> -> memref<10240x128xf32, #tpu.memory_space<hbm>>
      tpu.wait_indirect_dma semaphore(%arg16 : memref<!tpu.dma_semaphore, #tpu.memory_space<semaphore_mem>>) src(%dma_wait3A_76 : memref<10240x128xf32, #tpu.memory_space<hbm>>) dst(%arg11 : memref<64x128xf32, #tpu.memory_space<vmem>>)
      "tpu.region"() ({
        %run_scoped3A = tpu.sem_alloc : memref<!tpu.dma_semaphore, #tpu.memory_space<semaphore_mem>>
        %dma_start3A_144 = arith.constant 0 : i32
        %dma_start3A_145 = arith.constant 0 : i32
        %dma_start3A_146 = tpu.memref_slice %arg15[%dma_start3A_144, %dma_start3A_145] : memref<10240x128xf32, #tpu.memory_space<vmem_shared>> -> memref<10240x128xf32, #tpu.memory_space<vmem_shared>>
        tpu.enqueue_indirect_dma source(%arg11 : memref<64x128xf32, #tpu.memory_space<vmem>>) target(%dma_start3A_146 : memref<10240x128xf32, #tpu.memory_space<vmem_shared>>) offsets(%arg7 : memref<64xi32, #tpu.memory_space<vmem>>) semaphore(%run_scoped3A : memref<!tpu.dma_semaphore, #tpu.memory_space<semaphore_mem>>) {add = true}
        %dma_wait3A_147 = arith.constant 0 : i32
        %dma_wait3A_148 = arith.constant 0 : i32
        %dma_wait3A_149 = tpu.memref_slice %arg15[%dma_wait3A_147, %dma_wait3A_148] : memref<10240x128xf32, #tpu.memory_space<vmem_shared>> -> memref<10240x128xf32, #tpu.memory_space<vmem_shared>>
        tpu.wait_indirect_dma semaphore(%run_scoped3A : memref<!tpu.dma_semaphore, #tpu.memory_space<semaphore_mem>>) src(%arg11 : memref<64x128xf32, #tpu.memory_space<vmem>>) dst(%dma_wait3A_149 : memref<10240x128xf32, #tpu.memory_space<vmem_shared>>)
        tpu.yield
      }) : () -> ()
      %add3A_77 = arith.constant 1 : i32
      %add3A_78 = arith.addi %mul3A_59, %add3A_77 : i32
      %add3A_79 = arith.constant 4 : i32
      %add3A_80 = arith.addi %add3A_78, %add3A_79 : i32
      %sub3A_81 = arith.constant 1 : i32
      %sub3A_82 = arith.subi %add3A_80, %sub3A_81 : i32
      %lt3A_83 = arith.constant 160 : i32
      %lt3A_84 = arith.cmpi slt, %sub3A_82, %lt3A_83 : i32
      %convert_element_type3A_85 = arith.extui %lt3A_84 : i1 to i32
      %cond3A_86 = arith.constant 0 : i32
      %cond3A_87 = arith.cmpi ne, %convert_element_type3A_85, %cond3A_86 : i32
      scf.if %cond3A_87 {
        %mul3A_144 = arith.constant 64 : i32
        %mul3A_145 = arith.muli %sub3A_82, %mul3A_144 : i32
        %add3A_146 = arith.addi %mul3A_17, %mul3A_145 : i32
        %dma_start3A_147 = tpu.memref_slice %arg4[%add3A_146] : memref<327680xi32, #tpu.memory_space<hbm>> -> memref<64xi32, #tpu.memory_space<hbm>>
        %dma_start3A_148 = tpu.memref_slice %arg4[%add3A_146] : memref<327680xi32, #tpu.memory_space<hbm>> -> memref<64xi32, #tpu.memory_space<hbm>>
        tpu.enqueue_dma source(%dma_start3A_148 : memref<64xi32, #tpu.memory_space<hbm>>) target(%arg7 : memref<64xi32, #tpu.memory_space<vmem>>) target_semaphore(%arg20 : memref<!tpu.dma_semaphore, #tpu.memory_space<semaphore_mem>>)
        %mul3A_149 = arith.constant 64 : i32
        %mul3A_150 = arith.muli %sub3A_82, %mul3A_149 : i32
        %dma_start3A_151 = tpu.memref_slice %arg6[%mul3A_150] : memref<10240xi32, #tpu.memory_space<vmem>> -> memref<64xi32, #tpu.memory_space<vmem>>
        %dma_start3A_152 = arith.constant 0 : i32
        %dma_start3A_153 = arith.constant 0 : i32
        %dma_start3A_154 = tpu.memref_slice %arg2[%dma_start3A_152, %dma_start3A_153] : memref<10240x128xf32, #tpu.memory_space<hbm>> -> memref<10240x128xf32, #tpu.memory_space<hbm>>
        tpu.enqueue_indirect_dma source(%dma_start3A_154 : memref<10240x128xf32, #tpu.memory_space<hbm>>) target(%arg11 : memref<64x128xf32, #tpu.memory_space<vmem>>) offsets(%dma_start3A_151 : memref<64xi32, #tpu.memory_space<vmem>>) semaphore(%arg16 : memref<!tpu.dma_semaphore, #tpu.memory_space<semaphore_mem>>)
      } else {
      }
      %mul3A_88 = arith.constant 64 : i32
      %mul3A_89 = arith.muli %add3A_78, %mul3A_88 : i32
      %add3A_90 = arith.addi %mul3A_17, %mul3A_89 : i32
      %dma_wait3A_91 = tpu.memref_slice %arg4[%add3A_90] : memref<327680xi32, #tpu.memory_space<hbm>> -> memref<64xi32, #tpu.memory_space<hbm>>
      %dma_wait3A_92 = tpu.memref_slice %arg4[%add3A_90] : memref<327680xi32, #tpu.memory_space<hbm>> -> memref<64xi32, #tpu.memory_space<hbm>>
      tpu.wait_dma2 semaphore(%arg21 : memref<!tpu.dma_semaphore, #tpu.memory_space<semaphore_mem>>) src(%dma_wait3A_92 : memref<64xi32, #tpu.memory_space<hbm>>) dst(%arg8 : memref<64xi32, #tpu.memory_space<vmem>>)
      %mul3A_93 = arith.constant 64 : i32
      %mul3A_94 = arith.muli %add3A_78, %mul3A_93 : i32
      %dma_wait3A_95 = tpu.memref_slice %arg6[%mul3A_94] : memref<10240xi32, #tpu.memory_space<vmem>> -> memref<64xi32, #tpu.memory_space<vmem>>
      %dma_wait3A_96 = arith.constant 0 : i32
      %dma_wait3A_97 = arith.constant 0 : i32
      %dma_wait3A_98 = tpu.memref_slice %arg2[%dma_wait3A_96, %dma_wait3A_97] : memref<10240x128xf32, #tpu.memory_space<hbm>> -> memref<10240x128xf32, #tpu.memory_space<hbm>>
      tpu.wait_indirect_dma semaphore(%arg17 : memref<!tpu.dma_semaphore, #tpu.memory_space<semaphore_mem>>) src(%dma_wait3A_98 : memref<10240x128xf32, #tpu.memory_space<hbm>>) dst(%arg12 : memref<64x128xf32, #tpu.memory_space<vmem>>)
      "tpu.region"() ({
        %run_scoped3A = tpu.sem_alloc : memref<!tpu.dma_semaphore, #tpu.memory_space<semaphore_mem>>
        %dma_start3A_144 = arith.constant 0 : i32
        %dma_start3A_145 = arith.constant 0 : i32
        %dma_start3A_146 = tpu.memref_slice %arg15[%dma_start3A_144, %dma_start3A_145] : memref<10240x128xf32, #tpu.memory_space<vmem_shared>> -> memref<10240x128xf32, #tpu.memory_space<vmem_shared>>
        tpu.enqueue_indirect_dma source(%arg12 : memref<64x128xf32, #tpu.memory_space<vmem>>) target(%dma_start3A_146 : memref<10240x128xf32, #tpu.memory_space<vmem_shared>>) offsets(%arg8 : memref<64xi32, #tpu.memory_space<vmem>>) semaphore(%run_scoped3A : memref<!tpu.dma_semaphore, #tpu.memory_space<semaphore_mem>>) {add = true}
        %dma_wait3A_147 = arith.constant 0 : i32
        %dma_wait3A_148 = arith.constant 0 : i32
        %dma_wait3A_149 = tpu.memref_slice %arg15[%dma_wait3A_147, %dma_wait3A_148] : memref<10240x128xf32, #tpu.memory_space<vmem_shared>> -> memref<10240x128xf32, #tpu.memory_space<vmem_shared>>
        tpu.wait_indirect_dma semaphore(%run_scoped3A : memref<!tpu.dma_semaphore, #tpu.memory_space<semaphore_mem>>) src(%arg12 : memref<64x128xf32, #tpu.memory_space<vmem>>) dst(%dma_wait3A_149 : memref<10240x128xf32, #tpu.memory_space<vmem_shared>>)
        tpu.yield
      }) : () -> ()
      %add3A_99 = arith.constant 2 : i32
      %add3A_100 = arith.addi %mul3A_59, %add3A_99 : i32
      %add3A_101 = arith.constant 4 : i32
      %add3A_102 = arith.addi %add3A_100, %add3A_101 : i32
      %sub3A_103 = arith.constant 1 : i32
      %sub3A_104 = arith.subi %add3A_102, %sub3A_103 : i32
      %lt3A_105 = arith.constant 160 : i32
      %lt3A_106 = arith.cmpi slt, %sub3A_104, %lt3A_105 : i32
      %convert_element_type3A_107 = arith.extui %lt3A_106 : i1 to i32
      %cond3A_108 = arith.constant 0 : i32
      %cond3A_109 = arith.cmpi ne, %convert_element_type3A_107, %cond3A_108 : i32
      scf.if %cond3A_109 {
        %mul3A_144 = arith.constant 64 : i32
        %mul3A_145 = arith.muli %sub3A_104, %mul3A_144 : i32
        %add3A_146 = arith.addi %mul3A_17, %mul3A_145 : i32
        %dma_start3A_147 = tpu.memref_slice %arg4[%add3A_146] : memref<327680xi32, #tpu.memory_space<hbm>> -> memref<64xi32, #tpu.memory_space<hbm>>
        %dma_start3A_148 = tpu.memref_slice %arg4[%add3A_146] : memref<327680xi32, #tpu.memory_space<hbm>> -> memref<64xi32, #tpu.memory_space<hbm>>
        tpu.enqueue_dma source(%dma_start3A_148 : memref<64xi32, #tpu.memory_space<hbm>>) target(%arg8 : memref<64xi32, #tpu.memory_space<vmem>>) target_semaphore(%arg21 : memref<!tpu.dma_semaphore, #tpu.memory_space<semaphore_mem>>)
        %mul3A_149 = arith.constant 64 : i32
        %mul3A_150 = arith.muli %sub3A_104, %mul3A_149 : i32
        %dma_start3A_151 = tpu.memref_slice %arg6[%mul3A_150] : memref<10240xi32, #tpu.memory_space<vmem>> -> memref<64xi32, #tpu.memory_space<vmem>>
        %dma_start3A_152 = arith.constant 0 : i32
        %dma_start3A_153 = arith.constant 0 : i32
        %dma_start3A_154 = tpu.memref_slice %arg2[%dma_start3A_152, %dma_start3A_153] : memref<10240x128xf32, #tpu.memory_space<hbm>> -> memref<10240x128xf32, #tpu.memory_space<hbm>>
        tpu.enqueue_indirect_dma source(%dma_start3A_154 : memref<10240x128xf32, #tpu.memory_space<hbm>>) target(%arg12 : memref<64x128xf32, #tpu.memory_space<vmem>>) offsets(%dma_start3A_151 : memref<64xi32, #tpu.memory_space<vmem>>) semaphore(%arg17 : memref<!tpu.dma_semaphore, #tpu.memory_space<semaphore_mem>>)
      } else {
      }
      %mul3A_110 = arith.constant 64 : i32
      %mul3A_111 = arith.muli %add3A_100, %mul3A_110 : i32
      %add3A_112 = arith.addi %mul3A_17, %mul3A_111 : i32
      %dma_wait3A_113 = tpu.memref_slice %arg4[%add3A_112] : memref<327680xi32, #tpu.memory_space<hbm>> -> memref<64xi32, #tpu.memory_space<hbm>>
      %dma_wait3A_114 = tpu.memref_slice %arg4[%add3A_112] : memref<327680xi32, #tpu.memory_space<hbm>> -> memref<64xi32, #tpu.memory_space<hbm>>
      tpu.wait_dma2 semaphore(%arg22 : memref<!tpu.dma_semaphore, #tpu.memory_space<semaphore_mem>>) src(%dma_wait3A_114 : memref<64xi32, #tpu.memory_space<hbm>>) dst(%arg9 : memref<64xi32, #tpu.memory_space<vmem>>)
      %mul3A_115 = arith.constant 64 : i32
      %mul3A_116 = arith.muli %add3A_100, %mul3A_115 : i32
      %dma_wait3A_117 = tpu.memref_slice %arg6[%mul3A_116] : memref<10240xi32, #tpu.memory_space<vmem>> -> memref<64xi32, #tpu.memory_space<vmem>>
      %dma_wait3A_118 = arith.constant 0 : i32
      %dma_wait3A_119 = arith.constant 0 : i32
      %dma_wait3A_120 = tpu.memref_slice %arg2[%dma_wait3A_118, %dma_wait3A_119] : memref<10240x128xf32, #tpu.memory_space<hbm>> -> memref<10240x128xf32, #tpu.memory_space<hbm>>
      tpu.wait_indirect_dma semaphore(%arg18 : memref<!tpu.dma_semaphore, #tpu.memory_space<semaphore_mem>>) src(%dma_wait3A_120 : memref<10240x128xf32, #tpu.memory_space<hbm>>) dst(%arg13 : memref<64x128xf32, #tpu.memory_space<vmem>>)
      "tpu.region"() ({
        %run_scoped3A = tpu.sem_alloc : memref<!tpu.dma_semaphore, #tpu.memory_space<semaphore_mem>>
        %dma_start3A_144 = arith.constant 0 : i32
        %dma_start3A_145 = arith.constant 0 : i32
        %dma_start3A_146 = tpu.memref_slice %arg15[%dma_start3A_144, %dma_start3A_145] : memref<10240x128xf32, #tpu.memory_space<vmem_shared>> -> memref<10240x128xf32, #tpu.memory_space<vmem_shared>>
        tpu.enqueue_indirect_dma source(%arg13 : memref<64x128xf32, #tpu.memory_space<vmem>>) target(%dma_start3A_146 : memref<10240x128xf32, #tpu.memory_space<vmem_shared>>) offsets(%arg9 : memref<64xi32, #tpu.memory_space<vmem>>) semaphore(%run_scoped3A : memref<!tpu.dma_semaphore, #tpu.memory_space<semaphore_mem>>) {add = true}
        %dma_wait3A_147 = arith.constant 0 : i32
        %dma_wait3A_148 = arith.constant 0 : i32
        %dma_wait3A_149 = tpu.memref_slice %arg15[%dma_wait3A_147, %dma_wait3A_148] : memref<10240x128xf32, #tpu.memory_space<vmem_shared>> -> memref<10240x128xf32, #tpu.memory_space<vmem_shared>>
        tpu.wait_indirect_dma semaphore(%run_scoped3A : memref<!tpu.dma_semaphore, #tpu.memory_space<semaphore_mem>>) src(%arg13 : memref<64x128xf32, #tpu.memory_space<vmem>>) dst(%dma_wait3A_149 : memref<10240x128xf32, #tpu.memory_space<vmem_shared>>)
        tpu.yield
      }) : () -> ()
      %add3A_121 = arith.constant 3 : i32
      %add3A_122 = arith.addi %mul3A_59, %add3A_121 : i32
      %add3A_123 = arith.constant 4 : i32
      %add3A_124 = arith.addi %add3A_122, %add3A_123 : i32
      %sub3A_125 = arith.constant 1 : i32
      %sub3A_126 = arith.subi %add3A_124, %sub3A_125 : i32
      %lt3A_127 = arith.constant 160 : i32
      %lt3A_128 = arith.cmpi slt, %sub3A_126, %lt3A_127 : i32
      %convert_element_type3A_129 = arith.extui %lt3A_128 : i1 to i32
      %cond3A_130 = arith.constant 0 : i32
      %cond3A_131 = arith.cmpi ne, %convert_element_type3A_129, %cond3A_130 : i32
      scf.if %cond3A_131 {
        %mul3A_144 = arith.constant 64 : i32
        %mul3A_145 = arith.muli %sub3A_126, %mul3A_144 : i32
        %add3A_146 = arith.addi %mul3A_17, %mul3A_145 : i32
        %dma_start3A_147 = tpu.memref_slice %arg4[%add3A_146] : memref<327680xi32, #tpu.memory_space<hbm>> -> memref<64xi32, #tpu.memory_space<hbm>>
        %dma_start3A_148 = tpu.memref_slice %arg4[%add3A_146] : memref<327680xi32, #tpu.memory_space<hbm>> -> memref<64xi32, #tpu.memory_space<hbm>>
        tpu.enqueue_dma source(%dma_start3A_148 : memref<64xi32, #tpu.memory_space<hbm>>) target(%arg9 : memref<64xi32, #tpu.memory_space<vmem>>) target_semaphore(%arg22 : memref<!tpu.dma_semaphore, #tpu.memory_space<semaphore_mem>>)
        %mul3A_149 = arith.constant 64 : i32
        %mul3A_150 = arith.muli %sub3A_126, %mul3A_149 : i32
        %dma_start3A_151 = tpu.memref_slice %arg6[%mul3A_150] : memref<10240xi32, #tpu.memory_space<vmem>> -> memref<64xi32, #tpu.memory_space<vmem>>
        %dma_start3A_152 = arith.constant 0 : i32
        %dma_start3A_153 = arith.constant 0 : i32
        %dma_start3A_154 = tpu.memref_slice %arg2[%dma_start3A_152, %dma_start3A_153] : memref<10240x128xf32, #tpu.memory_space<hbm>> -> memref<10240x128xf32, #tpu.memory_space<hbm>>
        tpu.enqueue_indirect_dma source(%dma_start3A_154 : memref<10240x128xf32, #tpu.memory_space<hbm>>) target(%arg13 : memref<64x128xf32, #tpu.memory_space<vmem>>) offsets(%dma_start3A_151 : memref<64xi32, #tpu.memory_space<vmem>>) semaphore(%arg18 : memref<!tpu.dma_semaphore, #tpu.memory_space<semaphore_mem>>)
      } else {
      }
      %mul3A_132 = arith.constant 64 : i32
      %mul3A_133 = arith.muli %add3A_122, %mul3A_132 : i32
      %add3A_134 = arith.addi %mul3A_17, %mul3A_133 : i32
      %dma_wait3A_135 = tpu.memref_slice %arg4[%add3A_134] : memref<327680xi32, #tpu.memory_space<hbm>> -> memref<64xi32, #tpu.memory_space<hbm>>
      %dma_wait3A_136 = tpu.memref_slice %arg4[%add3A_134] : memref<327680xi32, #tpu.memory_space<hbm>> -> memref<64xi32, #tpu.memory_space<hbm>>
      tpu.wait_dma2 semaphore(%arg23 : memref<!tpu.dma_semaphore, #tpu.memory_space<semaphore_mem>>) src(%dma_wait3A_136 : memref<64xi32, #tpu.memory_space<hbm>>) dst(%arg10 : memref<64xi32, #tpu.memory_space<vmem>>)
      %mul3A_137 = arith.constant 64 : i32
      %mul3A_138 = arith.muli %add3A_122, %mul3A_137 : i32
      %dma_wait3A_139 = tpu.memref_slice %arg6[%mul3A_138] : memref<10240xi32, #tpu.memory_space<vmem>> -> memref<64xi32, #tpu.memory_space<vmem>>
      %dma_wait3A_140 = arith.constant 0 : i32
      %dma_wait3A_141 = arith.constant 0 : i32
      %dma_wait3A_142 = tpu.memref_slice %arg2[%dma_wait3A_140, %dma_wait3A_141] : memref<10240x128xf32, #tpu.memory_space<hbm>> -> memref<10240x128xf32, #tpu.memory_space<hbm>>
      tpu.wait_indirect_dma semaphore(%arg19 : memref<!tpu.dma_semaphore, #tpu.memory_space<semaphore_mem>>) src(%dma_wait3A_142 : memref<10240x128xf32, #tpu.memory_space<hbm>>) dst(%arg14 : memref<64x128xf32, #tpu.memory_space<vmem>>)
      "tpu.region"() ({
        %run_scoped3A = tpu.sem_alloc : memref<!tpu.dma_semaphore, #tpu.memory_space<semaphore_mem>>
        %dma_start3A_144 = arith.constant 0 : i32
        %dma_start3A_145 = arith.constant 0 : i32
        %dma_start3A_146 = tpu.memref_slice %arg15[%dma_start3A_144, %dma_start3A_145] : memref<10240x128xf32, #tpu.memory_space<vmem_shared>> -> memref<10240x128xf32, #tpu.memory_space<vmem_shared>>
        tpu.enqueue_indirect_dma source(%arg14 : memref<64x128xf32, #tpu.memory_space<vmem>>) target(%dma_start3A_146 : memref<10240x128xf32, #tpu.memory_space<vmem_shared>>) offsets(%arg10 : memref<64xi32, #tpu.memory_space<vmem>>) semaphore(%run_scoped3A : memref<!tpu.dma_semaphore, #tpu.memory_space<semaphore_mem>>) {add = true}
        %dma_wait3A_147 = arith.constant 0 : i32
        %dma_wait3A_148 = arith.constant 0 : i32
        %dma_wait3A_149 = tpu.memref_slice %arg15[%dma_wait3A_147, %dma_wait3A_148] : memref<10240x128xf32, #tpu.memory_space<vmem_shared>> -> memref<10240x128xf32, #tpu.memory_space<vmem_shared>>
        tpu.wait_indirect_dma semaphore(%run_scoped3A : memref<!tpu.dma_semaphore, #tpu.memory_space<semaphore_mem>>) src(%arg14 : memref<64x128xf32, #tpu.memory_space<vmem>>) dst(%dma_wait3A_149 : memref<10240x128xf32, #tpu.memory_space<vmem_shared>>)
        tpu.yield
      }) : () -> ()
      %scan3A_143 = arith.constant 0 : i32
      scf.yield %scan3A_143 : i32
    }
    %scan3A_50 = arith.constant 40 : i32
    %barrier3A_51 = arith.constant 0 : index
    tpu.barrier barrier_id(%barrier3A_51)
    %mul3A_52 = arith.constant 640 : i32
    %mul3A_53 = arith.muli %arg1, %mul3A_52 : i32
    %mul3A_54 = arith.constant 640 : i32
    %mul3A_55 = arith.muli %arg1, %mul3A_54 : i32
    "tpu.region"() ({
      %run_scoped3A = tpu.sem_alloc : memref<!tpu.dma_semaphore, #tpu.memory_space<semaphore_mem>>
      %dma_start3A_56 = arith.constant 0 : i32
      %dma_start3A_57 = tpu.memref_slice %arg5[%arg0, %mul3A_55, %dma_start3A_56] : memref<2x10240x128xf32, #tpu.memory_space<hbm>> -> memref<1x640x128xf32, #tpu.memory_space<hbm>>
      %dma_start3A_58 = tpu.memref_squeeze %dma_start3A_57 : memref<1x640x128xf32, #tpu.memory_space<hbm>> -> memref<640x128xf32, #tpu.memory_space<hbm>>
      %dma_start3A_59 = arith.constant 0 : i32
      %dma_start3A_60 = tpu.memref_slice %arg15[%mul3A_53, %dma_start3A_59] : memref<10240x128xf32, #tpu.memory_space<vmem_shared>> -> memref<640x128xf32, #tpu.memory_space<vmem_shared>>
      tpu.enqueue_dma source(%dma_start3A_60 : memref<640x128xf32, #tpu.memory_space<vmem_shared>>) target(%dma_start3A_58 : memref<640x128xf32, #tpu.memory_space<hbm>>) target_semaphore(%run_scoped3A : memref<!tpu.dma_semaphore, #tpu.memory_space<semaphore_mem>>)
      %dma_wait3A = arith.constant 0 : i32
      %dma_wait3A_61 = tpu.memref_slice %arg5[%arg0, %mul3A_55, %dma_wait3A] : memref<2x10240x128xf32, #tpu.memory_space<hbm>> -> memref<1x640x128xf32, #tpu.memory_space<hbm>>
      %dma_wait3A_62 = tpu.memref_squeeze %dma_wait3A_61 : memref<1x640x128xf32, #tpu.memory_space<hbm>> -> memref<640x128xf32, #tpu.memory_space<hbm>>
      %dma_wait3A_63 = arith.constant 0 : i32
      %dma_wait3A_64 = tpu.memref_slice %arg15[%mul3A_53, %dma_wait3A_63] : memref<10240x128xf32, #tpu.memory_space<vmem_shared>> -> memref<640x128xf32, #tpu.memory_space<vmem_shared>>
      tpu.wait_dma2 semaphore(%run_scoped3A : memref<!tpu.dma_semaphore, #tpu.memory_space<semaphore_mem>>) src(%dma_wait3A_64 : memref<640x128xf32, #tpu.memory_space<vmem_shared>>) dst(%dma_wait3A_62 : memref<640x128xf32, #tpu.memory_space<hbm>>)
      tpu.yield
    }) : () -> ()
    return
  }
}

module attributes {stable_mosaic.version = 14 : i64} {
  func.func @body(%arg0: memref<2x10240xf32, #tpu.memory_space<vmem>>, %arg1: memref<10000x128xf32, #tpu.memory_space<vmem>>, %arg2: memref<128x128xf32, #tpu.memory_space<vmem>>, %arg3: memref<10240x128xf32, #tpu.memory_space<vmem>>) attributes {dimension_semantics = [], scalar_prefetch = 0 : i64, scratch_operands = 0 : i64, tpu.core_type = #tpu.core_type<tc>} {
    %get3A = arith.constant 0 : index
    %get3A_0 = arith.constant 0 : index
    %get3A_1 = vector.load %arg0[%get3A, %get3A_0] : memref<2x10240xf32, #tpu.memory_space<vmem>>, vector<1x10000xf32>
    %get3A_2 = vector.shape_cast %get3A_1 : vector<1x10000xf32> to vector<10000xf32>
    %get3A_3 = arith.constant 1 : index
    %get3A_4 = arith.constant 0 : index
    %get3A_5 = vector.load %arg0[%get3A_3, %get3A_4] : memref<2x10240xf32, #tpu.memory_space<vmem>>, vector<1x10000xf32>
    %get3A_6 = vector.shape_cast %get3A_5 : vector<1x10000xf32> to vector<10000xf32>
    %add3A = arith.addf %get3A_2, %get3A_6 : vector<10000xf32>
    %add3A_7 = arith.constant 1.000000e+00 : f32
    %add3A_8 = vector.broadcast %add3A_7 : f32 to vector<10000xf32>
    %add3A_9 = arith.addf %add3A, %add3A_8 : vector<10000xf32>
    %rsqrt3A = math.rsqrt %add3A_9 : vector<10000xf32>
    %get3A_10 = arith.constant 0 : index
    %get3A_11 = arith.constant 0 : index
    %get3A_12 = vector.load %arg1[%get3A_10, %get3A_11] : memref<10000x128xf32, #tpu.memory_space<vmem>>, vector<10000x128xf32>
    %get3A_13 = arith.constant 0 : index
    %get3A_14 = arith.constant 0 : index
    %get3A_15 = vector.load %arg2[%get3A_13, %get3A_14] : memref<128x128xf32, #tpu.memory_space<vmem>>, vector<128x128xf32>
    %dot_general3A = arith.constant dense<0.000000e+00> : vector<10000x128xf32>
    %dot_general3A_16 = tpu.matmul %get3A_12, %get3A_15, %dot_general3A {dimension_numbers = #tpu.dot_dimension_numbers<[1], [0], [0], [1], [0, 0, 1, 1], [], []>, transpose_lhs_hint = false} : vector<10000x128xf32>, vector<128x128xf32>, vector<10000x128xf32> -> vector<10000x128xf32>
    %broadcast_in_dim3A = vector.shape_cast %rsqrt3A : vector<10000xf32> to vector<10000x1xf32>
    %mul3A = vector.broadcast %broadcast_in_dim3A : vector<10000x1xf32> to vector<10000x128xf32>
    %mul3A_17 = arith.mulf %dot_general3A_16, %mul3A : vector<10000x128xf32>
    %broadcast_in_dim3A_18 = arith.constant 0.000000e+00 : f32
    %broadcast_in_dim3A_19 = vector.broadcast %broadcast_in_dim3A_18 : f32 to vector<240x128xf32>
    %concatenate3A = tpu.concatenate %mul3A_17, %broadcast_in_dim3A_19 in 0 : vector<10000x128xf32>, vector<240x128xf32> -> vector<10240x128xf32>
    %swap3A = arith.constant 0 : index
    %swap3A_20 = arith.constant 0 : index
    %swap3A_21 = vector.load %arg3[%swap3A, %swap3A_20] : memref<10240x128xf32, #tpu.memory_space<vmem>>, vector<10240x128xf32>
    tpu.vector_store %arg3[%swap3A, %swap3A_20], %concatenate3A {strides = array<i32>} : memref<10240x128xf32, #tpu.memory_space<vmem>>, vector<10240x128xf32>,
    return
  }
}

module attributes {stable_mosaic.version = 14 : i64} {
  func.func @body(%arg0: memref<2x10240x128xf32, #tpu.memory_space<vmem>>, %arg1: memref<10240x128xf32, #tpu.memory_space<vmem>>, %arg2: memref<2x10240xf32, #tpu.memory_space<vmem>>, %arg3: memref<128xf32, #tpu.memory_space<vmem>>, %arg4: memref<128x64xf32, #tpu.memory_space<vmem>>, %arg5: memref<10240x64xf32, #tpu.memory_space<vmem>>) attributes {dimension_semantics = [], scalar_prefetch = 0 : i64, scratch_operands = 0 : i64, tpu.core_type = #tpu.core_type<tc>} {
    %get3A = arith.constant 0 : index
    %get3A_0 = arith.constant 0 : index
    %get3A_1 = vector.load %arg2[%get3A, %get3A_0] : memref<2x10240xf32, #tpu.memory_space<vmem>>, vector<1x10240xf32>
    %get3A_2 = vector.shape_cast %get3A_1 : vector<1x10240xf32> to vector<10240xf32>
    %get3A_3 = arith.constant 1 : index
    %get3A_4 = arith.constant 0 : index
    %get3A_5 = vector.load %arg2[%get3A_3, %get3A_4] : memref<2x10240xf32, #tpu.memory_space<vmem>>, vector<1x10240xf32>
    %get3A_6 = vector.shape_cast %get3A_5 : vector<1x10240xf32> to vector<10240xf32>
    %add3A = arith.addf %get3A_2, %get3A_6 : vector<10240xf32>
    %add3A_7 = arith.constant 1.000000e+00 : f32
    %add3A_8 = vector.broadcast %add3A_7 : f32 to vector<10240xf32>
    %add3A_9 = arith.addf %add3A, %add3A_8 : vector<10240xf32>
    %rsqrt3A = math.rsqrt %add3A_9 : vector<10240xf32>
    %get3A_10 = arith.constant 0 : index
    %get3A_11 = arith.constant 0 : index
    %get3A_12 = arith.constant 0 : index
    %get3A_13 = vector.load %arg0[%get3A_10, %get3A_11, %get3A_12] : memref<2x10240x128xf32, #tpu.memory_space<vmem>>, vector<1x10240x128xf32>
    %get3A_14 = vector.shape_cast %get3A_13 : vector<1x10240x128xf32> to vector<10240x128xf32>
    %get3A_15 = arith.constant 1 : index
    %get3A_16 = arith.constant 0 : index
    %get3A_17 = arith.constant 0 : index
    %get3A_18 = vector.load %arg0[%get3A_15, %get3A_16, %get3A_17] : memref<2x10240x128xf32, #tpu.memory_space<vmem>>, vector<1x10240x128xf32>
    %get3A_19 = vector.shape_cast %get3A_18 : vector<1x10240x128xf32> to vector<10240x128xf32>
    %add3A_20 = arith.addf %get3A_14, %get3A_19 : vector<10240x128xf32>
    %get3A_21 = arith.constant 0 : index
    %get3A_22 = arith.constant 0 : index
    %get3A_23 = vector.load %arg1[%get3A_21, %get3A_22] : memref<10240x128xf32, #tpu.memory_space<vmem>>, vector<10240x128xf32>
    %add3A_24 = arith.addf %add3A_20, %get3A_23 : vector<10240x128xf32>
    %broadcast_in_dim3A = vector.shape_cast %rsqrt3A : vector<10240xf32> to vector<10240x1xf32>
    %mul3A = vector.broadcast %broadcast_in_dim3A : vector<10240x1xf32> to vector<10240x128xf32>
    %mul3A_25 = arith.mulf %add3A_24, %mul3A : vector<10240x128xf32>
    %get3A_26 = arith.constant 0 : index
    %get3A_27 = vector.load %arg3[%get3A_26] : memref<128xf32, #tpu.memory_space<vmem>>, vector<128xf32>
    %broadcast_in_dim3A_28 = vector.shape_cast %get3A_27 : vector<128xf32> to vector<1x128xf32>
    %add3A_29 = vector.broadcast %broadcast_in_dim3A_28 : vector<1x128xf32> to vector<10240x128xf32>
    %add3A_30 = arith.addf %mul3A_25, %add3A_29 : vector<10240x128xf32>
    %max3A = arith.constant 0.000000e+00 : f32
    %max3A_31 = vector.broadcast %max3A : f32 to vector<10240x128xf32>
    %max3A_32 = arith.maximumf %add3A_30, %max3A_31 : vector<10240x128xf32>
    %get3A_33 = arith.constant 0 : index
    %get3A_34 = arith.constant 0 : index
    %get3A_35 = vector.load %arg4[%get3A_33, %get3A_34] : memref<128x64xf32, #tpu.memory_space<vmem>>, vector<128x64xf32>
    %dot_general3A = arith.constant dense<0.000000e+00> : vector<10240x64xf32>
    %dot_general3A_36 = tpu.matmul %max3A_32, %get3A_35, %dot_general3A {dimension_numbers = #tpu.dot_dimension_numbers<[1], [0], [0], [1], [0, 0, 1, 1], [], []>, transpose_lhs_hint = false} : vector<10240x128xf32>, vector<128x64xf32>, vector<10240x64xf32> -> vector<10240x64xf32>
    %broadcast_in_dim3A_37 = vector.shape_cast %rsqrt3A : vector<10240xf32> to vector<10240x1xf32>
    %mul3A_38 = vector.broadcast %broadcast_in_dim3A_37 : vector<10240x1xf32> to vector<10240x64xf32>
    %mul3A_39 = arith.mulf %dot_general3A_36, %mul3A_38 : vector<10240x64xf32>
    %swap3A = arith.constant 0 : index
    %swap3A_40 = arith.constant 0 : index
    %swap3A_41 = vector.load %arg5[%swap3A, %swap3A_40] : memref<10240x64xf32, #tpu.memory_space<vmem>>, vector<10240x64xf32>
    tpu.vector_store %arg5[%swap3A, %swap3A_40], %mul3A_39 {strides = array<i32>} : memref<10240x64xf32, #tpu.memory_space<vmem>>, vector<10240x64xf32>,
    return
  }
}

module attributes {stable_mosaic.version = 14 : i64} {
  func.func @body(%arg0: memref<2x10240x64xf32, #tpu.memory_space<vmem>>, %arg1: memref<10240x64xf32, #tpu.memory_space<vmem>>, %arg2: memref<2x10240xf32, #tpu.memory_space<vmem>>, %arg3: memref<64xf32, #tpu.memory_space<vmem>>, %arg4: memref<10000x64xf32, #tpu.memory_space<vmem>>) attributes {dimension_semantics = [], scalar_prefetch = 0 : i64, scratch_operands = 0 : i64, tpu.core_type = #tpu.core_type<tc>} {
    %get3A = arith.constant 0 : index
    %get3A_0 = arith.constant 0 : index
    %get3A_1 = vector.load %arg2[%get3A, %get3A_0] : memref<2x10240xf32, #tpu.memory_space<vmem>>, vector<1x10000xf32>
    %get3A_2 = vector.shape_cast %get3A_1 : vector<1x10000xf32> to vector<10000xf32>
    %get3A_3 = arith.constant 1 : index
    %get3A_4 = arith.constant 0 : index
    %get3A_5 = vector.load %arg2[%get3A_3, %get3A_4] : memref<2x10240xf32, #tpu.memory_space<vmem>>, vector<1x10000xf32>
    %get3A_6 = vector.shape_cast %get3A_5 : vector<1x10000xf32> to vector<10000xf32>
    %add3A = arith.addf %get3A_2, %get3A_6 : vector<10000xf32>
    %add3A_7 = arith.constant 1.000000e+00 : f32
    %add3A_8 = vector.broadcast %add3A_7 : f32 to vector<10000xf32>
    %add3A_9 = arith.addf %add3A, %add3A_8 : vector<10000xf32>
    %rsqrt3A = math.rsqrt %add3A_9 : vector<10000xf32>
    %get3A_10 = arith.constant 0 : index
    %get3A_11 = arith.constant 0 : index
    %get3A_12 = arith.constant 0 : index
    %get3A_13 = vector.load %arg0[%get3A_10, %get3A_11, %get3A_12] : memref<2x10240x64xf32, #tpu.memory_space<vmem>>, vector<1x10000x64xf32>
    %get3A_14 = vector.shape_cast %get3A_13 : vector<1x10000x64xf32> to vector<10000x64xf32>
    %get3A_15 = arith.constant 1 : index
    %get3A_16 = arith.constant 0 : index
    %get3A_17 = arith.constant 0 : index
    %get3A_18 = vector.load %arg0[%get3A_15, %get3A_16, %get3A_17] : memref<2x10240x64xf32, #tpu.memory_space<vmem>>, vector<1x10000x64xf32>
    %get3A_19 = vector.shape_cast %get3A_18 : vector<1x10000x64xf32> to vector<10000x64xf32>
    %add3A_20 = arith.addf %get3A_14, %get3A_19 : vector<10000x64xf32>
    %get3A_21 = arith.constant 0 : index
    %get3A_22 = arith.constant 0 : index
    %get3A_23 = vector.load %arg1[%get3A_21, %get3A_22] : memref<10240x64xf32, #tpu.memory_space<vmem>>, vector<10000x64xf32>
    %add3A_24 = arith.addf %add3A_20, %get3A_23 : vector<10000x64xf32>
    %broadcast_in_dim3A = vector.shape_cast %rsqrt3A : vector<10000xf32> to vector<10000x1xf32>
    %mul3A = vector.broadcast %broadcast_in_dim3A : vector<10000x1xf32> to vector<10000x64xf32>
    %mul3A_25 = arith.mulf %add3A_24, %mul3A : vector<10000x64xf32>
    %get3A_26 = arith.constant 0 : index
    %get3A_27 = vector.load %arg3[%get3A_26] : memref<64xf32, #tpu.memory_space<vmem>>, vector<64xf32>
    %broadcast_in_dim3A_28 = vector.shape_cast %get3A_27 : vector<64xf32> to vector<1x64xf32>
    %add3A_29 = vector.broadcast %broadcast_in_dim3A_28 : vector<1x64xf32> to vector<10000x64xf32>
    %add3A_30 = arith.addf %mul3A_25, %add3A_29 : vector<10000x64xf32>
    %reduce_max3A = arith.constant dense<0xFF800000> : vector<10000xf32>
    %reduce_max3A_31 = vector.multi_reduction <maximumf>, %add3A_30, %reduce_max3A [1] : vector<10000x64xf32> to vector<10000xf32>
    %broadcast_in_dim3A_32 = vector.shape_cast %reduce_max3A_31 : vector<10000xf32> to vector<10000x1xf32>
    %sub3A = vector.broadcast %broadcast_in_dim3A_32 : vector<10000x1xf32> to vector<10000x64xf32>
    %sub3A_33 = arith.subf %add3A_30, %sub3A : vector<10000x64xf32>
    %exp3A = math.exp %sub3A_33 : vector<10000x64xf32>
    %reduce_sum3A = arith.constant dense<0.000000e+00> : vector<10000xf32>
    %reduce_sum3A_34 = vector.multi_reduction <add>, %exp3A, %reduce_sum3A [1] : vector<10000x64xf32> to vector<10000xf32>
    %broadcast_in_dim3A_35 = vector.shape_cast %reduce_sum3A_34 : vector<10000xf32> to vector<10000x1xf32>
    %log3A = math.log %broadcast_in_dim3A_35 : vector<10000x1xf32>
    %sub3A_36 = vector.broadcast %broadcast_in_dim3A_32 : vector<10000x1xf32> to vector<10000x64xf32>
    %sub3A_37 = arith.subf %add3A_30, %sub3A_36 : vector<10000x64xf32>
    %sub3A_38 = vector.broadcast %log3A : vector<10000x1xf32> to vector<10000x64xf32>
    %sub3A_39 = arith.subf %sub3A_37, %sub3A_38 : vector<10000x64xf32>
    %swap3A = arith.constant 0 : index
    %swap3A_40 = arith.constant 0 : index
    %swap3A_41 = vector.load %arg4[%swap3A, %swap3A_40] : memref<10000x64xf32, #tpu.memory_space<vmem>>, vector<10000x64xf32>
    tpu.vector_store %arg4[%swap3A, %swap3A_40], %sub3A_39 {strides = array<i32>} : memref<10000x64xf32, #tpu.memory_space<vmem>>, vector<10000x64xf32>,
    return
  }
}

</mosaic_0001>

<sc_bundles>
// kernel: _run.11.cloned.1.call-start
scs
__scs_entry_jumppad:
0x0: {  	(pc) =	sbr.rel $0x88, $3  }
0x1: {  	(tag) =	ssettag $0x0;
	lr =	simm.s32 $0x1  }
0x2: {  	[smem:$0x3F9B] =	sst lr;
	_ =	strace $0xD0000000  }
0x3: {  	_ = 	snop  }
0x4: {  	_ = 	snop  }
0x5: {  	_ = 	snop  }
0x6: {  	_ = 	snop  }
0x7: {  	_ = 	snop  }
__scs_overlays_trampoline_lowered:
0x8: {  	[smem:$0x3FAA] =	sst s0  }
0x9: {  	[smem:$0x3FAB] =	sst s1  }
0xa: {  	[smem:$0x3FAC] =	sst s2  }
0xb: {  	[smem:$0x3FAD] =	sst s3  }
0xc: {  	[smem:$0x3FAE] =	sst s4  }
0xd: {  	[smem:$0x3FAF] =	sst s5  }
0xe: {  	[smem:$0x3FB0] =	sst s6  }
0xf: {  	[smem:$0x3FB1] =	sst s7  }
0x10: {  	[smem:$0x3FB2] =	sst s8  }
0x11: {  	[smem:$0x3FB3] =	sst s9;
	s0 =	simm.s32 @!p0 $0x0  }
0x12: {  	s1 =	sld [smem:$0x3F99];
	s0 =	simm.s32 @p0 $0x1  }
0x13: {  	[smem:$0x3FB4] =	sst s0;
	s0 =	simm.s32 @!p1 $0x0  }
0x14: {  	s2 =	sld [smem:$0x3F98];
	s0 =	simm.s32 @p1 $0x1  }
0x15: {  	[smem:$0x3FB5] =	sst s0;
	s0 =	simm.s32 @!p2 $0x0  }
0x16: {  	s3 =	sld [smem:$0x3FDB];
	s0 =	simm.s32 @p2 $0x1  }
0x17: {  	s4 =	simm.s32 $0x1BF5;
	[smem:$0x3FB7] =	sst s0  }
0x18: {  	s0 =	sld [smem:$0x3F9A];
	_ =	swait.ge [sflag:s4], $0x0  }
0x19: {  	s7 =	sld [smem:$0x3F9B]  }
0x1a: {  	s8 =	sadd.s32 $0xFFFFE003, lr  }
0x1b: {  	s9 =	sadd.s32 $0xFFFFFEF7, lr;
	s5 =	simm.s32 $0xFFFFFFFF;
	p2 =	slt.u32 s8, $0xFFFFF086  }
0x1c: {  	p1 =	slt.u32 s9, $0xF7A;
	s5 =	simm.s32 @!p2 $0x0  }
0x1d: {  	s5 =	simm.s32 @p1 $0x1;
	p0 =	seq.s32 s7, s2  }
0x1e: {  	s7 =	smul.u32 @!p0 $0xF7A, s2;
	p2 =	seq.s32 @!p0 s5, $0x0  }
0x1f: {  	s9 =	smul.u32 $0xF7A, s1;
	s8 =	simm.s32 @!p0 $0x1BF5;
	p2 =	por !p2, p0  }
0x20: {  	[sflag:s8] =	ssyncset.s32 @!p0 $0xFFFFF086;
	s6 =	sadd.s32 @!p0 s3, s7;
	s7 =	simm.s32 @!p0 $0x108  }
0x21: {  	s3 =	sadd.s32 s3, s9;
	s6 =	sadd.s32 @!p0 $0x88, s6;
	s7 =	simm.s32 @p2 $0x1082  }
0x22: {  	[simem:s7], [sflag:s8] =	dma.local @!p0 [hbm:s6], $0xF7A  }
0x23: {  	s9 =	sor.u32 $0xD0000000, s2;
	s6 =	simm.s32 $0x108;
	_ =	swait.ge @!p0 [sflag:s8], $0x0  }
0x24: {  	s3 =	sadd.s32 $0x88, s3;
	s6 =	simm.s32 @!p1 $0x1082;
	[sflag:s4] =	ssyncset.s32 $0xFFFFF086  }
0x25: {  	[simem:s6], [sflag:s4] =	dma.local [hbm:s3], $0xF7A  }
0x26: {  	[smem:$0x3F9B] =	sst s1;
	(tag) =	ssettag s2;
	_ =	strace s9  }
0x27: {  	s1 =	sld [smem:$0x3FAB]  }
0x28: {  	s2 =	sld [smem:$0x3FAC]  }
0x29: {  	s4 =	sld [smem:$0x3FAE]  }
0x2a: {  	p0 =	seq.s32 s5, $0x0;
	s5 =	sld [smem:$0x3FAF]  }
0x2b: {  	s6 =	sld [smem:$0x3FB0]  }
0x2c: {  	s7 =	sld [smem:$0x3FB1]  }
0x2d: {  	s3 =	simm.s32 $0x108;
	s8 =	sld [smem:$0x3FB2]  }
0x2e: {  	s3 =	simm.s32 @!p0 $0x1082;
	s9 =	sld [smem:$0x3FB3]  }
0x2f: {  	lr =	sadd.s32 s0, s3;
	s0 =	sld [smem:$0x3FAA]  }
0x30: {  	s3 =	sld [smem:$0x3FAD]  }
0x31: {  	[smem:$0x3FB6] =	sst s10  }
0x32: {  	s10 =	sld [smem:$0x3FB4];
	_ =	sdelay $0x3  }
0x33: {  	p0 =	seq.s32 s10, $0x1;
	s10 =	sld [smem:$0x3FB6];
	_ =	sdelay $0x3  }
0x34: {  	[smem:$0x3FB6] =	sst s10  }
0x35: {  	s10 =	sld [smem:$0x3FB5];
	_ =	sdelay $0x3  }
0x36: {  	p1 =	seq.s32 s10, $0x1;
	s10 =	sld [smem:$0x3FB6];
	_ =	sdelay $0x3  }
0x37: {  	[smem:$0x3FB6] =	sst s10  }
0x38: {  	s10 =	sld [smem:$0x3FB7]  }
0x39: {  	_ = 	snop;
	(pc) =	sbr.ind lr, $3  }
0x3a: {  	_ = 	snop  }
0x3b: {  	_ = 	snop  }
0x3c: {  	p2 =	seq.s32 s10, $0x1;
	s10 =	sld [smem:$0x3FB6]  }
0x3d: {  	_ =	shalt  }
0x3e: {  	_ =	shalt  }
0x3f: {  	_ =	shalt  }
0x40: {  	_ =	shalt  }
0x41: {  	_ =	shalt  }
0x42: {  	_ =	shalt  }
0x43: {  	_ =	shalt  }
0x44: {  	_ =	shalt  }
0x45: {  	_ =	shalt  }
0x46: {  	_ =	shalt  }
0x47: {  	_ =	shalt  }
0x48: {  	_ =	shalt  }
0x49: {  	_ =	shalt  }
0x4a: {  	_ =	shalt  }
0x4b: {  	_ =	shalt  }
0x4c: {  	_ =	shalt  }
0x4d: {  	_ =	shalt  }
0x4e: {  	_ =	shalt  }
0x4f: {  	_ =	shalt  }
0x50: {  	_ =	shalt  }
0x51: {  	_ =	shalt  }
0x52: {  	_ =	shalt  }
0x53: {  	_ =	shalt  }
0x54: {  	_ =	shalt  }
0x55: {  	_ =	shalt  }
0x56: {  	_ =	shalt  }
0x57: {  	_ =	shalt  }
0x58: {  	_ =	shalt  }
0x59: {  	_ =	shalt  }
0x5a: {  	_ =	shalt  }
0x5b: {  	_ =	shalt  }
0x5c: {  	_ =	shalt  }
0x5d: {  	_ =	shalt  }
0x5e: {  	_ =	shalt  }
0x5f: {  	_ =	shalt  }
0x60: {  	_ =	shalt  }
0x61: {  	_ =	shalt  }
0x62: {  	_ =	shalt  }
0x63: {  	_ =	shalt  }
0x64: {  	_ =	shalt  }
0x65: {  	_ =	shalt  }
0x66: {  	_ =	shalt  }
0x67: {  	_ =	shalt  }
0x68: {  	_ =	shalt  }
0x69: {  	_ =	shalt  }
0x6a: {  	_ =	shalt  }
0x6b: {  	_ =	shalt  }
0x6c: {  	_ =	shalt  }
0x6d: {  	_ =	shalt  }
0x6e: {  	_ =	shalt  }
0x6f: {  	_ =	shalt  }
0x70: {  	_ =	shalt  }
0x71: {  	_ =	shalt  }
0x72: {  	_ =	shalt  }
0x73: {  	_ =	shalt  }
0x74: {  	_ =	shalt  }
0x75: {  	_ =	shalt  }
0x76: {  	_ =	shalt  }
0x77: {  	_ =	shalt  }
0x78: {  	_ =	shalt  }
0x79: {  	_ =	shalt  }
0x7a: {  	_ =	shalt  }
0x7b: {  	_ =	shalt  }
0x7c: {  	_ =	shalt  }
0x7d: {  	_ =	shalt  }
0x7e: {  	_ =	shalt  }
0x7f: {  	_ =	shalt  }
0x80: {  	_ =	shalt  }
0x81: {  	_ =	shalt  }
0x82: {  	_ =	shalt  }
0x83: {  	_ =	shalt  }
0x84: {  	_ =	shalt  }
0x85: {  	_ =	shalt  }
0x86: {  	_ =	shalt  }
0x87: {  	_ =	shalt  }
.Lfunc_end0:
.L_simem_size_0:
called_computation.1_lowered:
.L_overlay_start_0:
0x88: {  	s2 =	sld [smem:$0x3FD9]  }
0x89: {  	s3 =	sld [smem:$0x3FFE];
	_ =	sdelay $0x1  }
0x8a: {  	s1 =	srdreg.scid  }
0x8b: {  	s0 =	sand.u32 $0x1, s1  }
0x8c: {  	s17 =	sshll.u32 s0, $0xA;
	s2 =	sadd.s32 s3, s2  }
0x8d: {  	s2 =	sadd.s32 s2, s17  }
0x8e: {  	[smem:$0x3FC2] =	sst s2  }
0x8f: {  	_ = 	snop  }
0x90: {  	s2 =	sld [smem:$0x3FD0];
	(tm) =	ssettm $0x1  }
0x91: {  	s18 =	sld [smem:$0x3FFB];
	_ =	sdelay $0x3  }
0x92: {  	_ =	strace s18  }
0x93: {  	s3 =	sld [smem:$0x3FFC];
	_ =	sdelay $0x3  }
0x94: {  	_ =	strace s3  }
0x95: {  	s3 =	sld [smem:$0x3FFD];
	_ =	sdelay $0x3  }
0x96: {  	_ =	strace s3  }
0x97: {  	_ =	strace $0x8FFFFFFF  }
0x98: {  	s19 =	sld [smem:$0x3FDB];
	_ =	sdelay $0x1  }
0x99: {  	s4 =	simm.s32 $_scs_section_size  }
0x9a: {  	s5 =	simm.s32 $_size__tile_overlayer_lowered;
	s6 =	simm.s32 $_tile_overlayer_lowered  }
0x9b: {  	s22 =	simm.s32 $0x1BFF;
	s21 =	sshll.u32 s6, $0x1;
	s3 =	sadd.s32 s4, s19  }
0x9c: {  	s7 =	simm.s32 $0x0;
	s20 =	sshll.u32 s5, $0x1;
	s5 =	sadd.s32 s21, s3  }
0x9d: {  	[timem:s7], [sflag:s22] =	dma.local [hbm:s5], s20  }
0x9e: {  	_ =	swait.ge [sflag:s22], s20  }
0x9f: {  	s4 =	ssub.s32 $0x0, s20;
	[sflag:s22] =	ssyncset.done $0x0  }
0xa0: {  	[sflag:s22] =	ssyncadd.s32 s4;
	_ =	sdelay $0x1  }
0xa1: {  	s23 =	simm.s32 $0x1B8B  }
0xa2: {  	_ =	swait.ge [sflag:s23], $0x1  }
0xa3: {  	[sflag:s23] =	ssyncset.done $0x0  }
0xa4: {  	s25 =	simm.s32 $0x1B8E;
	s24 =	sld [smem:$0x3FFE];
	[sflag:s23] =	ssyncadd.s32 $0xFFFFFFFF  }
0xa5: {  	s26 =	simm.s32 $execute0_lowered;
	[smem:$0x3FD2] =	sst s25  }
0xa6: {  	s5 =	sshll.u32 s26, $0x1;
	_ =	strace $0x80000049;
	[dreg:$0x1] =	wrdreg $0xFFFFFFFF  }
0xa7: {  	s28 =	simm.s32 $_size_execute0_lowered;
	s3 =	sadd.s32 s3, s5;
	[dreg:$0x0] =	wrdreg $0x0  }
0xa8: {  	s5 =	sshll.u32 s28, $0x1;
	[dreg:$0x2] =	wrdreg s3  }
0xa9: {  	[dreg:$0x3] =	wrdreg s5  }
0xaa: {  	[dreg:$0x4] =	wrdreg $0xC0  }
0xab: {  	_ =	task [dreg:s7], $0x5FFFF  }
0xac: {  	[dreg:$0x1] =	wrdreg $0xFFFFFFFF  }
0xad: {  	[dreg:$0x0] =	wrdreg $0x60  }
0xae: {  	[dreg:$0x2] =	wrdreg s24  }
0xaf: {  	[dreg:$0x3] =	wrdreg s2  }
0xb0: {  	[dreg:$0x4] =	wrdreg $0xAA000  }
0xb1: {  	[dreg:$0x5] =	wrdreg $0x9  }
0xb2: {  	_ =	task.clear_ibuf [dreg:s7], $0x6FFFF;
	_ =	strace $0x90000049  }
0xb3: {  	s29 =	simm.s32 $0x9;
	_ =	strace $0x8000004B  }
0xb4: {  	_ =	swait.ge [sflag:s29], $0x1  }
0xb5: {  	[sflag:s29] =	ssyncadd.s32 $0xFFFFFFFF  }
0xb6: {  	_ =	strace $0x9000004B  }
0xb7: {  	_ =	sfence  }
0xb8: {  	s30 =	sld [smem:$0x0];
	_ =	sdelay $0x2  }
0xb9: {  	s31 =	sshll.u32 s1, $0xD;
	s1 =	sshrl.u32 s1, $0x2  }
0xba: {  	s3 =	sand.u32 $0x4000, s31;
	s1 =	sadd.s32 s1, s30  }
0xbb: {  	s0 =	sor.u32 s3, s0;
	s1 =	sshll.u32 s1, $0x11  }
0xbc: {  	s0 =	sor.u32 s1, s0  }
0xbd: {  	s0 =	sadd.s32 $0x8F2B, s0  }
0xbe: {  	[sflag:s0] =	ssyncadd.remote.s32 $0x1  }
0xbf: {  	_ =	sfence.sel $0xFFFF  }
0xc0: {  	[dreg:$0x0] =	wrdreg $0xFFFFFFFF;
	(pc) =	sbr.abs _section_cstart, $3  }
0xc1: {  	[dreg:$0x1] =	wrdreg $0xFFFFFFFF  }
0xc2: {  	_ =	task.clear_ibuf [dreg:s7], $0x2FFFF;
	_ =	strace $0x9FFFFFFF  }
0xc3: {  	(tm) =	ssettm $0x7FFFFFFF  }
tec
execute0_lowered:
.L_overlay_start_1:
0x0: {  	(tag) =	ssettag $0x1  }
0x1: {  	s0 =	rddreg [dreg:$0x0]  }
0x2: {  	s2 =	rddreg [dreg:$0x1]  }
0x3: {  	s1 =	rddreg [dreg:$0x2]  }
0x4: {  	s3 =	simm.s32 $0x0;
	s4 =	srdreg.scid;
	s11 =	stileid.u32  }
0x5: {  	s28 =	simm.s32 $0x2800;
	s29 =	simm.s32 $0x40;
	s7 =	smul.u32 $0x14000, s11  }
0x6: {  	s31 =	simm.s32 $0x2980;
	s6 =	sand.u32 $0x1, s4;
	s22 =	smul.u32 $0x50000, s11  }
0x7: {  	[smem:$0x7FF] =	sst s3;
	s4 =	sadd.s32 $0xC200, s0;
	s5 =	smul.u32 $0x140000, s6  }
0x8: {  	s8 =	sadd.s32 $0x2200, s0;
	s9 =	sshll.u32 s6, $0x4;
	s25 =	smul.u32 $0x28000, s6  }
0x9: {  	s10 =	ssub.s32 $0x2, s6;
	s9 =	sor.u32 s11, s9;
	s11 =	smul.u32 $0x2800, s11  }
0xa: {  	_ =	strace $0x8000004A;
	s23 =	sshrl.u32 s10, $0x1;
	s9 =	smul.u32 $0x2800, s9  }
0xb: {  	s5 =	sadd.s32 s7, s5;
	s7 =	sshrl.u32 s22, $0x2;
	s10 =	ssub.s32 s10, s23  }
0xc: {  	s5 =	sshrl.u32 s5, $0x3;
	s12 =	smax.u32 s10, $0x1;
	s24 =	sshrl.u32 s9, $0x3  }
0xd: {  	s0 =	sadd.s32 s5, s0;
	[dreg:$0x9] =	wrdreg s12;
	s2 =	sadd.s32 s2, s24  }
0xe: {  	s5 =	sadd.s32 s7, s1;
	s7 =	sadd.s32 s8, s24;
	[dreg:$0x4] =	wrdreg s2  }
0xf: {  	s30 =	simm.s32 $0x8A00;
	s0 =	sadd.s32 $0x34200, s0;
	[dreg:$0x5] =	wrdreg s7  }
0x10: {  	s16 =	sadd.s32 s11, s25;
	s13 =	sadd.s32 $0x2000, s5;
	[dreg:$0x8] =	wrdreg s0  }
0x11: {  	s10 =	simm.s32 $0x3;
	s14 =	sadd.s32 $0x4000, s5;
	[dreg:$0xa] =	wrdreg s13  }
0x12: {  	s11 =	simm.s32 $0x8;
	s15 =	sadd.s32 $0x6000, s5;
	[dreg:$0xb] =	wrdreg s14  }
0x13: {  	s19 =	sor.u32 $0x100, s16;
	s17 =	sadd.s32 $0x8000, s5;
	[dreg:$0xc] =	wrdreg s15  }
0x14: {  	s25 =	sor.u32 $0xC0, s16;
	s18 =	sadd.s32 $0xA000, s5;
	[dreg:$0xd] =	wrdreg s17  }
0x15: {  	s12 =	simm.s32 $0x4;
	s20 =	sadd.s32 $0xC000, s5;
	[dreg:$0xe] =	wrdreg s18  }
0x16: {  	s21 =	sadd.s32 $0xE000, s5;
	s22 =	sadd.s32 $0x10000, s5;
	[dreg:$0xf] =	wrdreg s20  }
0x17: {  	s23 =	sadd.s32 $0x12000, s5;
	s24 =	sor.u32 $0x140, s16;
	[dreg:$0x10] =	wrdreg s21  }
0x18: {  	s6 =	sshrl.u32 s25, $0x3;
	s25 =	simm.s32 $0x2A00;
	[dreg:$0x11] =	wrdreg s22  }
0x19: {  	s26 =	sadd.s32 $0x8, s7;
	s9 =	sadd.s32 $0x10, s7;
	[dreg:$0x12] =	wrdreg s23  }
0x1a: {  	s2 =	sshrl.u32 s19, $0x3;
	s0 =	sor.u32 $0x180, s16;
	[dreg:$0x6] =	wrdreg s26  }
0x1b: {  	s13 =	simm.s32 $0x0;
	[dreg:$0x7] =	wrdreg s9;
	s2 =	sadd.s32 s2, s8  }
0x1c: {  	s0 =	sshrl.u32 s0, $0x3;
	s26 =	sadd.s32 s6, s8;
	s6 =	simm.s32 $0x5  }
0x1d: {  	s9 =	simm.s32 $0x7;
	[dreg:$0x13] =	wrdreg s2;
	s2 =	sshrl.u32 s24, $0x3  }
0x1e: {  	[dreg:$0x15] =	wrdreg s26;
	s0 =	sadd.s32 s0, s8;
	s26 =	simm.s32 $0x9  }
0x1f: {  	s2 =	sadd.s32 s2, s8;
	[dreg:$0x16] =	wrdreg s0;
	s0 =	simm.s32 $0x2900  }
0x20: {  	v0 =	vimm.f32 $0.0e+00;
	s8 =	simm.s32 $0x1;
	[dreg:$0x14] =	wrdreg s2;
	s2 =	simm.s32 $0x6A00  }
.LBB2_1:
0x21: {  	s14 =	simm.s32 $0x0;
	s15 =	simm.s32 $0x200  }
.LBB2_2:
0x22: {  	p0 =	sne.s32 s15, $0x7E00;
	[tilespmem:s14+$0x2A70] =	vst v0  }
0x23: {  	[tilespmem:s14+$0x2A00] =	vst v0  }
0x24: {  	[tilespmem:s14+$0x2A10] =	vst v0  }
.Ltmp0:
0x25: {  	[tilespmem:s14+$0x2A20] =	vst v0;
	(pc) =	sbr.rel @p0 .LBB2_2-.Ltmp0, $4  }
0x26: {  	[tilespmem:s14+$0x2A30] =	vst v0  }
0x27: {  	[tilespmem:s14+$0x2A40] =	vst v0  }
0x28: {  	[tilespmem:s14+$0x2A50] =	vst v0  }
0x29: {  	[tilespmem:s14+$0x2A60] =	vst v0;
	s14 =	sshra.s32 s15, $0x2;
	s15 =	sadd.s32 $0x200, s15  }
0x2a: {  	[tilespmem:s14+$0x2A70] =	vst v0  }
0x2b: {  	[tilespmem:s14+$0x2A00] =	vst v0  }
0x2c: {  	[tilespmem:s14+$0x2A10] =	vst v0  }
0x2d: {  	[tilespmem:s14+$0x2A20] =	vst v0  }
0x2e: {  	[tilespmem:s14+$0x2A30] =	vst v0  }
0x2f: {  	[tilespmem:s14+$0x2A40] =	vst v0  }
0x30: {  	[tilespmem:s14+$0x2A50] =	vst v0  }
0x31: {  	[tilespmem:s14+$0x2A60] =	vst v0  }
0x32: {  	[spmem:s5] =	stream.linear.scatter [tilespmem:s25], [sflag:$0x9], $0x2000, $0x38;
	[tilespmem:$0x1EA00] =	vst v63  }
0x33: {  	_ =	swait.ge [sflag:s26], $0x2000  }
0x34: {  	[sflag:s26] =	ssyncset.done $0x0  }
0x35: {  	s7 =	rddreg [dreg:$0xa];
	[sflag:s26] =	ssyncadd.s32 $0xFFFFE000  }
0x36: {  	[spmem:s7] =	stream.linear.scatter [tilespmem:s25], [sflag:$0x9], $0x2000, $0x38;
	[tilespmem:$0x1EA00] =	vst v63  }
0x37: {  	_ =	swait.ge [sflag:s26], $0x2000  }
0x38: {  	[sflag:s26] =	ssyncset.done $0x0  }
0x39: {  	s20 =	rddreg [dreg:$0xb];
	[sflag:s26] =	ssyncadd.s32 $0xFFFFE000  }
0x3a: {  	[spmem:s20] =	stream.linear.scatter [tilespmem:s25], [sflag:$0x9], $0x2000, $0x38;
	[tilespmem:$0x1EA00] =	vst v63  }
0x3b: {  	_ =	swait.ge [sflag:s26], $0x2000  }
0x3c: {  	[sflag:s26] =	ssyncset.done $0x0  }
0x3d: {  	s21 =	rddreg [dreg:$0xc];
	[sflag:s26] =	ssyncadd.s32 $0xFFFFE000  }
0x3e: {  	[spmem:s21] =	stream.linear.scatter [tilespmem:s25], [sflag:$0x9], $0x2000, $0x38;
	[tilespmem:$0x1EA00] =	vst v63  }
0x3f: {  	_ =	swait.ge [sflag:s26], $0x2000  }
0x40: {  	[sflag:s26] =	ssyncset.done $0x0  }
0x41: {  	s22 =	rddreg [dreg:$0xd];
	[sflag:s26] =	ssyncadd.s32 $0xFFFFE000  }
0x42: {  	[spmem:s22] =	stream.linear.scatter [tilespmem:s25], [sflag:$0x9], $0x2000, $0x38;
	[tilespmem:$0x1EA00] =	vst v63  }
0x43: {  	_ =	swait.ge [sflag:s26], $0x2000  }
0x44: {  	[sflag:s26] =	ssyncset.done $0x0  }
0x45: {  	s23 =	rddreg [dreg:$0xe];
	[sflag:s26] =	ssyncadd.s32 $0xFFFFE000  }
0x46: {  	[spmem:s23] =	stream.linear.scatter [tilespmem:s25], [sflag:$0x9], $0x2000, $0x38;
	[tilespmem:$0x1EA00] =	vst v63  }
0x47: {  	_ =	swait.ge [sflag:s26], $0x2000  }
0x48: {  	[sflag:s26] =	ssyncset.done $0x0  }
0x49: {  	s24 =	rddreg [dreg:$0xf];
	[sflag:s26] =	ssyncadd.s32 $0xFFFFE000  }
0x4a: {  	[spmem:s24] =	stream.linear.scatter [tilespmem:s25], [sflag:$0x9], $0x2000, $0x38;
	[tilespmem:$0x1EA00] =	vst v63  }
0x4b: {  	_ =	swait.ge [sflag:s26], $0x2000  }
0x4c: {  	[sflag:s26] =	ssyncset.done $0x0  }
0x4d: {  	s14 =	rddreg [dreg:$0x10];
	[sflag:s26] =	ssyncadd.s32 $0xFFFFE000  }
0x4e: {  	[spmem:s14] =	stream.linear.scatter [tilespmem:s25], [sflag:$0x9], $0x2000, $0x38;
	[tilespmem:$0x1EA00] =	vst v63  }
0x4f: {  	_ =	swait.ge [sflag:s26], $0x2000  }
0x50: {  	[sflag:s26] =	ssyncset.done $0x0  }
0x51: {  	s15 =	rddreg [dreg:$0x11];
	[sflag:s26] =	ssyncadd.s32 $0xFFFFE000  }
0x52: {  	[spmem:s15] =	stream.linear.scatter [tilespmem:s25], [sflag:$0x9], $0x2000, $0x38;
	[tilespmem:$0x1EA00] =	vst v63  }
0x53: {  	_ =	swait.ge [sflag:s26], $0x2000  }
0x54: {  	[sflag:s26] =	ssyncset.done $0x0  }
0x55: {  	s16 =	rddreg [dreg:$0x12];
	[sflag:s26] =	ssyncadd.s32 $0xFFFFE000  }
0x56: {  	[spmem:s16] =	stream.linear.scatter [tilespmem:s25], [sflag:$0x9], $0x2000, $0x38;
	[tilespmem:$0x1EA00] =	vst v63  }
0x57: {  	_ =	swait.ge [sflag:s26], $0x2000  }
0x58: {  	[sflag:s26] =	ssyncset.done $0x0  }
0x59: {  	[sflag:s26] =	ssyncadd.s32 $0xFFFFE000  }
0x5a: {  	[bflag:$0x0] =	sbarrier.arrive $0xFFFF  }
0x5b: {  	s17 =	simm.s32 $0x0;
	s18 =	rddreg [dreg:$0x4]  }
0x5c: {  	[tilespmem:s17], [sflag:$0x9] =	stream.linear.gather [hbm4b:s18+s17], $0x2800, $0x38;
	[tilespmem:$0x1EA00] =	vst v63  }
0x5d: {  	_ =	swait.ge [sflag:s26], $0x2800  }
0x5e: {  	[sflag:s26] =	ssyncset.done $0x0  }
0x5f: {  	s19 =	rddreg [dreg:$0x5];
	[sflag:s26] =	ssyncadd.s32 $0xFFFFD800  }
0x60: {  	[tilespmem:s28], [sflag:$0x5] =	stream.linear.gather [hbm4b:s19+s17], $0x40, $0x38;
	[tilespmem:$0x1EA00] =	vst v63  }
0x61: {  	_ = 	snop  }
0x62: {  	[tilespmem:s25], [sflag:$0x1] =	stream.indirect.gather [hbm4b:s4+s29], $0x80, s17, s29, $0xb8;
	[tilespmem:$0x1EA00] =	vst v63  }
0x63: {  	s15 =	simm.s32 $0x2880;
	s20 =	rddreg [dreg:$0x6]  }
0x64: {  	[tilespmem:s15], [sflag:$0x6] =	stream.linear.gather [hbm4b:s20+s17], $0x40, $0x38;
	[tilespmem:$0x1EA00] =	vst v63  }
0x65: {  	s21 =	simm.s32 $0x4A00  }
0x66: {  	[tilespmem:s21], [sflag:$0x2] =	stream.indirect.gather [hbm4b:s4+s29], $0x80, s29, s29, $0xb8;
	[tilespmem:$0x1EA00] =	vst v63  }
0x67: {  	s22 =	rddreg [dreg:$0x7]  }
0x68: {  	[tilespmem:s0], [sflag:$0x7] =	stream.linear.gather [hbm4b:s22+s17], $0x40, $0x38;
	[tilespmem:$0x1EA00] =	vst v63  }
0x69: {  	s23 =	simm.s32 $0x80  }
0x6a: {  	[tilespmem:s2], [sflag:$0x3] =	stream.indirect.gather [hbm4b:s4+s29], $0x80, s23, s29, $0xb8;
	[tilespmem:$0x1EA00] =	vst v63  }
0x6b: {  	s20 =	rddreg [dreg:$0x15]  }
0x6c: {  	[tilespmem:s31], [sflag:$0x8] =	stream.linear.gather [hbm4b:s20+s3], $0x40, $0x38;
	[tilespmem:$0x1EA00] =	vst v63  }
0x6d: {  	s24 =	simm.s32 $0xC0  }
0x6e: {  	[tilespmem:s30], [sflag:$0x4] =	stream.indirect.gather [hbm4b:s4+s29], $0x80, s24, s29, $0xb8;
	[tilespmem:$0x1EA00] =	vst v63  }
0x6f: {  	_ =	swait.ge [sflag:s6], $0x40  }
0x70: {  	[sflag:s6] =	ssyncset.done $0x0  }
0x71: {  	[sflag:s6] =	ssyncadd.s32 $0xFFFFFFC0  }
0x72: {  	_ =	swait.ge [sflag:s8], $0x2000  }
0x73: {  	[sflag:s8] =	ssyncset.done $0x0  }
0x74: {  	[sflag:s8] =	ssyncadd.s32 $0xFFFFE000  }
0x75: {  	[spmem:s1] =	stream.indirect.scatter.add.f32 [tilespmem:s25], [sflag:$0x9], $0x80, s28, s29, $0xb8;
	[tilespmem:$0x1EA00] =	vst v63  }
0x76: {  	_ =	swait.ge [sflag:s26], $0x2000  }
0x77: {  	p0 =	por $0x0, $0x0;
	[sflag:s26] =	ssyncset.done $0x0  }
0x78: {  	s14 =	simm.s32 @p0 $0x6;
	[sflag:s26] =	ssyncadd.s32 $0xFFFFE000  }
0x79: {  	_ =	swait.ge @p0 [sflag:s14], $0x40  }
0x7a: {  	[sflag:s14] =	ssyncset.done @p0 $0x0  }
0x7b: {  	[sflag:s14] =	ssyncadd.s32 @p0 $0xFFFFFFC0;
	s14 =	simm.s32 @p0 $0x2  }
0x7c: {  	_ =	swait.ge @p0 [sflag:s14], $0x2000  }
0x7d: {  	s16 =	simm.s32 @p0 $0x9;
	s15 =	simm.s32 @p0 $0x4A00;
	[sflag:s14] =	ssyncset.done @p0 $0x0  }
0x7e: {  	s17 =	simm.s32 @p0 $0x2880;
	[sflag:s14] =	ssyncadd.s32 @p0 $0xFFFFE000;
	s14 =	simm.s32 @p0 $0x40  }
0x7f: {  	[spmem:s1] =	stream.indirect.scatter.add.f32 @p0 [tilespmem:s15], [sflag:$0x9], $0x80, s17, s14, $0xb8;
	[tilespmem:$0x1EA00] =	vst v63  }
0x80: {  	_ =	swait.ge @p0 [sflag:s16], $0x2000  }
0x81: {  	s18 =	simm.s32 @!p0 $0x6;
	s15 =	simm.s32 @!p0 $0x0;
	[sflag:s16] =	ssyncset.done @p0 $0x0  }
0x82: {  	s7 =	rddreg [dreg:$0x13];
	[sflag:s16] =	ssyncadd.s32 @p0 $0xFFFFE000;
	s16 =	simm.s32 @!p0 $0x2800  }
0x83: {  	[tilespmem:s16], [sflag:$0x5] =	stream.linear.gather @!p0 [hbm4b:s7+s15], $0x40, $0x38;
	[tilespmem:$0x1EA00] =	vst v63  }
0x84: {  	s14 =	simm.s32 @!p0 $0x100;
	s17 =	simm.s32 @!p0 $0x2A00;
	s16 =	simm.s32 @!p0 $0x40  }
0x85: {  	[tilespmem:s17], [sflag:$0x1] =	stream.indirect.gather @!p0 [hbm4b:s4+s16], $0x80, s14, s16, $0xb8;
	[tilespmem:$0x1EA00] =	vst v63  }
0x86: {  	_ =	swait.ge @!p0 [sflag:s18], $0x40  }
0x87: {  	[sflag:s18] =	ssyncset.done @!p0 $0x0  }
0x88: {  	s14 =	simm.s32 @!p0 $0x2;
	[sflag:s18] =	ssyncadd.s32 @!p0 $0xFFFFFFC0  }
0x89: {  	_ =	swait.ge @!p0 [sflag:s14], $0x2000  }
0x8a: {  	s17 =	simm.s32 @!p0 $0x9;
	[sflag:s14] =	ssyncset.done @!p0 $0x0  }
0x8b: {  	s18 =	simm.s32 @!p0 $0x4A00;
	[sflag:s14] =	ssyncadd.s32 @!p0 $0xFFFFE000;
	s14 =	simm.s32 @!p0 $0x2880  }
0x8c: {  	[spmem:s1] =	stream.indirect.scatter.add.f32 @!p0 [tilespmem:s18], [sflag:$0x9], $0x80, s14, s16, $0xb8;
	[tilespmem:$0x1EA00] =	vst v63  }
0x8d: {  	_ =	swait.ge @!p0 [sflag:s17], $0x2000  }
0x8e: {  	[sflag:s17] =	ssyncset.done @!p0 $0x0  }
0x8f: {  	s19 =	rddreg [dreg:$0x14];
	[sflag:s17] =	ssyncadd.s32 @!p0 $0xFFFFE000  }
0x90: {  	[tilespmem:s14], [sflag:$0x6] =	stream.linear.gather @!p0 [hbm4b:s19+s15], $0x40, $0x38;
	[tilespmem:$0x1EA00] =	vst v63  }
0x91: {  	s14 =	simm.s32 @!p0 $0x140  }
0x92: {  	[tilespmem:s18], [sflag:$0x2] =	stream.indirect.gather @!p0 [hbm4b:s4+s16], $0x80, s14, s16, $0xb8;
	[tilespmem:$0x1EA00] =	vst v63  }
0x93: {  	_ =	swait.ge [sflag:s9], $0x40  }
0x94: {  	[sflag:s9] =	ssyncset.done $0x0  }
0x95: {  	[sflag:s9] =	ssyncadd.s32 $0xFFFFFFC0  }
0x96: {  	_ =	swait.ge [sflag:s10], $0x2000  }
0x97: {  	[sflag:s10] =	ssyncset.done $0x0  }
0x98: {  	[sflag:s10] =	ssyncadd.s32 $0xFFFFE000  }
0x99: {  	[spmem:s1] =	stream.indirect.scatter.add.f32 [tilespmem:s2], [sflag:$0x9], $0x80, s0, s29, $0xb8;
	[tilespmem:$0x1EA00] =	vst v63  }
0x9a: {  	_ =	swait.ge [sflag:s26], $0x2000  }
0x9b: {  	[sflag:s26] =	ssyncset.done $0x0  }
0x9c: {  	s14 =	simm.s32 @!p0 $0x2900;
	s17 =	rddreg [dreg:$0x16];
	[sflag:s26] =	ssyncadd.s32 $0xFFFFE000  }
0x9d: {  	[tilespmem:s14], [sflag:$0x7] =	stream.linear.gather @!p0 [hbm4b:s17+s15], $0x40, $0x38;
	[tilespmem:$0x1EA00] =	vst v63  }
0x9e: {  	s14 =	simm.s32 @!p0 $0x180;
	s15 =	simm.s32 @!p0 $0x6A00  }
0x9f: {  	[tilespmem:s15], [sflag:$0x3] =	stream.indirect.gather @!p0 [hbm4b:s4+s16], $0x80, s14, s16, $0xb8;
	[tilespmem:$0x1EA00] =	vst v63  }
0xa0: {  	_ =	swait.ge [sflag:s11], $0x40  }
0xa1: {  	[sflag:s11] =	ssyncset.done $0x0  }
0xa2: {  	[sflag:s11] =	ssyncadd.s32 $0xFFFFFFC0  }
0xa3: {  	_ =	swait.ge [sflag:s12], $0x2000  }
0xa4: {  	[sflag:s12] =	ssyncset.done $0x0  }
0xa5: {  	s18 =	sadd.s32 $0x20, s19;
	[sflag:s12] =	ssyncadd.s32 $0xFFFFE000  }
0xa6: {  	[spmem:s1] =	stream.indirect.scatter.add.f32 [tilespmem:s30], [sflag:$0x9], $0x80, s31, s29, $0xb8;
	[tilespmem:$0x1EA00] =	vst v63  }
0xa7: {  	s14 =	simm.s32 $0x400;
	s15 =	sadd.s32 $0x20, s20;
	_ =	swait.ge [sflag:s26], $0x2000  }
0xa8: {  	s16 =	sadd.s32 $0x20, s17;
	s17 =	sadd.s32 $0x20, s7;
	[sflag:s26] =	ssyncset.done $0x0  }
.LBB2_4:
0xa9: {  	s19 =	sshra.s32 s14, $0x2  }
0xaa: {  	[sflag:s26] =	ssyncadd.s32 $0xFFFFE000;
	s20 =	smov.u32 s14;
	s14 =	sadd.s32 $0x400, s14  }
0xab: {  	[tilespmem:s31], [sflag:$0x8] =	stream.linear.gather [hbm4b:s15+s3], $0x40, $0x38;
	[tilespmem:$0x1EA00] =	vst v63  }
0xac: {  	s19 =	sadd.s32 $0xC0, s19;
	p0 =	sne.s32 s14, $0xA000  }
0xad: {  	[tilespmem:s30], [sflag:$0x4] =	stream.indirect.gather [hbm4b:s4+s29], $0x80, s19, s29, $0xb8;
	[tilespmem:$0x1EA00] =	vst v63  }
0xae: {  	_ =	swait.ge [sflag:s6], $0x40  }
0xaf: {  	[sflag:s6] =	ssyncset.done $0x0  }
0xb0: {  	[sflag:s6] =	ssyncadd.s32 $0xFFFFFFC0  }
0xb1: {  	_ =	swait.ge [sflag:s8], $0x2000  }
0xb2: {  	[sflag:s8] =	ssyncset.done $0x0  }
0xb3: {  	[sflag:s8] =	ssyncadd.s32 $0xFFFFE000  }
0xb4: {  	[spmem:s1] =	stream.indirect.scatter.add.f32 [tilespmem:s25], [sflag:$0x9], $0x80, s28, s29, $0xb8;
	[tilespmem:$0x1EA00] =	vst v63  }
0xb5: {  	_ =	swait.ge [sflag:s26], $0x2000  }
0xb6: {  	p1 =	seq.s32 s20, $0x9C00;
	[sflag:s26] =	ssyncset.done $0x0  }
0xb7: {  	s7 =	simm.s32 @p1 $0x6;
	s19 =	sshra.s32 @!p1 s20, $0x2;
	[sflag:s26] =	ssyncadd.s32 $0xFFFFE000  }
0xb8: {  	s21 =	sadd.s32 @!p1 $0x100, s19;
	s20 =	sadd.s32 @!p1 $0x140, s19;
	_ =	swait.ge @p1 [sflag:s7], $0x40  }
0xb9: {  	s19 =	sadd.s32 @!p1 $0x180, s19;
	[sflag:s7] =	ssyncset.done @p1 $0x0  }
0xba: {  	[sflag:s7] =	ssyncadd.s32 @p1 $0xFFFFFFC0;
	s7 =	simm.s32 @p1 $0x2  }
0xbb: {  	_ =	swait.ge @p1 [sflag:s7], $0x2000  }
0xbc: {  	s22 =	simm.s32 @p1 $0x4A00;
	s23 =	simm.s32 @p1 $0x9;
	[sflag:s7] =	ssyncset.done @p1 $0x0  }
0xbd: {  	s24 =	simm.s32 @p1 $0x2880;
	[sflag:s7] =	ssyncadd.s32 @p1 $0xFFFFE000;
	s7 =	simm.s32 @p1 $0x40  }
0xbe: {  	[spmem:s1] =	stream.indirect.scatter.add.f32 @p1 [tilespmem:s22], [sflag:$0x9], $0x80, s24, s7, $0xb8;
	[tilespmem:$0x1EA00] =	vst v63  }
0xbf: {  	_ =	swait.ge @p1 [sflag:s23], $0x2000  }
0xc0: {  	[sflag:s23] =	ssyncset.done @p1 $0x0  }
0xc1: {  	s7 =	simm.s32 @!p1 $0x0;
	s22 =	simm.s32 @!p1 $0x2800;
	[sflag:s23] =	ssyncadd.s32 @p1 $0xFFFFE000  }
0xc2: {  	[tilespmem:s22], [sflag:$0x5] =	stream.linear.gather @!p1 [hbm4b:s17+s7], $0x40, $0x38;
	[tilespmem:$0x1EA00] =	vst v63  }
0xc3: {  	s24 =	simm.s32 @!p1 $0x6;
	s23 =	simm.s32 @!p1 $0x2A00;
	s22 =	simm.s32 @!p1 $0x40  }
0xc4: {  	[tilespmem:s23], [sflag:$0x1] =	stream.indirect.gather @!p1 [hbm4b:s4+s22], $0x80, s21, s22, $0xb8;
	[tilespmem:$0x1EA00] =	vst v63  }
0xc5: {  	_ =	swait.ge @!p1 [sflag:s24], $0x40  }
0xc6: {  	[sflag:s24] =	ssyncset.done @!p1 $0x0  }
0xc7: {  	s21 =	simm.s32 @!p1 $0x2;
	[sflag:s24] =	ssyncadd.s32 @!p1 $0xFFFFFFC0  }
0xc8: {  	_ =	swait.ge @!p1 [sflag:s21], $0x2000  }
0xc9: {  	s23 =	simm.s32 @!p1 $0x9;
	[sflag:s21] =	ssyncset.done @!p1 $0x0  }
0xca: {  	s24 =	simm.s32 @!p1 $0x4A00;
	[sflag:s21] =	ssyncadd.s32 @!p1 $0xFFFFE000;
	s21 =	simm.s32 @!p1 $0x2880  }
0xcb: {  	[spmem:s1] =	stream.indirect.scatter.add.f32 @!p1 [tilespmem:s24], [sflag:$0x9], $0x80, s21, s22, $0xb8;
	[tilespmem:$0x1EA00] =	vst v63  }
0xcc: {  	_ =	swait.ge @!p1 [sflag:s23], $0x2000  }
0xcd: {  	[sflag:s23] =	ssyncset.done @!p1 $0x0  }
0xce: {  	[sflag:s23] =	ssyncadd.s32 @!p1 $0xFFFFE000  }
0xcf: {  	[tilespmem:s21], [sflag:$0x6] =	stream.linear.gather @!p1 [hbm4b:s18+s7], $0x40, $0x38;
	[tilespmem:$0x1EA00] =	vst v63  }
0xd0: {  	_ = 	snop  }
0xd1: {  	[tilespmem:s24], [sflag:$0x2] =	stream.indirect.gather @!p1 [hbm4b:s4+s22], $0x80, s20, s22, $0xb8;
	[tilespmem:$0x1EA00] =	vst v63  }
0xd2: {  	_ =	swait.ge [sflag:s9], $0x40  }
0xd3: {  	[sflag:s9] =	ssyncset.done $0x0  }
0xd4: {  	[sflag:s9] =	ssyncadd.s32 $0xFFFFFFC0  }
0xd5: {  	_ =	swait.ge [sflag:s10], $0x2000  }
0xd6: {  	[sflag:s10] =	ssyncset.done $0x0  }
0xd7: {  	[sflag:s10] =	ssyncadd.s32 $0xFFFFE000  }
0xd8: {  	[spmem:s1] =	stream.indirect.scatter.add.f32 [tilespmem:s2], [sflag:$0x9], $0x80, s0, s29, $0xb8;
	[tilespmem:$0x1EA00] =	vst v63  }
0xd9: {  	_ =	swait.ge [sflag:s26], $0x2000  }
0xda: {  	[sflag:s26] =	ssyncset.done $0x0  }
0xdb: {  	s20 =	simm.s32 @!p1 $0x2900;
	[sflag:s26] =	ssyncadd.s32 $0xFFFFE000  }
0xdc: {  	[tilespmem:s20], [sflag:$0x7] =	stream.linear.gather @!p1 [hbm4b:s16+s7], $0x40, $0x38;
	[tilespmem:$0x1EA00] =	vst v63  }
0xdd: {  	s7 =	simm.s32 @!p1 $0x6A00  }
0xde: {  	[tilespmem:s7], [sflag:$0x3] =	stream.indirect.gather @!p1 [hbm4b:s4+s22], $0x80, s19, s22, $0xb8;
	[tilespmem:$0x1EA00] =	vst v63  }
0xdf: {  	_ =	swait.ge [sflag:s11], $0x40  }
0xe0: {  	[sflag:s11] =	ssyncset.done $0x0  }
0xe1: {  	[sflag:s11] =	ssyncadd.s32 $0xFFFFFFC0  }
0xe2: {  	_ =	swait.ge [sflag:s12], $0x2000  }
.Ltmp1:
0xe3: {  	[sflag:s12] =	ssyncset.done $0x0;
	(pc) =	sbr.rel @p0 .LBB2_4-.Ltmp1, $4  }
0xe4: {  	[sflag:s12] =	ssyncadd.s32 $0xFFFFE000  }
0xe5: {  	[spmem:s1] =	stream.indirect.scatter.add.f32 [tilespmem:s30], [sflag:$0x9], $0x80, s31, s29, $0xb8;
	[tilespmem:$0x1EA00] =	vst v63  }
0xe6: {  	s15 =	sadd.s32 $0x20, s15;
	s16 =	sadd.s32 $0x20, s16;
	_ =	swait.ge [sflag:s26], $0x2000  }
0xe7: {  	s17 =	sadd.s32 $0x20, s17;
	s18 =	sadd.s32 $0x20, s18;
	[sflag:s26] =	ssyncset.done $0x0  }
0xe8: {  	[sflag:s26] =	ssyncadd.s32 $0xFFFFE000;
	s7 =	stileid.u32  }
0xe9: {  	s7 =	sshll.u32 s7, $0x6;
	[bflag:$0x0] =	sbarrier.arrive $0xFFFF  }
0xea: {  	s14 =	sshrl.u32 s5, $0x3;
	s7 =	sor.u32 $0x1C09, s7;
	s15 =	rddreg [dreg:$0x8]  }
0xeb: {  	[hbm:s15], [sflag:s7] =	dma.local [spmem:s14], $0x2800  }
0xec: {  	_ =	swait.ge [sflag:s26], $0x2800  }
0xed: {  	s13 =	sadd.s32 $0x1, s13;
	s24 =	rddreg [dreg:$0x9]  }
0xee: {  	p0 =	sne.s32 s13, s24  }
.Ltmp2:
0xef: {  	_ = 	snop;
	(pc) =	sbr.rel @p0 .LBB2_1-.Ltmp2, $3  }
0xf0: {  	_ =	sdelay $0x1  }
0xf1: {  	[sflag:s26] =	ssyncset.done $0x0  }
0xf2: {  	[sflag:s26] =	ssyncadd.s32 $0xFFFFD800  }
0xf3: {  	_ =	sfence.sel $0x180000  }
0xf4: {  	[bflag:$0x0] =	sbarrier.arrive $0xFFFF  }
0xf5: {  	_ =	strace $0x9000004A  }
0xf6: {  	s0 =	stileid.u32;
	[bflag:$0x2] =	sbarrier.arrive $0xFFFF  }
0xf7: {  	p0 =	sne.s32 s0, $0x0;
	s0 =	rddreg [dreg:$0x3]  }
0xf8: {  	s0 =	sadd.s32 @!p0 $0x100000, s0  }
0xf9: {  	[sflag:s0] =	ssyncadd.tile.s32 @!p0 $0x1;
	_ =	shalt  }
.Lfunc_end2:
_tile_overlayer_lowered:
.L_overlay_start_2:
0xfa: {  	(tag) =	ssettag $0x2  }
0xfb: {  	s0 =	rddreg [dreg:$0x0];
	s2 =	stileid.u32  }
0xfc: {  	s1 =	rddreg [dreg:$0x1];
	p0 =	sne.s32 s2, $0x0  }
0xfd: {  	s3 =	rddreg [dreg:$0x2];
	[bflag:$0x3] =	sbarrier.arrive $0xFFFF;
	s2 =	simm.s32 @!p0 $0x1C09  }
0xfe: {  	[timem:s3], [sflag:s2] =	dma.local @!p0 [hbm:s0], s1  }
0xff: {  	s0 =	simm.s32 @!p0 $0x9  }
0x100: {  	_ =	swait.ge @!p0 [sflag:s0], s1  }
0x101: {  	s1 =	ssub.s32 @!p0 $0x0, s1;
	[sflag:s0] =	ssyncset.done @!p0 $0x0  }
0x102: {  	[sflag:s0] =	ssyncadd.s32 @!p0 s1  }
0x103: {  	[bflag:$0x3] =	sbarrier.arrive $0xFFFF  }
0x104: {  	_ =	shalt  }

// kernel: _run.14.cloned.1.call-start
scs
__scs_entry_jumppad:
0x0: {  	(pc) =	sbr.rel $0x88, $3  }
0x1: {  	(tag) =	ssettag $0x0;
	lr =	simm.s32 $0x1  }
0x2: {  	[smem:$0x3F9B] =	sst lr;
	_ =	strace $0xD0000000  }
0x3: {  	_ = 	snop  }
0x4: {  	_ = 	snop  }
0x5: {  	_ = 	snop  }
0x6: {  	_ = 	snop  }
0x7: {  	_ = 	snop  }
__scs_overlays_trampoline_lowered:
0x8: {  	[smem:$0x3FAA] =	sst s0  }
0x9: {  	[smem:$0x3FAB] =	sst s1  }
0xa: {  	[smem:$0x3FAC] =	sst s2  }
0xb: {  	[smem:$0x3FAD] =	sst s3  }
0xc: {  	[smem:$0x3FAE] =	sst s4  }
0xd: {  	[smem:$0x3FAF] =	sst s5  }
0xe: {  	[smem:$0x3FB0] =	sst s6  }
0xf: {  	[smem:$0x3FB1] =	sst s7  }
0x10: {  	[smem:$0x3FB2] =	sst s8  }
0x11: {  	[smem:$0x3FB3] =	sst s9;
	s0 =	simm.s32 @!p0 $0x0  }
0x12: {  	s1 =	sld [smem:$0x3F99];
	s0 =	simm.s32 @p0 $0x1  }
0x13: {  	[smem:$0x3FB4] =	sst s0;
	s0 =	simm.s32 @!p1 $0x0  }
0x14: {  	s2 =	sld [smem:$0x3F98];
	s0 =	simm.s32 @p1 $0x1  }
0x15: {  	[smem:$0x3FB5] =	sst s0;
	s0 =	simm.s32 @!p2 $0x0  }
0x16: {  	s3 =	sld [smem:$0x3FDB];
	s0 =	simm.s32 @p2 $0x1  }
0x17: {  	s4 =	simm.s32 $0x1BF5;
	[smem:$0x3FB7] =	sst s0  }
0x18: {  	s0 =	sld [smem:$0x3F9A];
	_ =	swait.ge [sflag:s4], $0x0  }
0x19: {  	s7 =	sld [smem:$0x3F9B]  }
0x1a: {  	s8 =	sadd.s32 $0xFFFFE003, lr  }
0x1b: {  	s9 =	sadd.s32 $0xFFFFFEF7, lr;
	s5 =	simm.s32 $0xFFFFFFFF;
	p2 =	slt.u32 s8, $0xFFFFF086  }
0x1c: {  	p1 =	slt.u32 s9, $0xF7A;
	s5 =	simm.s32 @!p2 $0x0  }
0x1d: {  	s5 =	simm.s32 @p1 $0x1;
	p0 =	seq.s32 s7, s2  }
0x1e: {  	s7 =	smul.u32 @!p0 $0xF7A, s2;
	p2 =	seq.s32 @!p0 s5, $0x0  }
0x1f: {  	s9 =	smul.u32 $0xF7A, s1;
	s8 =	simm.s32 @!p0 $0x1BF5;
	p2 =	por !p2, p0  }
0x20: {  	[sflag:s8] =	ssyncset.s32 @!p0 $0xFFFFF086;
	s6 =	sadd.s32 @!p0 s3, s7;
	s7 =	simm.s32 @!p0 $0x108  }
0x21: {  	s3 =	sadd.s32 s3, s9;
	s6 =	sadd.s32 @!p0 $0x88, s6;
	s7 =	simm.s32 @p2 $0x1082  }
0x22: {  	[simem:s7], [sflag:s8] =	dma.local @!p0 [hbm:s6], $0xF7A  }
0x23: {  	s9 =	sor.u32 $0xD0000000, s2;
	s6 =	simm.s32 $0x108;
	_ =	swait.ge @!p0 [sflag:s8], $0x0  }
0x24: {  	s3 =	sadd.s32 $0x88, s3;
	s6 =	simm.s32 @!p1 $0x1082;
	[sflag:s4] =	ssyncset.s32 $0xFFFFF086  }
0x25: {  	[simem:s6], [sflag:s4] =	dma.local [hbm:s3], $0xF7A  }
0x26: {  	[smem:$0x3F9B] =	sst s1;
	(tag) =	ssettag s2;
	_ =	strace s9  }
0x27: {  	s1 =	sld [smem:$0x3FAB]  }
0x28: {  	s2 =	sld [smem:$0x3FAC]  }
0x29: {  	s4 =	sld [smem:$0x3FAE]  }
0x2a: {  	p0 =	seq.s32 s5, $0x0;
	s5 =	sld [smem:$0x3FAF]  }
0x2b: {  	s6 =	sld [smem:$0x3FB0]  }
0x2c: {  	s7 =	sld [smem:$0x3FB1]  }
0x2d: {  	s3 =	simm.s32 $0x108;
	s8 =	sld [smem:$0x3FB2]  }
0x2e: {  	s3 =	simm.s32 @!p0 $0x1082;
	s9 =	sld [smem:$0x3FB3]  }
0x2f: {  	lr =	sadd.s32 s0, s3;
	s0 =	sld [smem:$0x3FAA]  }
0x30: {  	s3 =	sld [smem:$0x3FAD]  }
0x31: {  	[smem:$0x3FB6] =	sst s10  }
0x32: {  	s10 =	sld [smem:$0x3FB4];
	_ =	sdelay $0x3  }
0x33: {  	p0 =	seq.s32 s10, $0x1;
	s10 =	sld [smem:$0x3FB6];
	_ =	sdelay $0x3  }
0x34: {  	[smem:$0x3FB6] =	sst s10  }
0x35: {  	s10 =	sld [smem:$0x3FB5];
	_ =	sdelay $0x3  }
0x36: {  	p1 =	seq.s32 s10, $0x1;
	s10 =	sld [smem:$0x3FB6];
	_ =	sdelay $0x3  }
0x37: {  	[smem:$0x3FB6] =	sst s10  }
0x38: {  	s10 =	sld [smem:$0x3FB7]  }
0x39: {  	_ = 	snop;
	(pc) =	sbr.ind lr, $3  }
0x3a: {  	_ = 	snop  }
0x3b: {  	_ = 	snop  }
0x3c: {  	p2 =	seq.s32 s10, $0x1;
	s10 =	sld [smem:$0x3FB6]  }
0x3d: {  	_ =	shalt  }
0x3e: {  	_ =	shalt  }
0x3f: {  	_ =	shalt  }
0x40: {  	_ =	shalt  }
0x41: {  	_ =	shalt  }
0x42: {  	_ =	shalt  }
0x43: {  	_ =	shalt  }
0x44: {  	_ =	shalt  }
0x45: {  	_ =	shalt  }
0x46: {  	_ =	shalt  }
0x47: {  	_ =	shalt  }
0x48: {  	_ =	shalt  }
0x49: {  	_ =	shalt  }
0x4a: {  	_ =	shalt  }
0x4b: {  	_ =	shalt  }
0x4c: {  	_ =	shalt  }
0x4d: {  	_ =	shalt  }
0x4e: {  	_ =	shalt  }
0x4f: {  	_ =	shalt  }
0x50: {  	_ =	shalt  }
0x51: {  	_ =	shalt  }
0x52: {  	_ =	shalt  }
0x53: {  	_ =	shalt  }
0x54: {  	_ =	shalt  }
0x55: {  	_ =	shalt  }
0x56: {  	_ =	shalt  }
0x57: {  	_ =	shalt  }
0x58: {  	_ =	shalt  }
0x59: {  	_ =	shalt  }
0x5a: {  	_ =	shalt  }
0x5b: {  	_ =	shalt  }
0x5c: {  	_ =	shalt  }
0x5d: {  	_ =	shalt  }
0x5e: {  	_ =	shalt  }
0x5f: {  	_ =	shalt  }
0x60: {  	_ =	shalt  }
0x61: {  	_ =	shalt  }
0x62: {  	_ =	shalt  }
0x63: {  	_ =	shalt  }
0x64: {  	_ =	shalt  }
0x65: {  	_ =	shalt  }
0x66: {  	_ =	shalt  }
0x67: {  	_ =	shalt  }
0x68: {  	_ =	shalt  }
0x69: {  	_ =	shalt  }
0x6a: {  	_ =	shalt  }
0x6b: {  	_ =	shalt  }
0x6c: {  	_ =	shalt  }
0x6d: {  	_ =	shalt  }
0x6e: {  	_ =	shalt  }
0x6f: {  	_ =	shalt  }
0x70: {  	_ =	shalt  }
0x71: {  	_ =	shalt  }
0x72: {  	_ =	shalt  }
0x73: {  	_ =	shalt  }
0x74: {  	_ =	shalt  }
0x75: {  	_ =	shalt  }
0x76: {  	_ =	shalt  }
0x77: {  	_ =	shalt  }
0x78: {  	_ =	shalt  }
0x79: {  	_ =	shalt  }
0x7a: {  	_ =	shalt  }
0x7b: {  	_ =	shalt  }
0x7c: {  	_ =	shalt  }
0x7d: {  	_ =	shalt  }
0x7e: {  	_ =	shalt  }
0x7f: {  	_ =	shalt  }
0x80: {  	_ =	shalt  }
0x81: {  	_ =	shalt  }
0x82: {  	_ =	shalt  }
0x83: {  	_ =	shalt  }
0x84: {  	_ =	shalt  }
0x85: {  	_ =	shalt  }
0x86: {  	_ =	shalt  }
0x87: {  	_ =	shalt  }
.Lfunc_end0:
.L_simem_size_0:
called_computation.2_lowered:
.L_overlay_start_0:
0x88: {  	s2 =	sld [smem:$0x3FD9]  }
0x89: {  	s3 =	sld [smem:$0x3FFE];
	_ =	sdelay $0x1  }
0x8a: {  	s1 =	srdreg.scid  }
0x8b: {  	s0 =	sand.u32 $0x1, s1  }
0x8c: {  	s17 =	sshll.u32 s0, $0xA;
	s2 =	sadd.s32 s3, s2  }
0x8d: {  	s2 =	sadd.s32 s2, s17  }
0x8e: {  	[smem:$0x3FC2] =	sst s2  }
0x8f: {  	_ = 	snop  }
0x90: {  	s2 =	sld [smem:$0x3FD0];
	(tm) =	ssettm $0x1  }
0x91: {  	s18 =	sld [smem:$0x3FFB];
	_ =	sdelay $0x3  }
0x92: {  	_ =	strace s18  }
0x93: {  	s3 =	sld [smem:$0x3FFC];
	_ =	sdelay $0x3  }
0x94: {  	_ =	strace s3  }
0x95: {  	s3 =	sld [smem:$0x3FFD];
	_ =	sdelay $0x3  }
0x96: {  	_ =	strace s3  }
0x97: {  	_ =	strace $0x8FFFFFFF  }
0x98: {  	s19 =	sld [smem:$0x3FDB];
	_ =	sdelay $0x1  }
0x99: {  	s4 =	simm.s32 $_scs_section_size  }
0x9a: {  	s5 =	simm.s32 $_size__tile_overlayer_lowered;
	s6 =	simm.s32 $_tile_overlayer_lowered  }
0x9b: {  	s22 =	simm.s32 $0x1BFF;
	s21 =	sshll.u32 s6, $0x1;
	s3 =	sadd.s32 s4, s19  }
0x9c: {  	s7 =	simm.s32 $0x0;
	s20 =	sshll.u32 s5, $0x1;
	s5 =	sadd.s32 s21, s3  }
0x9d: {  	[timem:s7], [sflag:s22] =	dma.local [hbm:s5], s20  }
0x9e: {  	_ =	swait.ge [sflag:s22], s20  }
0x9f: {  	s4 =	ssub.s32 $0x0, s20;
	[sflag:s22] =	ssyncset.done $0x0  }
0xa0: {  	[sflag:s22] =	ssyncadd.s32 s4;
	_ =	sdelay $0x1  }
0xa1: {  	s23 =	simm.s32 $0x1B8B  }
0xa2: {  	_ =	swait.ge [sflag:s23], $0x1  }
0xa3: {  	[sflag:s23] =	ssyncset.done $0x0  }
0xa4: {  	s25 =	simm.s32 $0x1B8E;
	s24 =	sld [smem:$0x3FFE];
	[sflag:s23] =	ssyncadd.s32 $0xFFFFFFFF  }
0xa5: {  	s26 =	simm.s32 $execute0_lowered;
	[smem:$0x3FD2] =	sst s25  }
0xa6: {  	s5 =	sshll.u32 s26, $0x1;
	_ =	strace $0x8000004C;
	[dreg:$0x1] =	wrdreg $0xFFFFFFFF  }
0xa7: {  	s28 =	simm.s32 $_size_execute0_lowered;
	s3 =	sadd.s32 s3, s5;
	[dreg:$0x0] =	wrdreg $0x0  }
0xa8: {  	s5 =	sshll.u32 s28, $0x1;
	[dreg:$0x2] =	wrdreg s3  }
0xa9: {  	[dreg:$0x3] =	wrdreg s5  }
0xaa: {  	[dreg:$0x4] =	wrdreg $0xC0  }
0xab: {  	_ =	task [dreg:s7], $0x5FFFF  }
0xac: {  	[dreg:$0x1] =	wrdreg $0xFFFFFFFF  }
0xad: {  	[dreg:$0x0] =	wrdreg $0x60  }
0xae: {  	[dreg:$0x2] =	wrdreg s24  }
0xaf: {  	[dreg:$0x3] =	wrdreg s2  }
0xb0: {  	[dreg:$0x4] =	wrdreg $0xAA000  }
0xb1: {  	[dreg:$0x5] =	wrdreg $0x9  }
0xb2: {  	_ =	task.clear_ibuf [dreg:s7], $0x6FFFF;
	_ =	strace $0x9000004C  }
0xb3: {  	s29 =	simm.s32 $0x9;
	_ =	strace $0x8000004E  }
0xb4: {  	_ =	swait.ge [sflag:s29], $0x1  }
0xb5: {  	[sflag:s29] =	ssyncadd.s32 $0xFFFFFFFF  }
0xb6: {  	_ =	strace $0x9000004E  }
0xb7: {  	_ =	sfence  }
0xb8: {  	s30 =	sld [smem:$0x0];
	_ =	sdelay $0x2  }
0xb9: {  	s31 =	sshll.u32 s1, $0xD;
	s1 =	sshrl.u32 s1, $0x2  }
0xba: {  	s3 =	sand.u32 $0x4000, s31;
	s1 =	sadd.s32 s1, s30  }
0xbb: {  	s0 =	sor.u32 s3, s0;
	s1 =	sshll.u32 s1, $0x11  }
0xbc: {  	s0 =	sor.u32 s1, s0  }
0xbd: {  	s0 =	sadd.s32 $0x8F2B, s0  }
0xbe: {  	[sflag:s0] =	ssyncadd.remote.s32 $0x1  }
0xbf: {  	_ =	sfence.sel $0xFFFF  }
0xc0: {  	[dreg:$0x0] =	wrdreg $0xFFFFFFFF;
	(pc) =	sbr.abs _section_cstart, $3  }
0xc1: {  	[dreg:$0x1] =	wrdreg $0xFFFFFFFF  }
0xc2: {  	_ =	task.clear_ibuf [dreg:s7], $0x2FFFF;
	_ =	strace $0x9FFFFFFF  }
0xc3: {  	(tm) =	ssettm $0x7FFFFFFF  }
tec
execute0_lowered:
.L_overlay_start_1:
0x0: {  	(tag) =	ssettag $0x1  }
0x1: {  	s0 =	rddreg [dreg:$0x0]  }
0x2: {  	s2 =	rddreg [dreg:$0x1]  }
0x3: {  	s1 =	rddreg [dreg:$0x2]  }
0x4: {  	s3 =	srdreg.scid;
	s11 =	stileid.u32  }
0x5: {  	s22 =	simm.s32 $0x0;
	s3 =	sand.u32 $0x1, s3;
	s6 =	smul.u32 $0xA000, s11  }
0x6: {  	[smem:$0x7FF] =	sst s22;
	s5 =	smul.u32 $0xA0000, s3  }
0x7: {  	s4 =	sadd.s32 $0xC200, s0;
	s8 =	sadd.s32 $0x2200, s0;
	s7 =	sshll.u32 s3, $0x4  }
0x8: {  	s10 =	smul.u32 $0x28000, s11;
	s7 =	sor.u32 s11, s7;
	s5 =	sadd.s32 s6, s5  }
0x9: {  	s9 =	ssub.s32 $0x2, s3;
	s7 =	smul.u32 $0x2800, s7;
	s5 =	sshrl.u32 s5, $0x3  }
0xa: {  	s26 =	sshrl.u32 s9, $0x1;
	s10 =	sshrl.u32 s10, $0x2;
	s0 =	sadd.s32 s5, s0  }
0xb: {  	s7 =	sshrl.u32 s7, $0x3;
	s5 =	ssub.s32 s9, s26;
	s9 =	sadd.s32 s10, s1  }
0xc: {  	_ =	strace $0x8000004D;
	s2 =	sadd.s32 s2, s7;
	[dreg:$0xd] =	wrdreg s9  }
0xd: {  	s12 =	sadd.s32 s8, s7;
	[dreg:$0xe] =	wrdreg s2  }
0xe: {  	s28 =	simm.s32 $0x11;
	s0 =	sadd.s32 $0x20200, s0;
	[dreg:$0xc] =	wrdreg s12  }
0xf: {  	s30 =	simm.s32 $0x40;
	s5 =	smax.u32 s5, $0x1;
	[dreg:$0x15] =	wrdreg s0  }
0x10: {  	s29 =	simm.s32 $0x2980;
	s21 =	sadd.s32 $0x1000, s9;
	[dreg:$0x16] =	wrdreg s5  }
0x11: {  	s31 =	simm.s32 $0x8A00;
	s23 =	sadd.s32 $0x2000, s9;
	[dreg:$0x17] =	wrdreg s21  }
0x12: {  	s19 =	smul.u32 $0x2800, s11;
	s24 =	sadd.s32 $0x3000, s9;
	[dreg:$0x18] =	wrdreg s23  }
0x13: {  	s16 =	smul.u32 $0x28000, s3;
	s26 =	sadd.s32 $0x4000, s9;
	[dreg:$0x19] =	wrdreg s24  }
0x14: {  	s13 =	sadd.s32 $0x8, s12;
	s14 =	sadd.s32 $0x10, s12;
	[dreg:$0x1a] =	wrdreg s26  }
0x15: {  	s15 =	sadd.s32 $0x18, s12;
	s17 =	sadd.s32 $0x20, s12;
	[dreg:$0xf] =	wrdreg s13  }
0x16: {  	s18 =	sadd.s32 $0x28, s12;
	s20 =	sadd.s32 $0x30, s12;
	[dreg:$0x10] =	wrdreg s14  }
0x17: {  	s0 =	sadd.s32 s6, s1;
	s2 =	sadd.s32 s19, s16;
	[dreg:$0x11] =	wrdreg s15  }
0x18: {  	s16 =	sadd.s32 $0x5000, s9;
	s23 =	sadd.s32 $0x6000, s9;
	[dreg:$0x12] =	wrdreg s17  }
0x19: {  	s24 =	sadd.s32 $0x7000, s9;
	s26 =	sadd.s32 $0x9000, s9;
	[dreg:$0x13] =	wrdreg s18  }
0x1a: {  	[dreg:$0x14] =	wrdreg s20;
	s25 =	sor.u32 $0x200, s2;
	s6 =	sor.u32 $0x240, s2  }
0x1b: {  	s7 =	sor.u32 $0x280, s2;
	s13 =	sor.u32 $0x2C0, s2;
	[dreg:$0x1b] =	wrdreg s16  }
0x1c: {  	s15 =	sor.u32 $0x300, s2;
	s18 =	sor.u32 $0x340, s2;
	[dreg:$0x1c] =	wrdreg s23  }
0x1d: {  	s20 =	sor.u32 $0x1C0, s2;
	s2 =	sor.u32 $0x380, s2;
	[dreg:$0x1d] =	wrdreg s24  }
0x1e: {  	[dreg:$0x1f] =	wrdreg s26;
	s0 =	sshrl.u32 s0, $0x3;
	s26 =	simm.s32 $0x2900  }
0x1f: {  	s23 =	simm.s32 $0x6A00;
	s16 =	simm.s32 $0xD;
	s3 =	sshrl.u32 s25, $0x3  }
0x20: {  	s5 =	sshrl.u32 s6, $0x3;
	s11 =	sshrl.u32 s7, $0x3;
	s14 =	sshrl.u32 s13, $0x3  }
0x21: {  	s19 =	sshrl.u32 s18, $0x3;
	s2 =	sshrl.u32 s2, $0x3;
	s25 =	sadd.s32 $0x8000, s9  }
0x22: {  	[smem:$0x7FD] =	sst s0;
	s7 =	simm.s32 $0x2800;
	s9 =	simm.s32 $0x4A00  }
0x23: {  	s13 =	simm.s32 $0x1;
	s18 =	simm.s32 $0xF;
	s3 =	sadd.s32 s3, s8  }
0x24: {  	s10 =	sadd.s32 s5, s8;
	s12 =	sadd.s32 s11, s8;
	[dreg:$0x1e] =	wrdreg s25  }
0x25: {  	s5 =	sshrl.u32 s15, $0x3;
	s2 =	sadd.s32 s2, s8;
	[dreg:$0x4] =	wrdreg s3  }
0x26: {  	s11 =	simm.s32 $0x9A00;
	s15 =	simm.s32 $0x3;
	[dreg:$0x5] =	wrdreg s10  }
0x27: {  	[dreg:$0x6] =	wrdreg s12;
	s3 =	sadd.s32 s14, s8;
	s17 =	sadd.s32 s5, s8  }
0x28: {  	s5 =	sshrl.u32 s20, $0x3;
	[dreg:$0xb] =	wrdreg s2;
	s2 =	simm.s32 $0x2A00  }
0x29: {  	s10 =	simm.s32 $0x29C0;
	s12 =	simm.s32 $0x9;
	[dreg:$0x7] =	wrdreg s3  }
0x2a: {  	s14 =	simm.s32 $0xB;
	s20 =	simm.s32 $0x10;
	[dreg:$0x8] =	wrdreg s17  }
0x2b: {  	s3 =	sadd.s32 s19, s8;
	s21 =	sadd.s32 s5, s8;
	s8 =	simm.s32 $0x2880  }
0x2c: {  	s17 =	simm.s32 $0x5;
	s19 =	simm.s32 $0x7;
	[dreg:$0x9] =	wrdreg s3  }
0x2d: {  	v0 =	vimm.f32 $0.0e+00;
	[dreg:$0xa] =	wrdreg s21;
	s21 =	simm.s32 $0x8;
	s3 =	simm.s32 $0x0  }
.LBB2_1:
0x2e: {  	[smem:$0x7FC] =	sst s3;
	s5 =	simm.s32 $0x100;
	s3 =	simm.s32 $0x0  }
.LBB2_2:
0x2f: {  	p0 =	sne.s32 s5, $0x3F00;
	[tilespmem:s3+$0x2A30] =	vst v0;
	s6 =	smov.u32 s5;
	s5 =	sadd.s32 $0x100, s5  }
.Ltmp0:
0x30: {  	[tilespmem:s3+$0x2A20] =	vst v0;
	(pc) =	sbr.rel @p0 .LBB2_2-.Ltmp0, $3  }
0x31: {  	[tilespmem:s3+$0x2A00] =	vst v0  }
0x32: {  	[tilespmem:s3+$0x2A10] =	vst v0;
	_ =	sdelay $0x1  }
0x33: {  	s3 =	sshra.s32 s6, $0x2  }
0x34: {  	[tilespmem:s3+$0x2A30] =	vst v0  }
0x35: {  	[tilespmem:s3+$0x2A20] =	vst v0  }
0x36: {  	[tilespmem:s3+$0x2A00] =	vst v0  }
0x37: {  	[tilespmem:s3+$0x2A10] =	vst v0;
	s0 =	rddreg [dreg:$0xd]  }
0x38: {  	[spmem:s0] =	stream.linear.scatter [tilespmem:s2], [sflag:$0x11], $0x1000, $0x38;
	[tilespmem:$0x14A00] =	vst v63  }
0x39: {  	_ =	swait.ge [sflag:s28], $0x1000  }
0x3a: {  	[sflag:s28] =	ssyncset.done $0x0  }
0x3b: {  	s6 =	rddreg [dreg:$0x17];
	[sflag:s28] =	ssyncadd.s32 $0xFFFFF000  }
0x3c: {  	[spmem:s6] =	stream.linear.scatter [tilespmem:s2], [sflag:$0x11], $0x1000, $0x38;
	[tilespmem:$0x14A00] =	vst v63  }
0x3d: {  	_ =	swait.ge [sflag:s28], $0x1000  }
0x3e: {  	[sflag:s28] =	ssyncset.done $0x0  }
0x3f: {  	s24 =	rddreg [dreg:$0x18];
	[sflag:s28] =	ssyncadd.s32 $0xFFFFF000  }
0x40: {  	[spmem:s24] =	stream.linear.scatter [tilespmem:s2], [sflag:$0x11], $0x1000, $0x38;
	[tilespmem:$0x14A00] =	vst v63  }
0x41: {  	_ =	swait.ge [sflag:s28], $0x1000  }
0x42: {  	[sflag:s28] =	ssyncset.done $0x0  }
0x43: {  	s25 =	rddreg [dreg:$0x19];
	[sflag:s28] =	ssyncadd.s32 $0xFFFFF000  }
0x44: {  	[spmem:s25] =	stream.linear.scatter [tilespmem:s2], [sflag:$0x11], $0x1000, $0x38;
	[tilespmem:$0x14A00] =	vst v63  }
0x45: {  	_ =	swait.ge [sflag:s28], $0x1000  }
0x46: {  	[sflag:s28] =	ssyncset.done $0x0  }
0x47: {  	s3 =	rddreg [dreg:$0x1a];
	[sflag:s28] =	ssyncadd.s32 $0xFFFFF000  }
0x48: {  	[spmem:s3] =	stream.linear.scatter [tilespmem:s2], [sflag:$0x11], $0x1000, $0x38;
	[tilespmem:$0x14A00] =	vst v63  }
0x49: {  	_ =	swait.ge [sflag:s28], $0x1000  }
0x4a: {  	[sflag:s28] =	ssyncset.done $0x0  }
0x4b: {  	s5 =	rddreg [dreg:$0x1b];
	[sflag:s28] =	ssyncadd.s32 $0xFFFFF000  }
0x4c: {  	[spmem:s5] =	stream.linear.scatter [tilespmem:s2], [sflag:$0x11], $0x1000, $0x38;
	[tilespmem:$0x14A00] =	vst v63  }
0x4d: {  	_ =	swait.ge [sflag:s28], $0x1000  }
0x4e: {  	[sflag:s28] =	ssyncset.done $0x0  }
0x4f: {  	s6 =	rddreg [dreg:$0x1c];
	[sflag:s28] =	ssyncadd.s32 $0xFFFFF000  }
0x50: {  	[spmem:s6] =	stream.linear.scatter [tilespmem:s2], [sflag:$0x11], $0x1000, $0x38;
	[tilespmem:$0x14A00] =	vst v63  }
0x51: {  	_ =	swait.ge [sflag:s28], $0x1000  }
0x52: {  	[sflag:s28] =	ssyncset.done $0x0  }
0x53: {  	s24 =	rddreg [dreg:$0x1d];
	[sflag:s28] =	ssyncadd.s32 $0xFFFFF000  }
0x54: {  	[spmem:s24] =	stream.linear.scatter [tilespmem:s2], [sflag:$0x11], $0x1000, $0x38;
	[tilespmem:$0x14A00] =	vst v63  }
0x55: {  	_ =	swait.ge [sflag:s28], $0x1000  }
0x56: {  	[sflag:s28] =	ssyncset.done $0x0  }
0x57: {  	s25 =	rddreg [dreg:$0x1e];
	[sflag:s28] =	ssyncadd.s32 $0xFFFFF000  }
0x58: {  	[spmem:s25] =	stream.linear.scatter [tilespmem:s2], [sflag:$0x11], $0x1000, $0x38;
	[tilespmem:$0x14A00] =	vst v63  }
0x59: {  	_ =	swait.ge [sflag:s28], $0x1000  }
0x5a: {  	[sflag:s28] =	ssyncset.done $0x0  }
0x5b: {  	s3 =	rddreg [dreg:$0x1f];
	[sflag:s28] =	ssyncadd.s32 $0xFFFFF000  }
0x5c: {  	[spmem:s3] =	stream.linear.scatter [tilespmem:s2], [sflag:$0x11], $0x1000, $0x38;
	[tilespmem:$0x14A00] =	vst v63  }
0x5d: {  	_ =	swait.ge [sflag:s28], $0x1000  }
0x5e: {  	[sflag:s28] =	ssyncset.done $0x0  }
0x5f: {  	[sflag:s28] =	ssyncadd.s32 $0xFFFFF000  }
0x60: {  	[bflag:$0x0] =	sbarrier.arrive $0xFFFF  }
0x61: {  	s3 =	simm.s32 $0x0;
	s5 =	rddreg [dreg:$0xe]  }
0x62: {  	[tilespmem:s3], [sflag:$0x11] =	stream.linear.gather [hbm4b:s5+s3], $0x2800, $0x38;
	[tilespmem:$0x14A00] =	vst v63  }
0x63: {  	_ =	swait.ge [sflag:s28], $0x2800  }
0x64: {  	[sflag:s28] =	ssyncset.done $0x0  }
0x65: {  	s6 =	rddreg [dreg:$0xc];
	[sflag:s28] =	ssyncadd.s32 $0xFFFFD800  }
0x66: {  	[tilespmem:s7], [sflag:$0x9] =	stream.linear.gather [hbm4b:s6+s3], $0x40, $0x38;
	[tilespmem:$0x14A00] =	vst v63  }
0x67: {  	_ = 	snop  }
0x68: {  	[tilespmem:s2], [sflag:$0x1] =	stream.indirect.gather [hbm4b:s4+s30], $0x40, s3, s30, $0xb8;
	[tilespmem:$0x14A00] =	vst v63  }
0x69: {  	s5 =	simm.s32 $0x2840;
	s24 =	rddreg [dreg:$0xf]  }
0x6a: {  	[tilespmem:s5], [sflag:$0xA] =	stream.linear.gather [hbm4b:s24+s3], $0x40, $0x38;
	[tilespmem:$0x14A00] =	vst v63  }
0x6b: {  	s25 =	simm.s32 $0x3A00  }
0x6c: {  	[tilespmem:s25], [sflag:$0x2] =	stream.indirect.gather [hbm4b:s4+s30], $0x40, s30, s30, $0xb8;
	[tilespmem:$0x14A00] =	vst v63  }
0x6d: {  	s5 =	rddreg [dreg:$0x10]  }
0x6e: {  	[tilespmem:s8], [sflag:$0xB] =	stream.linear.gather [hbm4b:s5+s3], $0x40, $0x38;
	[tilespmem:$0x14A00] =	vst v63  }
0x6f: {  	s6 =	simm.s32 $0x80  }
0x70: {  	[tilespmem:s9], [sflag:$0x3] =	stream.indirect.gather [hbm4b:s4+s30], $0x40, s6, s30, $0xb8;
	[tilespmem:$0x14A00] =	vst v63  }
0x71: {  	s8 =	rddreg [dreg:$0x11];
	s9 =	simm.s32 $0x28C0  }
0x72: {  	[tilespmem:s9], [sflag:$0xC] =	stream.linear.gather [hbm4b:s8+s3], $0x40, $0x38;
	[tilespmem:$0x14A00] =	vst v63  }
0x73: {  	s24 =	simm.s32 $0xC0;
	s25 =	simm.s32 $0x5A00  }
0x74: {  	[tilespmem:s25], [sflag:$0x4] =	stream.indirect.gather [hbm4b:s4+s30], $0x40, s24, s30, $0xb8;
	[tilespmem:$0x14A00] =	vst v63  }
0x75: {  	s5 =	rddreg [dreg:$0x12]  }
0x76: {  	[tilespmem:s26], [sflag:$0xD] =	stream.linear.gather [hbm4b:s5+s3], $0x40, $0x38;
	[tilespmem:$0x14A00] =	vst v63  }
0x77: {  	s6 =	simm.s32 $0x100  }
0x78: {  	[tilespmem:s23], [sflag:$0x5] =	stream.indirect.gather [hbm4b:s4+s30], $0x40, s6, s30, $0xb8;
	[tilespmem:$0x14A00] =	vst v63  }
0x79: {  	s8 =	rddreg [dreg:$0x13];
	s9 =	simm.s32 $0x2940  }
0x7a: {  	[tilespmem:s9], [sflag:$0xE] =	stream.linear.gather [hbm4b:s8+s3], $0x40, $0x38;
	[tilespmem:$0x14A00] =	vst v63  }
0x7b: {  	s24 =	simm.s32 $0x7A00;
	s23 =	simm.s32 $0x140  }
0x7c: {  	[tilespmem:s24], [sflag:$0x6] =	stream.indirect.gather [hbm4b:s4+s30], $0x40, s23, s30, $0xb8;
	[tilespmem:$0x14A00] =	vst v63  }
0x7d: {  	s25 =	rddreg [dreg:$0x14]  }
0x7e: {  	[tilespmem:s29], [sflag:$0xF] =	stream.linear.gather [hbm4b:s25+s3], $0x40, $0x38;
	[tilespmem:$0x14A00] =	vst v63  }
0x7f: {  	s5 =	rddreg [dreg:$0xa];
	s6 =	simm.s32 $0x180  }
0x80: {  	[tilespmem:s31], [sflag:$0x7] =	stream.indirect.gather [hbm4b:s4+s30], $0x40, s6, s30, $0xb8;
	[tilespmem:$0x14A00] =	vst v63  }
0x81: {  	s3 =	sadd.s32 $0x0, s5  }
0x82: {  	[tilespmem:s10], [sflag:$0x10] =	stream.linear.gather [hbm4b:s3+s22], $0x40, $0x38;
	[tilespmem:$0x14A00] =	vst v63  }
0x83: {  	s23 =	simm.s32 $0x1C0  }
0x84: {  	[tilespmem:s11], [sflag:$0x8] =	stream.indirect.gather [hbm4b:s4+s30], $0x40, s23, s30, $0xb8;
	[tilespmem:$0x14A00] =	vst v63  }
0x85: {  	_ =	swait.ge [sflag:s12], $0x40  }
0x86: {  	[sflag:s12] =	ssyncset.done $0x0  }
0x87: {  	[sflag:s12] =	ssyncadd.s32 $0xFFFFFFC0  }
0x88: {  	_ =	swait.ge [sflag:s13], $0x1000  }
0x89: {  	[sflag:s13] =	ssyncset.done $0x0  }
0x8a: {  	[sflag:s13] =	ssyncadd.s32 $0xFFFFF000  }
0x8b: {  	[spmem:s1] =	stream.indirect.scatter.add.f32 [tilespmem:s2], [sflag:$0x11], $0x40, s7, s30, $0xb8;
	[tilespmem:$0x14A00] =	vst v63  }
0x8c: {  	_ =	swait.ge [sflag:s28], $0x1000  }
0x8d: {  	p0 =	por $0x0, $0x0;
	[sflag:s28] =	ssyncset.done $0x0  }
0x8e: {  	s3 =	simm.s32 @p0 $0xA;
	[sflag:s28] =	ssyncadd.s32 $0xFFFFF000  }
0x8f: {  	_ =	swait.ge @p0 [sflag:s3], $0x40  }
0x90: {  	[sflag:s3] =	ssyncset.done @p0 $0x0  }
0x91: {  	[sflag:s3] =	ssyncadd.s32 @p0 $0xFFFFFFC0;
	s3 =	simm.s32 @p0 $0x2  }
0x92: {  	_ =	swait.ge @p0 [sflag:s3], $0x1000  }
0x93: {  	s24 =	simm.s32 @p0 $0x40;
	s5 =	simm.s32 @p0 $0x3A00;
	[sflag:s3] =	ssyncset.done @p0 $0x0  }
0x94: {  	s6 =	simm.s32 @p0 $0x11;
	[sflag:s3] =	ssyncadd.s32 @p0 $0xFFFFF000;
	s3 =	simm.s32 @p0 $0x2840  }
0x95: {  	[spmem:s1] =	stream.indirect.scatter.add.f32 @p0 [tilespmem:s5], [sflag:$0x11], $0x40, s3, s24, $0xb8;
	[tilespmem:$0x14A00] =	vst v63  }
0x96: {  	s29 =	simm.s32 @!p0 $0x2A00;
	_ =	swait.ge @p0 [sflag:s6], $0x1000  }
0x97: {  	s5 =	simm.s32 @!p0 $0x2800;
	s3 =	rddreg [dreg:$0x4];
	[sflag:s6] =	ssyncset.done @p0 $0x0  }
0x98: {  	[sflag:s6] =	ssyncadd.s32 @p0 $0xFFFFF000;
	s25 =	sadd.s32 @!p0 $0x0, s3;
	s3 =	simm.s32 @!p0 $0x0  }
0x99: {  	[tilespmem:s5], [sflag:$0x9] =	stream.linear.gather @!p0 [hbm4b:s25+s3], $0x40, $0x38;
	[tilespmem:$0x14A00] =	vst v63  }
0x9a: {  	s22 =	simm.s32 @!p0 $0xA;
	s25 =	simm.s32 @!p0 $0x200;
	s5 =	simm.s32 @!p0 $0x40  }
0x9b: {  	[tilespmem:s29], [sflag:$0x1] =	stream.indirect.gather @!p0 [hbm4b:s4+s5], $0x40, s25, s5, $0xb8;
	[tilespmem:$0x14A00] =	vst v63  }
0x9c: {  	_ =	swait.ge @!p0 [sflag:s22], $0x40  }
0x9d: {  	[sflag:s22] =	ssyncset.done @!p0 $0x0  }
0x9e: {  	s25 =	simm.s32 @!p0 $0x2;
	[sflag:s22] =	ssyncadd.s32 @!p0 $0xFFFFFFC0  }
0x9f: {  	_ =	swait.ge @!p0 [sflag:s25], $0x1000  }
0xa0: {  	s29 =	simm.s32 @!p0 $0x3A00;
	[sflag:s25] =	ssyncset.done @!p0 $0x0  }
0xa1: {  	s22 =	simm.s32 @!p0 $0x11;
	[sflag:s25] =	ssyncadd.s32 @!p0 $0xFFFFF000;
	s25 =	simm.s32 @!p0 $0x2840  }
0xa2: {  	[spmem:s1] =	stream.indirect.scatter.add.f32 @!p0 [tilespmem:s29], [sflag:$0x11], $0x40, s25, s5, $0xb8;
	[tilespmem:$0x14A00] =	vst v63  }
0xa3: {  	_ =	swait.ge @!p0 [sflag:s22], $0x1000  }
0xa4: {  	s31 =	rddreg [dreg:$0x5];
	[sflag:s22] =	ssyncset.done @!p0 $0x0  }
0xa5: {  	[sflag:s22] =	ssyncadd.s32 @!p0 $0xFFFFF000;
	s31 =	sadd.s32 @!p0 $0x0, s31  }
0xa6: {  	[tilespmem:s25], [sflag:$0xA] =	stream.linear.gather @!p0 [hbm4b:s31+s3], $0x40, $0x38;
	[tilespmem:$0x14A00] =	vst v63  }
0xa7: {  	s25 =	simm.s32 @!p0 $0x240  }
0xa8: {  	[tilespmem:s29], [sflag:$0x2] =	stream.indirect.gather @!p0 [hbm4b:s4+s5], $0x40, s25, s5, $0xb8;
	[tilespmem:$0x14A00] =	vst v63  }
0xa9: {  	_ =	swait.ge [sflag:s14], $0x40  }
0xaa: {  	[sflag:s14] =	ssyncset.done $0x0  }
0xab: {  	[sflag:s14] =	ssyncadd.s32 $0xFFFFFFC0  }
0xac: {  	_ =	swait.ge [sflag:s15], $0x1000  }
0xad: {  	[sflag:s15] =	ssyncset.done $0x0  }
0xae: {  	s8 =	simm.s32 $0x4A00;
	s2 =	simm.s32 $0x2880;
	[sflag:s15] =	ssyncadd.s32 $0xFFFFF000  }
0xaf: {  	[spmem:s1] =	stream.indirect.scatter.add.f32 [tilespmem:s8], [sflag:$0x11], $0x40, s2, s30, $0xb8;
	[tilespmem:$0x14A00] =	vst v63  }
0xb0: {  	_ =	swait.ge [sflag:s28], $0x1000  }
0xb1: {  	[sflag:s28] =	ssyncset.done $0x0  }
0xb2: {  	s25 =	simm.s32 @p0 $0xC;
	[sflag:s28] =	ssyncadd.s32 $0xFFFFF000  }
0xb3: {  	_ =	swait.ge @p0 [sflag:s25], $0x40  }
0xb4: {  	[sflag:s25] =	ssyncset.done @p0 $0x0  }
0xb5: {  	[sflag:s25] =	ssyncadd.s32 @p0 $0xFFFFFFC0;
	s25 =	simm.s32 @p0 $0x4  }
0xb6: {  	_ =	swait.ge @p0 [sflag:s25], $0x1000  }
0xb7: {  	[sflag:s25] =	ssyncset.done @p0 $0x0  }
0xb8: {  	s29 =	simm.s32 @p0 $0x5A00;
	[sflag:s25] =	ssyncadd.s32 @p0 $0xFFFFF000;
	s25 =	simm.s32 @p0 $0x28C0  }
0xb9: {  	[spmem:s1] =	stream.indirect.scatter.add.f32 @p0 [tilespmem:s29], [sflag:$0x11], $0x40, s25, s24, $0xb8;
	[tilespmem:$0x14A00] =	vst v63  }
0xba: {  	_ =	swait.ge @p0 [sflag:s6], $0x1000  }
0xbb: {  	s25 =	rddreg [dreg:$0x6];
	[sflag:s6] =	ssyncset.done @p0 $0x0  }
0xbc: {  	s29 =	simm.s32 @!p0 $0x2880;
	[sflag:s6] =	ssyncadd.s32 @p0 $0xFFFFF000;
	s25 =	sadd.s32 @!p0 $0x0, s25  }
0xbd: {  	[tilespmem:s29], [sflag:$0xB] =	stream.linear.gather @!p0 [hbm4b:s25+s3], $0x40, $0x38;
	[tilespmem:$0x14A00] =	vst v63  }
0xbe: {  	s31 =	simm.s32 @!p0 $0xC;
	s25 =	simm.s32 @!p0 $0x280;
	s29 =	simm.s32 @!p0 $0x4A00  }
0xbf: {  	[tilespmem:s29], [sflag:$0x3] =	stream.indirect.gather @!p0 [hbm4b:s4+s5], $0x40, s25, s5, $0xb8;
	[tilespmem:$0x14A00] =	vst v63  }
0xc0: {  	_ =	swait.ge @!p0 [sflag:s31], $0x40  }
0xc1: {  	[sflag:s31] =	ssyncset.done @!p0 $0x0  }
0xc2: {  	s25 =	simm.s32 @!p0 $0x4;
	[sflag:s31] =	ssyncadd.s32 @!p0 $0xFFFFFFC0  }
0xc3: {  	_ =	swait.ge @!p0 [sflag:s25], $0x1000  }
0xc4: {  	[sflag:s25] =	ssyncset.done @!p0 $0x0  }
0xc5: {  	s29 =	simm.s32 @!p0 $0x5A00;
	[sflag:s25] =	ssyncadd.s32 @!p0 $0xFFFFF000;
	s25 =	simm.s32 @!p0 $0x28C0  }
0xc6: {  	[spmem:s1] =	stream.indirect.scatter.add.f32 @!p0 [tilespmem:s29], [sflag:$0x11], $0x40, s25, s5, $0xb8;
	[tilespmem:$0x14A00] =	vst v63  }
0xc7: {  	_ =	swait.ge @!p0 [sflag:s22], $0x1000  }
0xc8: {  	s31 =	rddreg [dreg:$0x7];
	[sflag:s22] =	ssyncset.done @!p0 $0x0  }
0xc9: {  	[sflag:s22] =	ssyncadd.s32 @!p0 $0xFFFFF000;
	s31 =	sadd.s32 @!p0 $0x0, s31  }
0xca: {  	[tilespmem:s25], [sflag:$0xC] =	stream.linear.gather @!p0 [hbm4b:s31+s3], $0x40, $0x38;
	[tilespmem:$0x14A00] =	vst v63  }
0xcb: {  	s25 =	simm.s32 @!p0 $0x2C0  }
0xcc: {  	[tilespmem:s29], [sflag:$0x4] =	stream.indirect.gather @!p0 [hbm4b:s4+s5], $0x40, s25, s5, $0xb8;
	[tilespmem:$0x14A00] =	vst v63  }
0xcd: {  	_ =	swait.ge [sflag:s16], $0x40  }
0xce: {  	[sflag:s16] =	ssyncset.done $0x0  }
0xcf: {  	[sflag:s16] =	ssyncadd.s32 $0xFFFFFFC0  }
0xd0: {  	_ =	swait.ge [sflag:s17], $0x1000  }
0xd1: {  	[sflag:s17] =	ssyncset.done $0x0  }
0xd2: {  	s0 =	simm.s32 $0x6A00;
	[sflag:s17] =	ssyncadd.s32 $0xFFFFF000  }
0xd3: {  	[spmem:s1] =	stream.indirect.scatter.add.f32 [tilespmem:s0], [sflag:$0x11], $0x40, s26, s30, $0xb8;
	[tilespmem:$0x14A00] =	vst v63  }
0xd4: {  	_ =	swait.ge [sflag:s28], $0x1000  }
0xd5: {  	[sflag:s28] =	ssyncset.done $0x0  }
0xd6: {  	s25 =	simm.s32 @p0 $0xE;
	[sflag:s28] =	ssyncadd.s32 $0xFFFFF000  }
0xd7: {  	_ =	swait.ge @p0 [sflag:s25], $0x40  }
0xd8: {  	[sflag:s25] =	ssyncset.done @p0 $0x0  }
0xd9: {  	[sflag:s25] =	ssyncadd.s32 @p0 $0xFFFFFFC0;
	s25 =	simm.s32 @p0 $0x6  }
0xda: {  	_ =	swait.ge @p0 [sflag:s25], $0x1000  }
0xdb: {  	[sflag:s25] =	ssyncset.done @p0 $0x0  }
0xdc: {  	s29 =	simm.s32 @p0 $0x7A00;
	[sflag:s25] =	ssyncadd.s32 @p0 $0xFFFFF000;
	s25 =	simm.s32 @p0 $0x2940  }
0xdd: {  	[spmem:s1] =	stream.indirect.scatter.add.f32 @p0 [tilespmem:s29], [sflag:$0x11], $0x40, s25, s24, $0xb8;
	[tilespmem:$0x14A00] =	vst v63  }
0xde: {  	_ =	swait.ge @p0 [sflag:s6], $0x1000  }
0xdf: {  	s24 =	rddreg [dreg:$0x8];
	[sflag:s6] =	ssyncset.done @p0 $0x0  }
0xe0: {  	[sflag:s6] =	ssyncadd.s32 @p0 $0xFFFFF000;
	s6 =	sadd.s32 @!p0 $0x0, s24;
	s24 =	simm.s32 @!p0 $0x2900  }
0xe1: {  	[tilespmem:s24], [sflag:$0xD] =	stream.linear.gather @!p0 [hbm4b:s6+s3], $0x40, $0x38;
	[tilespmem:$0x14A00] =	vst v63  }
0xe2: {  	s25 =	simm.s32 @!p0 $0xE;
	s6 =	simm.s32 @!p0 $0x300;
	s24 =	simm.s32 @!p0 $0x6A00  }
0xe3: {  	[tilespmem:s24], [sflag:$0x5] =	stream.indirect.gather @!p0 [hbm4b:s4+s5], $0x40, s6, s5, $0xb8;
	[tilespmem:$0x14A00] =	vst v63  }
0xe4: {  	_ =	swait.ge @!p0 [sflag:s25], $0x40  }
0xe5: {  	[sflag:s25] =	ssyncset.done @!p0 $0x0  }
0xe6: {  	s6 =	simm.s32 @!p0 $0x6;
	[sflag:s25] =	ssyncadd.s32 @!p0 $0xFFFFFFC0  }
0xe7: {  	_ =	swait.ge @!p0 [sflag:s6], $0x1000  }
0xe8: {  	[sflag:s6] =	ssyncset.done @!p0 $0x0  }
0xe9: {  	s24 =	simm.s32 @!p0 $0x7A00;
	[sflag:s6] =	ssyncadd.s32 @!p0 $0xFFFFF000;
	s6 =	simm.s32 @!p0 $0x2940  }
0xea: {  	[spmem:s1] =	stream.indirect.scatter.add.f32 @!p0 [tilespmem:s24], [sflag:$0x11], $0x40, s6, s5, $0xb8;
	[tilespmem:$0x14A00] =	vst v63  }
0xeb: {  	_ =	swait.ge @!p0 [sflag:s22], $0x1000  }
0xec: {  	s25 =	rddreg [dreg:$0x9];
	[sflag:s22] =	ssyncset.done @!p0 $0x0  }
0xed: {  	[sflag:s22] =	ssyncadd.s32 @!p0 $0xFFFFF000;
	s22 =	sadd.s32 @!p0 $0x0, s25  }
0xee: {  	[tilespmem:s6], [sflag:$0xE] =	stream.linear.gather @!p0 [hbm4b:s22+s3], $0x40, $0x38;
	[tilespmem:$0x14A00] =	vst v63  }
0xef: {  	s6 =	simm.s32 @!p0 $0x340  }
0xf0: {  	[tilespmem:s24], [sflag:$0x6] =	stream.indirect.gather @!p0 [hbm4b:s4+s5], $0x40, s6, s5, $0xb8;
	[tilespmem:$0x14A00] =	vst v63  }
0xf1: {  	_ =	swait.ge [sflag:s18], $0x40  }
0xf2: {  	[sflag:s18] =	ssyncset.done $0x0  }
0xf3: {  	[sflag:s18] =	ssyncadd.s32 $0xFFFFFFC0  }
0xf4: {  	_ =	swait.ge [sflag:s19], $0x1000  }
0xf5: {  	[sflag:s19] =	ssyncset.done $0x0  }
0xf6: {  	s8 =	simm.s32 $0x8A00;
	s31 =	simm.s32 $0x2980;
	[sflag:s19] =	ssyncadd.s32 $0xFFFFF000  }
0xf7: {  	[spmem:s1] =	stream.indirect.scatter.add.f32 [tilespmem:s8], [sflag:$0x11], $0x40, s31, s30, $0xb8;
	[tilespmem:$0x14A00] =	vst v63  }
0xf8: {  	_ =	swait.ge [sflag:s28], $0x1000  }
0xf9: {  	s6 =	rddreg [dreg:$0xb];
	[sflag:s28] =	ssyncset.done $0x0  }
0xfa: {  	s22 =	simm.s32 @!p0 $0x2980;
	[sflag:s28] =	ssyncadd.s32 $0xFFFFF000;
	s6 =	sadd.s32 @!p0 $0x0, s6  }
0xfb: {  	[tilespmem:s22], [sflag:$0xF] =	stream.linear.gather @!p0 [hbm4b:s6+s3], $0x40, $0x38;
	[tilespmem:$0x14A00] =	vst v63  }
0xfc: {  	s3 =	simm.s32 @!p0 $0x380;
	s6 =	simm.s32 @!p0 $0x8A00  }
0xfd: {  	[tilespmem:s6], [sflag:$0x7] =	stream.indirect.gather @!p0 [hbm4b:s4+s5], $0x40, s3, s5, $0xb8;
	[tilespmem:$0x14A00] =	vst v63  }
0xfe: {  	_ =	swait.ge [sflag:s20], $0x40  }
0xff: {  	[sflag:s20] =	ssyncset.done $0x0  }
0x100: {  	[sflag:s20] =	ssyncadd.s32 $0xFFFFFFC0  }
0x101: {  	_ =	swait.ge [sflag:s21], $0x1000  }
0x102: {  	[sflag:s21] =	ssyncset.done $0x0  }
0x103: {  	s9 =	simm.s32 $0x2800;
	s7 =	simm.s32 $0x0;
	[sflag:s21] =	ssyncadd.s32 $0xFFFFF000  }
0x104: {  	[spmem:s1] =	stream.indirect.scatter.add.f32 [tilespmem:s11], [sflag:$0x11], $0x40, s10, s30, $0xb8;
	[tilespmem:$0x14A00] =	vst v63  }
0x105: {  	s25 =	simm.s32 $0x80;
	s24 =	simm.s32 $0x40;
	_ =	swait.ge [sflag:s28], $0x1000  }
0x106: {  	s8 =	simm.s32 $0x2900;
	s3 =	rddreg [dreg:$0xa];
	[sflag:s28] =	ssyncset.done $0x0  }
.LBB2_4:
0x107: {  	[sflag:s28] =	ssyncadd.s32 $0xFFFFF000;
	s3 =	sadd.s32 s24, s3  }
0x108: {  	[tilespmem:s10], [sflag:$0x10] =	stream.linear.gather [hbm4b:s3+s7], $0x40, $0x38;
	[tilespmem:$0x14A00] =	vst v63  }
0x109: {  	s23 =	sadd.s32 $0x200, s23  }
0x10a: {  	[tilespmem:s11], [sflag:$0x8] =	stream.indirect.gather [hbm4b:s4+s30], $0x40, s23, s30, $0xb8;
	[tilespmem:$0x14A00] =	vst v63  }
0x10b: {  	_ =	swait.ge [sflag:s12], $0x40  }
0x10c: {  	[sflag:s12] =	ssyncset.done $0x0  }
0x10d: {  	[sflag:s12] =	ssyncadd.s32 $0xFFFFFFC0  }
0x10e: {  	_ =	swait.ge [sflag:s13], $0x1000  }
0x10f: {  	[sflag:s13] =	ssyncset.done $0x0  }
0x110: {  	s0 =	simm.s32 $0x2A00;
	[sflag:s13] =	ssyncadd.s32 $0xFFFFF000  }
0x111: {  	[spmem:s1] =	stream.indirect.scatter.add.f32 [tilespmem:s0], [sflag:$0x11], $0x40, s9, s30, $0xb8;
	[tilespmem:$0x14A00] =	vst v63  }
0x112: {  	_ =	swait.ge [sflag:s28], $0x1000  }
0x113: {  	p1 =	seq.s32 s24, $0x4C0;
	[sflag:s28] =	ssyncset.done $0x0  }
0x114: {  	s3 =	simm.s32 @p1 $0xA;
	[sflag:s28] =	ssyncadd.s32 $0xFFFFF000  }
0x115: {  	_ =	swait.ge @p1 [sflag:s3], $0x40  }
0x116: {  	[sflag:s3] =	ssyncset.done @p1 $0x0  }
0x117: {  	s6 =	simm.s32 @p1 $0x2;
	[sflag:s3] =	ssyncadd.s32 @p1 $0xFFFFFFC0  }
0x118: {  	_ =	swait.ge @p1 [sflag:s6], $0x1000  }
0x119: {  	s22 =	simm.s32 @p1 $0x3A00;
	s31 =	simm.s32 @p1 $0x40;
	[sflag:s6] =	ssyncset.done @p1 $0x0  }
0x11a: {  	s3 =	simm.s32 @p1 $0x11;
	[sflag:s6] =	ssyncadd.s32 @p1 $0xFFFFF000;
	s6 =	simm.s32 @p1 $0x2840  }
0x11b: {  	[spmem:s1] =	stream.indirect.scatter.add.f32 @p1 [tilespmem:s22], [sflag:$0x11], $0x40, s6, s31, $0xb8;
	[tilespmem:$0x14A00] =	vst v63  }
0x11c: {  	s29 =	simm.s32 @!p1 $0x2800;
	_ =	swait.ge @p1 [sflag:s3], $0x1000  }
0x11d: {  	s26 =	simm.s32 @!p1 $0x2A00;
	s6 =	rddreg [dreg:$0x4];
	[sflag:s3] =	ssyncset.done @p1 $0x0  }
0x11e: {  	s22 =	simm.s32 @!p1 $0x0;
	[sflag:s3] =	ssyncadd.s32 @p1 $0xFFFFF000;
	s6 =	sadd.s32 @!p1 s24, s6  }
0x11f: {  	[tilespmem:s29], [sflag:$0x9] =	stream.linear.gather @!p1 [hbm4b:s6+s22], $0x40, $0x38;
	[tilespmem:$0x14A00] =	vst v63  }
0x120: {  	s0 =	simm.s32 @!p1 $0xA;
	s29 =	sadd.s32 @!p1 $0x40, s23;
	s6 =	simm.s32 @!p1 $0x40  }
0x121: {  	[tilespmem:s26], [sflag:$0x1] =	stream.indirect.gather @!p1 [hbm4b:s4+s6], $0x40, s29, s6, $0xb8;
	[tilespmem:$0x14A00] =	vst v63  }
0x122: {  	_ =	swait.ge @!p1 [sflag:s0], $0x40  }
0x123: {  	[sflag:s0] =	ssyncset.done @!p1 $0x0  }
0x124: {  	[sflag:s0] =	ssyncadd.s32 @!p1 $0xFFFFFFC0;
	s0 =	simm.s32 @!p1 $0x2  }
0x125: {  	_ =	swait.ge @!p1 [sflag:s0], $0x1000  }
0x126: {  	s29 =	simm.s32 @!p1 $0x11;
	[sflag:s0] =	ssyncset.done @!p1 $0x0  }
0x127: {  	s26 =	simm.s32 @!p1 $0x3A00;
	[sflag:s0] =	ssyncadd.s32 @!p1 $0xFFFFF000;
	s0 =	simm.s32 @!p1 $0x2840  }
0x128: {  	[spmem:s1] =	stream.indirect.scatter.add.f32 @!p1 [tilespmem:s26], [sflag:$0x11], $0x40, s0, s6, $0xb8;
	[tilespmem:$0x14A00] =	vst v63  }
0x129: {  	_ =	swait.ge @!p1 [sflag:s29], $0x1000  }
0x12a: {  	s2 =	rddreg [dreg:$0x5];
	[sflag:s29] =	ssyncset.done @!p1 $0x0  }
0x12b: {  	[sflag:s29] =	ssyncadd.s32 @!p1 $0xFFFFF000;
	s2 =	sadd.s32 @!p1 s24, s2  }
0x12c: {  	[tilespmem:s0], [sflag:$0xA] =	stream.linear.gather @!p1 [hbm4b:s2+s22], $0x40, $0x38;
	[tilespmem:$0x14A00] =	vst v63  }
0x12d: {  	s0 =	sadd.s32 @!p1 $0x80, s23  }
0x12e: {  	[tilespmem:s26], [sflag:$0x2] =	stream.indirect.gather @!p1 [hbm4b:s4+s6], $0x40, s0, s6, $0xb8;
	[tilespmem:$0x14A00] =	vst v63  }
0x12f: {  	_ =	swait.ge [sflag:s14], $0x40  }
0x130: {  	[sflag:s14] =	ssyncset.done $0x0  }
0x131: {  	[sflag:s14] =	ssyncadd.s32 $0xFFFFFFC0  }
0x132: {  	_ =	swait.ge [sflag:s15], $0x1000  }
0x133: {  	[sflag:s15] =	ssyncset.done $0x0  }
0x134: {  	s2 =	simm.s32 $0x2880;
	s26 =	simm.s32 $0x4A00;
	[sflag:s15] =	ssyncadd.s32 $0xFFFFF000  }
0x135: {  	[spmem:s1] =	stream.indirect.scatter.add.f32 [tilespmem:s26], [sflag:$0x11], $0x40, s2, s30, $0xb8;
	[tilespmem:$0x14A00] =	vst v63  }
0x136: {  	_ =	swait.ge [sflag:s28], $0x1000  }
0x137: {  	[sflag:s28] =	ssyncset.done $0x0  }
0x138: {  	s0 =	simm.s32 @p1 $0xC;
	[sflag:s28] =	ssyncadd.s32 $0xFFFFF000  }
0x139: {  	_ =	swait.ge @p1 [sflag:s0], $0x40  }
0x13a: {  	[sflag:s0] =	ssyncset.done @p1 $0x0  }
0x13b: {  	[sflag:s0] =	ssyncadd.s32 @p1 $0xFFFFFFC0;
	s0 =	simm.s32 @p1 $0x4  }
0x13c: {  	_ =	swait.ge @p1 [sflag:s0], $0x1000  }
0x13d: {  	[sflag:s0] =	ssyncset.done @p1 $0x0  }
0x13e: {  	s2 =	simm.s32 @p1 $0x5A00;
	[sflag:s0] =	ssyncadd.s32 @p1 $0xFFFFF000;
	s0 =	simm.s32 @p1 $0x28C0  }
0x13f: {  	[spmem:s1] =	stream.indirect.scatter.add.f32 @p1 [tilespmem:s2], [sflag:$0x11], $0x40, s0, s31, $0xb8;
	[tilespmem:$0x14A00] =	vst v63  }
0x140: {  	_ =	swait.ge @p1 [sflag:s3], $0x1000  }
0x141: {  	s0 =	rddreg [dreg:$0x6];
	[sflag:s3] =	ssyncset.done @p1 $0x0  }
0x142: {  	s2 =	simm.s32 @!p1 $0x2880;
	[sflag:s3] =	ssyncadd.s32 @p1 $0xFFFFF000;
	s0 =	sadd.s32 @!p1 s24, s0  }
0x143: {  	[tilespmem:s2], [sflag:$0xB] =	stream.linear.gather @!p1 [hbm4b:s0+s22], $0x40, $0x38;
	[tilespmem:$0x14A00] =	vst v63  }
0x144: {  	s26 =	simm.s32 @!p1 $0xC;
	s0 =	sadd.s32 @!p1 $0xC0, s23;
	s2 =	simm.s32 @!p1 $0x4A00  }
0x145: {  	[tilespmem:s2], [sflag:$0x3] =	stream.indirect.gather @!p1 [hbm4b:s4+s6], $0x40, s0, s6, $0xb8;
	[tilespmem:$0x14A00] =	vst v63  }
0x146: {  	_ =	swait.ge @!p1 [sflag:s26], $0x40  }
0x147: {  	[sflag:s26] =	ssyncset.done @!p1 $0x0  }
0x148: {  	s0 =	simm.s32 @!p1 $0x4;
	[sflag:s26] =	ssyncadd.s32 @!p1 $0xFFFFFFC0  }
0x149: {  	_ =	swait.ge @!p1 [sflag:s0], $0x1000  }
0x14a: {  	[sflag:s0] =	ssyncset.done @!p1 $0x0  }
0x14b: {  	s2 =	simm.s32 @!p1 $0x5A00;
	[sflag:s0] =	ssyncadd.s32 @!p1 $0xFFFFF000;
	s0 =	simm.s32 @!p1 $0x28C0  }
0x14c: {  	[spmem:s1] =	stream.indirect.scatter.add.f32 @!p1 [tilespmem:s2], [sflag:$0x11], $0x40, s0, s6, $0xb8;
	[tilespmem:$0x14A00] =	vst v63  }
0x14d: {  	_ =	swait.ge @!p1 [sflag:s29], $0x1000  }
0x14e: {  	s26 =	rddreg [dreg:$0x7];
	[sflag:s29] =	ssyncset.done @!p1 $0x0  }
0x14f: {  	[sflag:s29] =	ssyncadd.s32 @!p1 $0xFFFFF000;
	s26 =	sadd.s32 @!p1 s24, s26  }
0x150: {  	[tilespmem:s0], [sflag:$0xC] =	stream.linear.gather @!p1 [hbm4b:s26+s22], $0x40, $0x38;
	[tilespmem:$0x14A00] =	vst v63  }
0x151: {  	s0 =	sadd.s32 @!p1 $0x100, s23  }
0x152: {  	[tilespmem:s2], [sflag:$0x4] =	stream.indirect.gather @!p1 [hbm4b:s4+s6], $0x40, s0, s6, $0xb8;
	[tilespmem:$0x14A00] =	vst v63  }
0x153: {  	_ =	swait.ge [sflag:s16], $0x40  }
0x154: {  	[sflag:s16] =	ssyncset.done $0x0  }
0x155: {  	[sflag:s16] =	ssyncadd.s32 $0xFFFFFFC0  }
0x156: {  	_ =	swait.ge [sflag:s17], $0x1000  }
0x157: {  	[sflag:s17] =	ssyncset.done $0x0  }
0x158: {  	s26 =	simm.s32 $0x6A00;
	[sflag:s17] =	ssyncadd.s32 $0xFFFFF000  }
0x159: {  	[spmem:s1] =	stream.indirect.scatter.add.f32 [tilespmem:s26], [sflag:$0x11], $0x40, s8, s30, $0xb8;
	[tilespmem:$0x14A00] =	vst v63  }
0x15a: {  	_ =	swait.ge [sflag:s28], $0x1000  }
0x15b: {  	[sflag:s28] =	ssyncset.done $0x0  }
0x15c: {  	s0 =	simm.s32 @p1 $0xE;
	[sflag:s28] =	ssyncadd.s32 $0xFFFFF000  }
0x15d: {  	_ =	swait.ge @p1 [sflag:s0], $0x40  }
0x15e: {  	[sflag:s0] =	ssyncset.done @p1 $0x0  }
0x15f: {  	[sflag:s0] =	ssyncadd.s32 @p1 $0xFFFFFFC0;
	s0 =	simm.s32 @p1 $0x6  }
0x160: {  	_ =	swait.ge @p1 [sflag:s0], $0x1000  }
0x161: {  	[sflag:s0] =	ssyncset.done @p1 $0x0  }
0x162: {  	s2 =	simm.s32 @p1 $0x7A00;
	[sflag:s0] =	ssyncadd.s32 @p1 $0xFFFFF000;
	s0 =	simm.s32 @p1 $0x2940  }
0x163: {  	[spmem:s1] =	stream.indirect.scatter.add.f32 @p1 [tilespmem:s2], [sflag:$0x11], $0x40, s0, s31, $0xb8;
	[tilespmem:$0x14A00] =	vst v63  }
0x164: {  	_ =	swait.ge @p1 [sflag:s3], $0x1000  }
0x165: {  	s0 =	rddreg [dreg:$0x8];
	[sflag:s3] =	ssyncset.done @p1 $0x0  }
0x166: {  	s2 =	simm.s32 @!p1 $0x2900;
	[sflag:s3] =	ssyncadd.s32 @p1 $0xFFFFF000;
	s0 =	sadd.s32 @!p1 s24, s0  }
0x167: {  	[tilespmem:s2], [sflag:$0xD] =	stream.linear.gather @!p1 [hbm4b:s0+s22], $0x40, $0x38;
	[tilespmem:$0x14A00] =	vst v63  }
0x168: {  	s3 =	simm.s32 @!p1 $0xE;
	s0 =	sadd.s32 @!p1 $0x140, s23;
	s2 =	simm.s32 @!p1 $0x6A00  }
0x169: {  	[tilespmem:s2], [sflag:$0x5] =	stream.indirect.gather @!p1 [hbm4b:s4+s6], $0x40, s0, s6, $0xb8;
	[tilespmem:$0x14A00] =	vst v63  }
0x16a: {  	_ =	swait.ge @!p1 [sflag:s3], $0x40  }
0x16b: {  	[sflag:s3] =	ssyncset.done @!p1 $0x0  }
0x16c: {  	s0 =	simm.s32 @!p1 $0x6;
	[sflag:s3] =	ssyncadd.s32 @!p1 $0xFFFFFFC0  }
0x16d: {  	_ =	swait.ge @!p1 [sflag:s0], $0x1000  }
0x16e: {  	[sflag:s0] =	ssyncset.done @!p1 $0x0  }
0x16f: {  	s2 =	simm.s32 @!p1 $0x7A00;
	[sflag:s0] =	ssyncadd.s32 @!p1 $0xFFFFF000;
	s0 =	simm.s32 @!p1 $0x2940  }
0x170: {  	[spmem:s1] =	stream.indirect.scatter.add.f32 @!p1 [tilespmem:s2], [sflag:$0x11], $0x40, s0, s6, $0xb8;
	[tilespmem:$0x14A00] =	vst v63  }
0x171: {  	_ =	swait.ge @!p1 [sflag:s29], $0x1000  }
0x172: {  	s3 =	rddreg [dreg:$0x9];
	[sflag:s29] =	ssyncset.done @!p1 $0x0  }
0x173: {  	[sflag:s29] =	ssyncadd.s32 @!p1 $0xFFFFF000;
	s3 =	sadd.s32 @!p1 s24, s3  }
0x174: {  	[tilespmem:s0], [sflag:$0xE] =	stream.linear.gather @!p1 [hbm4b:s3+s22], $0x40, $0x38;
	[tilespmem:$0x14A00] =	vst v63  }
0x175: {  	s0 =	sadd.s32 @!p1 $0x180, s23  }
0x176: {  	[tilespmem:s2], [sflag:$0x6] =	stream.indirect.gather @!p1 [hbm4b:s4+s6], $0x40, s0, s6, $0xb8;
	[tilespmem:$0x14A00] =	vst v63  }
0x177: {  	_ =	swait.ge [sflag:s18], $0x40  }
0x178: {  	[sflag:s18] =	ssyncset.done $0x0  }
0x179: {  	[sflag:s18] =	ssyncadd.s32 $0xFFFFFFC0  }
0x17a: {  	_ =	swait.ge [sflag:s19], $0x1000  }
0x17b: {  	[sflag:s19] =	ssyncset.done $0x0  }
0x17c: {  	s31 =	simm.s32 $0x8A00;
	s29 =	simm.s32 $0x2980;
	[sflag:s19] =	ssyncadd.s32 $0xFFFFF000  }
0x17d: {  	[spmem:s1] =	stream.indirect.scatter.add.f32 [tilespmem:s31], [sflag:$0x11], $0x40, s29, s30, $0xb8;
	[tilespmem:$0x14A00] =	vst v63  }
0x17e: {  	_ =	swait.ge [sflag:s28], $0x1000  }
0x17f: {  	s0 =	rddreg [dreg:$0xb];
	[sflag:s28] =	ssyncset.done $0x0  }
0x180: {  	s2 =	simm.s32 @!p1 $0x2980;
	[sflag:s28] =	ssyncadd.s32 $0xFFFFF000;
	s0 =	sadd.s32 @!p1 s24, s0  }
0x181: {  	[tilespmem:s2], [sflag:$0xF] =	stream.linear.gather @!p1 [hbm4b:s0+s22], $0x40, $0x38;
	[tilespmem:$0x14A00] =	vst v63  }
0x182: {  	s0 =	sadd.s32 @!p1 $0x1C0, s23;
	s2 =	simm.s32 @!p1 $0x8A00  }
0x183: {  	[tilespmem:s2], [sflag:$0x7] =	stream.indirect.gather @!p1 [hbm4b:s4+s6], $0x40, s0, s6, $0xb8;
	[tilespmem:$0x14A00] =	vst v63  }
0x184: {  	_ =	swait.ge [sflag:s20], $0x40  }
0x185: {  	[sflag:s20] =	ssyncset.done $0x0  }
0x186: {  	s5 =	smov.u32 s25;
	s25 =	sadd.s32 $0x40, s25;
	[sflag:s20] =	ssyncadd.s32 $0xFFFFFFC0  }
0x187: {  	p0 =	sne.s32 s25, $0x500;
	_ =	swait.ge [sflag:s21], $0x1000  }
.Ltmp1:
0x188: {  	[sflag:s21] =	ssyncset.done $0x0;
	(pc) =	sbr.rel @p0 .LBB2_4-.Ltmp1, $4  }
0x189: {  	[sflag:s21] =	ssyncadd.s32 $0xFFFFF000  }
0x18a: {  	[spmem:s1] =	stream.indirect.scatter.add.f32 [tilespmem:s11], [sflag:$0x11], $0x40, s10, s30, $0xb8;
	[tilespmem:$0x14A00] =	vst v63  }
0x18b: {  	_ =	swait.ge [sflag:s28], $0x1000  }
0x18c: {  	s24 =	smov.u32 s5;
	s3 =	rddreg [dreg:$0xa];
	[sflag:s28] =	ssyncset.done $0x0  }
0x18d: {  	[sflag:s28] =	ssyncadd.s32 $0xFFFFF000;
	s0 =	sadd.s32 s24, s3  }
0x18e: {  	[tilespmem:s10], [sflag:$0x10] =	stream.linear.gather [hbm4b:s0+s7], $0x40, $0x38;
	[tilespmem:$0x14A00] =	vst v63  }
0x18f: {  	s3 =	sadd.s32 $0x200, s23  }
0x190: {  	[tilespmem:s11], [sflag:$0x8] =	stream.indirect.gather [hbm4b:s4+s30], $0x40, s3, s30, $0xb8;
	[tilespmem:$0x14A00] =	vst v63  }
0x191: {  	_ =	swait.ge [sflag:s12], $0x40  }
0x192: {  	[sflag:s12] =	ssyncset.done $0x0  }
0x193: {  	[sflag:s12] =	ssyncadd.s32 $0xFFFFFFC0  }
0x194: {  	_ =	swait.ge [sflag:s13], $0x1000  }
0x195: {  	[sflag:s13] =	ssyncset.done $0x0  }
0x196: {  	s26 =	simm.s32 $0x2A00;
	[sflag:s13] =	ssyncadd.s32 $0xFFFFF000  }
0x197: {  	[spmem:s1] =	stream.indirect.scatter.add.f32 [tilespmem:s26], [sflag:$0x11], $0x40, s9, s30, $0xb8;
	[tilespmem:$0x14A00] =	vst v63  }
0x198: {  	_ =	swait.ge [sflag:s28], $0x1000  }
0x199: {  	p0 =	seq.s32 s24, $0x4C0;
	[sflag:s28] =	ssyncset.done $0x0  }
0x19a: {  	s0 =	simm.s32 @p0 $0xA;
	[sflag:s28] =	ssyncadd.s32 $0xFFFFF000  }
0x19b: {  	_ =	swait.ge @p0 [sflag:s0], $0x40  }
0x19c: {  	[sflag:s0] =	ssyncset.done @p0 $0x0  }
0x19d: {  	[sflag:s0] =	ssyncadd.s32 @p0 $0xFFFFFFC0;
	s0 =	simm.s32 @p0 $0x2  }
0x19e: {  	_ =	swait.ge @p0 [sflag:s0], $0x1000  }
0x19f: {  	s2 =	simm.s32 @p0 $0x3A00;
	s22 =	simm.s32 @p0 $0x11;
	[sflag:s0] =	ssyncset.done @p0 $0x0  }
0x1a0: {  	s25 =	simm.s32 @p0 $0x40;
	[sflag:s0] =	ssyncadd.s32 @p0 $0xFFFFF000;
	s0 =	simm.s32 @p0 $0x2840  }
0x1a1: {  	[spmem:s1] =	stream.indirect.scatter.add.f32 @p0 [tilespmem:s2], [sflag:$0x11], $0x40, s0, s25, $0xb8;
	[tilespmem:$0x14A00] =	vst v63  }
0x1a2: {  	s23 =	simm.s32 @!p0 $0xA;
	_ =	swait.ge @p0 [sflag:s22], $0x1000  }
0x1a3: {  	s5 =	simm.s32 @!p0 $0x0;
	s0 =	rddreg [dreg:$0x4];
	[sflag:s22] =	ssyncset.done @p0 $0x0  }
0x1a4: {  	s2 =	simm.s32 @!p0 $0x2800;
	[sflag:s22] =	ssyncadd.s32 @p0 $0xFFFFF000;
	s0 =	sadd.s32 @!p0 s24, s0  }
0x1a5: {  	[tilespmem:s2], [sflag:$0x9] =	stream.linear.gather @!p0 [hbm4b:s0+s5], $0x40, $0x38;
	[tilespmem:$0x14A00] =	vst v63  }
0x1a6: {  	s6 =	simm.s32 @!p0 $0x40;
	s0 =	sadd.s32 @!p0 $0x40, s3;
	s2 =	simm.s32 @!p0 $0x2A00  }
0x1a7: {  	[tilespmem:s2], [sflag:$0x1] =	stream.indirect.gather @!p0 [hbm4b:s4+s6], $0x40, s0, s6, $0xb8;
	[tilespmem:$0x14A00] =	vst v63  }
0x1a8: {  	_ =	swait.ge @!p0 [sflag:s23], $0x40  }
0x1a9: {  	[sflag:s23] =	ssyncset.done @!p0 $0x0  }
0x1aa: {  	s0 =	simm.s32 @!p0 $0x2;
	[sflag:s23] =	ssyncadd.s32 @!p0 $0xFFFFFFC0  }
0x1ab: {  	_ =	swait.ge @!p0 [sflag:s0], $0x1000  }
0x1ac: {  	s2 =	simm.s32 @!p0 $0x3A00;
	[sflag:s0] =	ssyncset.done @!p0 $0x0  }
0x1ad: {  	s23 =	simm.s32 @!p0 $0x11;
	[sflag:s0] =	ssyncadd.s32 @!p0 $0xFFFFF000;
	s0 =	simm.s32 @!p0 $0x2840  }
0x1ae: {  	[spmem:s1] =	stream.indirect.scatter.add.f32 @!p0 [tilespmem:s2], [sflag:$0x11], $0x40, s0, s6, $0xb8;
	[tilespmem:$0x14A00] =	vst v63  }
0x1af: {  	_ =	swait.ge @!p0 [sflag:s23], $0x1000  }
0x1b0: {  	s26 =	rddreg [dreg:$0x5];
	[sflag:s23] =	ssyncset.done @!p0 $0x0  }
0x1b1: {  	[sflag:s23] =	ssyncadd.s32 @!p0 $0xFFFFF000;
	s26 =	sadd.s32 @!p0 s24, s26  }
0x1b2: {  	[tilespmem:s0], [sflag:$0xA] =	stream.linear.gather @!p0 [hbm4b:s26+s5], $0x40, $0x38;
	[tilespmem:$0x14A00] =	vst v63  }
0x1b3: {  	s0 =	sadd.s32 @!p0 $0x80, s3  }
0x1b4: {  	[tilespmem:s2], [sflag:$0x2] =	stream.indirect.gather @!p0 [hbm4b:s4+s6], $0x40, s0, s6, $0xb8;
	[tilespmem:$0x14A00] =	vst v63  }
0x1b5: {  	_ =	swait.ge [sflag:s14], $0x40  }
0x1b6: {  	[sflag:s14] =	ssyncset.done $0x0  }
0x1b7: {  	[sflag:s14] =	ssyncadd.s32 $0xFFFFFFC0  }
0x1b8: {  	_ =	swait.ge [sflag:s15], $0x1000  }
0x1b9: {  	[sflag:s15] =	ssyncset.done $0x0  }
0x1ba: {  	s7 =	simm.s32 $0x4A00;
	s2 =	simm.s32 $0x2880;
	[sflag:s15] =	ssyncadd.s32 $0xFFFFF000  }
0x1bb: {  	[spmem:s1] =	stream.indirect.scatter.add.f32 [tilespmem:s7], [sflag:$0x11], $0x40, s2, s30, $0xb8;
	[tilespmem:$0x14A00] =	vst v63  }
0x1bc: {  	_ =	swait.ge [sflag:s28], $0x1000  }
0x1bd: {  	[sflag:s28] =	ssyncset.done $0x0  }
0x1be: {  	s0 =	simm.s32 @p0 $0xC;
	[sflag:s28] =	ssyncadd.s32 $0xFFFFF000  }
0x1bf: {  	_ =	swait.ge @p0 [sflag:s0], $0x40  }
0x1c0: {  	[sflag:s0] =	ssyncset.done @p0 $0x0  }
0x1c1: {  	[sflag:s0] =	ssyncadd.s32 @p0 $0xFFFFFFC0;
	s0 =	simm.s32 @p0 $0x4  }
0x1c2: {  	_ =	swait.ge @p0 [sflag:s0], $0x1000  }
0x1c3: {  	[sflag:s0] =	ssyncset.done @p0 $0x0  }
0x1c4: {  	s2 =	simm.s32 @p0 $0x5A00;
	[sflag:s0] =	ssyncadd.s32 @p0 $0xFFFFF000;
	s0 =	simm.s32 @p0 $0x28C0  }
0x1c5: {  	[spmem:s1] =	stream.indirect.scatter.add.f32 @p0 [tilespmem:s2], [sflag:$0x11], $0x40, s0, s25, $0xb8;
	[tilespmem:$0x14A00] =	vst v63  }
0x1c6: {  	_ =	swait.ge @p0 [sflag:s22], $0x1000  }
0x1c7: {  	s0 =	rddreg [dreg:$0x6];
	[sflag:s22] =	ssyncset.done @p0 $0x0  }
0x1c8: {  	s2 =	simm.s32 @!p0 $0x2880;
	[sflag:s22] =	ssyncadd.s32 @p0 $0xFFFFF000;
	s0 =	sadd.s32 @!p0 s24, s0  }
0x1c9: {  	[tilespmem:s2], [sflag:$0xB] =	stream.linear.gather @!p0 [hbm4b:s0+s5], $0x40, $0x38;
	[tilespmem:$0x14A00] =	vst v63  }
0x1ca: {  	s26 =	simm.s32 @!p0 $0xC;
	s0 =	sadd.s32 @!p0 $0xC0, s3;
	s2 =	simm.s32 @!p0 $0x4A00  }
0x1cb: {  	[tilespmem:s2], [sflag:$0x3] =	stream.indirect.gather @!p0 [hbm4b:s4+s6], $0x40, s0, s6, $0xb8;
	[tilespmem:$0x14A00] =	vst v63  }
0x1cc: {  	_ =	swait.ge @!p0 [sflag:s26], $0x40  }
0x1cd: {  	[sflag:s26] =	ssyncset.done @!p0 $0x0  }
0x1ce: {  	s0 =	simm.s32 @!p0 $0x4;
	[sflag:s26] =	ssyncadd.s32 @!p0 $0xFFFFFFC0  }
0x1cf: {  	_ =	swait.ge @!p0 [sflag:s0], $0x1000  }
0x1d0: {  	[sflag:s0] =	ssyncset.done @!p0 $0x0  }
0x1d1: {  	s2 =	simm.s32 @!p0 $0x5A00;
	[sflag:s0] =	ssyncadd.s32 @!p0 $0xFFFFF000;
	s0 =	simm.s32 @!p0 $0x28C0  }
0x1d2: {  	[spmem:s1] =	stream.indirect.scatter.add.f32 @!p0 [tilespmem:s2], [sflag:$0x11], $0x40, s0, s6, $0xb8;
	[tilespmem:$0x14A00] =	vst v63  }
0x1d3: {  	_ =	swait.ge @!p0 [sflag:s23], $0x1000  }
0x1d4: {  	s26 =	rddreg [dreg:$0x7];
	[sflag:s23] =	ssyncset.done @!p0 $0x0  }
0x1d5: {  	[sflag:s23] =	ssyncadd.s32 @!p0 $0xFFFFF000;
	s26 =	sadd.s32 @!p0 s24, s26  }
0x1d6: {  	[tilespmem:s0], [sflag:$0xC] =	stream.linear.gather @!p0 [hbm4b:s26+s5], $0x40, $0x38;
	[tilespmem:$0x14A00] =	vst v63  }
0x1d7: {  	s0 =	sadd.s32 @!p0 $0x100, s3  }
0x1d8: {  	[tilespmem:s2], [sflag:$0x4] =	stream.indirect.gather @!p0 [hbm4b:s4+s6], $0x40, s0, s6, $0xb8;
	[tilespmem:$0x14A00] =	vst v63  }
0x1d9: {  	_ =	swait.ge [sflag:s16], $0x40  }
0x1da: {  	[sflag:s16] =	ssyncset.done $0x0  }
0x1db: {  	[sflag:s16] =	ssyncadd.s32 $0xFFFFFFC0  }
0x1dc: {  	_ =	swait.ge [sflag:s17], $0x1000  }
0x1dd: {  	[sflag:s17] =	ssyncset.done $0x0  }
0x1de: {  	s9 =	simm.s32 $0x6A00;
	[sflag:s17] =	ssyncadd.s32 $0xFFFFF000  }
0x1df: {  	[spmem:s1] =	stream.indirect.scatter.add.f32 [tilespmem:s9], [sflag:$0x11], $0x40, s8, s30, $0xb8;
	[tilespmem:$0x14A00] =	vst v63  }
0x1e0: {  	_ =	swait.ge [sflag:s28], $0x1000  }
0x1e1: {  	[sflag:s28] =	ssyncset.done $0x0  }
0x1e2: {  	s0 =	simm.s32 @p0 $0xE;
	[sflag:s28] =	ssyncadd.s32 $0xFFFFF000  }
0x1e3: {  	_ =	swait.ge @p0 [sflag:s0], $0x40  }
0x1e4: {  	[sflag:s0] =	ssyncset.done @p0 $0x0  }
0x1e5: {  	[sflag:s0] =	ssyncadd.s32 @p0 $0xFFFFFFC0;
	s0 =	simm.s32 @p0 $0x6  }
0x1e6: {  	_ =	swait.ge @p0 [sflag:s0], $0x1000  }
0x1e7: {  	[sflag:s0] =	ssyncset.done @p0 $0x0  }
0x1e8: {  	s2 =	simm.s32 @p0 $0x7A00;
	[sflag:s0] =	ssyncadd.s32 @p0 $0xFFFFF000;
	s0 =	simm.s32 @p0 $0x2940  }
0x1e9: {  	[spmem:s1] =	stream.indirect.scatter.add.f32 @p0 [tilespmem:s2], [sflag:$0x11], $0x40, s0, s25, $0xb8;
	[tilespmem:$0x14A00] =	vst v63  }
0x1ea: {  	_ =	swait.ge @p0 [sflag:s22], $0x1000  }
0x1eb: {  	s0 =	rddreg [dreg:$0x8];
	[sflag:s22] =	ssyncset.done @p0 $0x0  }
0x1ec: {  	s2 =	simm.s32 @!p0 $0x2900;
	[sflag:s22] =	ssyncadd.s32 @p0 $0xFFFFF000;
	s0 =	sadd.s32 @!p0 s24, s0  }
0x1ed: {  	[tilespmem:s2], [sflag:$0xD] =	stream.linear.gather @!p0 [hbm4b:s0+s5], $0x40, $0x38;
	[tilespmem:$0x14A00] =	vst v63  }
0x1ee: {  	s22 =	simm.s32 @!p0 $0xE;
	s0 =	sadd.s32 @!p0 $0x140, s3;
	s2 =	simm.s32 @!p0 $0x6A00  }
0x1ef: {  	[tilespmem:s2], [sflag:$0x5] =	stream.indirect.gather @!p0 [hbm4b:s4+s6], $0x40, s0, s6, $0xb8;
	[tilespmem:$0x14A00] =	vst v63  }
0x1f0: {  	_ =	swait.ge @!p0 [sflag:s22], $0x40  }
0x1f1: {  	[sflag:s22] =	ssyncset.done @!p0 $0x0  }
0x1f2: {  	s0 =	simm.s32 @!p0 $0x6;
	[sflag:s22] =	ssyncadd.s32 @!p0 $0xFFFFFFC0  }
0x1f3: {  	_ =	swait.ge @!p0 [sflag:s0], $0x1000  }
0x1f4: {  	[sflag:s0] =	ssyncset.done @!p0 $0x0  }
0x1f5: {  	s2 =	simm.s32 @!p0 $0x7A00;
	[sflag:s0] =	ssyncadd.s32 @!p0 $0xFFFFF000;
	s0 =	simm.s32 @!p0 $0x2940  }
0x1f6: {  	[spmem:s1] =	stream.indirect.scatter.add.f32 @!p0 [tilespmem:s2], [sflag:$0x11], $0x40, s0, s6, $0xb8;
	[tilespmem:$0x14A00] =	vst v63  }
0x1f7: {  	_ =	swait.ge @!p0 [sflag:s23], $0x1000  }
0x1f8: {  	s22 =	rddreg [dreg:$0x9];
	[sflag:s23] =	ssyncset.done @!p0 $0x0  }
0x1f9: {  	[sflag:s23] =	ssyncadd.s32 @!p0 $0xFFFFF000;
	s22 =	sadd.s32 @!p0 s24, s22  }
0x1fa: {  	[tilespmem:s0], [sflag:$0xE] =	stream.linear.gather @!p0 [hbm4b:s22+s5], $0x40, $0x38;
	[tilespmem:$0x14A00] =	vst v63  }
0x1fb: {  	s0 =	sadd.s32 @!p0 $0x180, s3  }
0x1fc: {  	[tilespmem:s2], [sflag:$0x6] =	stream.indirect.gather @!p0 [hbm4b:s4+s6], $0x40, s0, s6, $0xb8;
	[tilespmem:$0x14A00] =	vst v63  }
0x1fd: {  	_ =	swait.ge [sflag:s18], $0x40  }
0x1fe: {  	[sflag:s18] =	ssyncset.done $0x0  }
0x1ff: {  	[sflag:s18] =	ssyncadd.s32 $0xFFFFFFC0  }
0x200: {  	_ =	swait.ge [sflag:s19], $0x1000  }
0x201: {  	[sflag:s19] =	ssyncset.done $0x0  }
0x202: {  	[sflag:s19] =	ssyncadd.s32 $0xFFFFF000  }
0x203: {  	[spmem:s1] =	stream.indirect.scatter.add.f32 [tilespmem:s31], [sflag:$0x11], $0x40, s29, s30, $0xb8;
	[tilespmem:$0x14A00] =	vst v63  }
0x204: {  	_ =	swait.ge [sflag:s28], $0x1000  }
0x205: {  	s0 =	rddreg [dreg:$0xb];
	[sflag:s28] =	ssyncset.done $0x0  }
0x206: {  	s2 =	simm.s32 @!p0 $0x2980;
	[sflag:s28] =	ssyncadd.s32 $0xFFFFF000;
	s0 =	sadd.s32 @!p0 s24, s0  }
0x207: {  	[tilespmem:s2], [sflag:$0xF] =	stream.linear.gather @!p0 [hbm4b:s0+s5], $0x40, $0x38;
	[tilespmem:$0x14A00] =	vst v63  }
0x208: {  	s0 =	sadd.s32 @!p0 $0x1C0, s3;
	s2 =	simm.s32 @!p0 $0x8A00  }
0x209: {  	[tilespmem:s2], [sflag:$0x7] =	stream.indirect.gather @!p0 [hbm4b:s4+s6], $0x40, s0, s6, $0xb8;
	[tilespmem:$0x14A00] =	vst v63  }
0x20a: {  	_ =	swait.ge [sflag:s20], $0x40  }
0x20b: {  	[sflag:s20] =	ssyncset.done $0x0  }
0x20c: {  	[sflag:s20] =	ssyncadd.s32 $0xFFFFFFC0  }
0x20d: {  	_ =	swait.ge [sflag:s21], $0x1000  }
0x20e: {  	[sflag:s21] =	ssyncset.done $0x0  }
0x20f: {  	[sflag:s21] =	ssyncadd.s32 $0xFFFFF000  }
0x210: {  	[spmem:s1] =	stream.indirect.scatter.add.f32 [tilespmem:s11], [sflag:$0x11], $0x40, s10, s30, $0xb8;
	[tilespmem:$0x14A00] =	vst v63  }
0x211: {  	_ =	swait.ge [sflag:s28], $0x1000  }
0x212: {  	[sflag:s28] =	ssyncset.done $0x0  }
0x213: {  	[sflag:s28] =	ssyncadd.s32 $0xFFFFF000  }
0x214: {  	[bflag:$0x0] =	sbarrier.arrive $0xFFFF  }
0x215: {  	s22 =	stileid.u32;
	s24 =	sld [smem:$0x7FD]  }
0x216: {  	s0 =	sshll.u32 s22, $0x6  }
0x217: {  	s0 =	sor.u32 $0x1C11, s0;
	s23 =	rddreg [dreg:$0x15]  }
0x218: {  	[hbm:s23], [sflag:s0] =	dma.local [spmem:s24], $0x1400  }
0x219: {  	_ =	swait.ge [sflag:s28], $0x1400  }
0x21a: {  	s25 =	sld [smem:$0x7FC];
	_ =	sdelay $0x2  }
0x21b: {  	s26 =	rddreg [dreg:$0x16];
	s3 =	sadd.s32 $0x1, s25  }
0x21c: {  	p0 =	sne.s32 s3, s26  }
.Ltmp2:
0x21d: {  	_ = 	snop;
	(pc) =	sbr.rel @p0 .LBB2_1-.Ltmp2, $4  }
0x21e: {  	_ = 	snop  }
0x21f: {  	s7 =	simm.s32 $0x2800;
	s8 =	simm.s32 $0x2880;
	s9 =	simm.s32 $0x4A00  }
0x220: {  	s22 =	simm.s32 $0x0;
	s2 =	simm.s32 $0x2A00;
	[sflag:s28] =	ssyncset.done $0x0  }
0x221: {  	s23 =	simm.s32 $0x6A00;
	[sflag:s28] =	ssyncadd.s32 $0xFFFFEC00;
	s26 =	simm.s32 $0x2900  }
0x222: {  	_ =	sfence.sel $0x180000  }
0x223: {  	[bflag:$0x0] =	sbarrier.arrive $0xFFFF  }
0x224: {  	_ =	strace $0x9000004D  }
0x225: {  	s0 =	stileid.u32;
	[bflag:$0x2] =	sbarrier.arrive $0xFFFF  }
0x226: {  	p0 =	sne.s32 s0, $0x0;
	s0 =	rddreg [dreg:$0x3]  }
0x227: {  	s0 =	sadd.s32 @!p0 $0x100000, s0  }
0x228: {  	[sflag:s0] =	ssyncadd.tile.s32 @!p0 $0x1;
	_ =	shalt  }
.Lfunc_end2:
_tile_overlayer_lowered:
.L_overlay_start_2:
0x229: {  	(tag) =	ssettag $0x2  }
0x22a: {  	s0 =	rddreg [dreg:$0x0];
	s2 =	stileid.u32  }
0x22b: {  	s1 =	rddreg [dreg:$0x1];
	p0 =	sne.s32 s2, $0x0  }
0x22c: {  	s3 =	rddreg [dreg:$0x2];
	[bflag:$0x3] =	sbarrier.arrive $0xFFFF;
	s2 =	simm.s32 @!p0 $0x1C11  }
0x22d: {  	[timem:s3], [sflag:s2] =	dma.local @!p0 [hbm:s0], s1  }
0x22e: {  	s0 =	simm.s32 @!p0 $0x11  }
0x22f: {  	_ =	swait.ge @!p0 [sflag:s0], s1  }
0x230: {  	s1 =	ssub.s32 @!p0 $0x0, s1;
	[sflag:s0] =	ssyncset.done @!p0 $0x0  }
0x231: {  	[sflag:s0] =	ssyncadd.s32 @!p0 s1  }
0x232: {  	[bflag:$0x3] =	sbarrier.arrive $0xFFFF  }
0x233: {  	_ =	shalt  }

// kernel: _run.8.cloned.1.call-start
scs
__scs_entry_jumppad:
0x0: {  	(pc) =	sbr.rel $0x88, $3  }
0x1: {  	(tag) =	ssettag $0x0;
	lr =	simm.s32 $0x1  }
0x2: {  	[smem:$0x3F9B] =	sst lr;
	_ =	strace $0xD0000000  }
0x3: {  	_ = 	snop  }
0x4: {  	_ = 	snop  }
0x5: {  	_ = 	snop  }
0x6: {  	_ = 	snop  }
0x7: {  	_ = 	snop  }
__scs_overlays_trampoline_lowered:
0x8: {  	[smem:$0x3FAA] =	sst s0  }
0x9: {  	[smem:$0x3FAB] =	sst s1  }
0xa: {  	[smem:$0x3FAC] =	sst s2  }
0xb: {  	[smem:$0x3FAD] =	sst s3  }
0xc: {  	[smem:$0x3FAE] =	sst s4  }
0xd: {  	[smem:$0x3FAF] =	sst s5  }
0xe: {  	[smem:$0x3FB0] =	sst s6  }
0xf: {  	[smem:$0x3FB1] =	sst s7  }
0x10: {  	[smem:$0x3FB2] =	sst s8  }
0x11: {  	[smem:$0x3FB3] =	sst s9;
	s0 =	simm.s32 @!p0 $0x0  }
0x12: {  	s1 =	sld [smem:$0x3F99];
	s0 =	simm.s32 @p0 $0x1  }
0x13: {  	[smem:$0x3FB4] =	sst s0;
	s0 =	simm.s32 @!p1 $0x0  }
0x14: {  	s2 =	sld [smem:$0x3F98];
	s0 =	simm.s32 @p1 $0x1  }
0x15: {  	[smem:$0x3FB5] =	sst s0;
	s0 =	simm.s32 @!p2 $0x0  }
0x16: {  	s3 =	sld [smem:$0x3FDB];
	s0 =	simm.s32 @p2 $0x1  }
0x17: {  	s4 =	simm.s32 $0x1BF5;
	[smem:$0x3FB7] =	sst s0  }
0x18: {  	s0 =	sld [smem:$0x3F9A];
	_ =	swait.ge [sflag:s4], $0x0  }
0x19: {  	s7 =	sld [smem:$0x3F9B]  }
0x1a: {  	s8 =	sadd.s32 $0xFFFFE003, lr  }
0x1b: {  	s9 =	sadd.s32 $0xFFFFFEF7, lr;
	s5 =	simm.s32 $0xFFFFFFFF;
	p2 =	slt.u32 s8, $0xFFFFF086  }
0x1c: {  	p1 =	slt.u32 s9, $0xF7A;
	s5 =	simm.s32 @!p2 $0x0  }
0x1d: {  	s5 =	simm.s32 @p1 $0x1;
	p0 =	seq.s32 s7, s2  }
0x1e: {  	s7 =	smul.u32 @!p0 $0xF7A, s2;
	p2 =	seq.s32 @!p0 s5, $0x0  }
0x1f: {  	s9 =	smul.u32 $0xF7A, s1;
	s8 =	simm.s32 @!p0 $0x1BF5;
	p2 =	por !p2, p0  }
0x20: {  	[sflag:s8] =	ssyncset.s32 @!p0 $0xFFFFF086;
	s6 =	sadd.s32 @!p0 s3, s7;
	s7 =	simm.s32 @!p0 $0x108  }
0x21: {  	s3 =	sadd.s32 s3, s9;
	s6 =	sadd.s32 @!p0 $0x88, s6;
	s7 =	simm.s32 @p2 $0x1082  }
0x22: {  	[simem:s7], [sflag:s8] =	dma.local @!p0 [hbm:s6], $0xF7A  }
0x23: {  	s9 =	sor.u32 $0xD0000000, s2;
	s6 =	simm.s32 $0x108;
	_ =	swait.ge @!p0 [sflag:s8], $0x0  }
0x24: {  	s3 =	sadd.s32 $0x88, s3;
	s6 =	simm.s32 @!p1 $0x1082;
	[sflag:s4] =	ssyncset.s32 $0xFFFFF086  }
0x25: {  	[simem:s6], [sflag:s4] =	dma.local [hbm:s3], $0xF7A  }
0x26: {  	[smem:$0x3F9B] =	sst s1;
	(tag) =	ssettag s2;
	_ =	strace s9  }
0x27: {  	s1 =	sld [smem:$0x3FAB]  }
0x28: {  	s2 =	sld [smem:$0x3FAC]  }
0x29: {  	s4 =	sld [smem:$0x3FAE]  }
0x2a: {  	p0 =	seq.s32 s5, $0x0;
	s5 =	sld [smem:$0x3FAF]  }
0x2b: {  	s6 =	sld [smem:$0x3FB0]  }
0x2c: {  	s7 =	sld [smem:$0x3FB1]  }
0x2d: {  	s3 =	simm.s32 $0x108;
	s8 =	sld [smem:$0x3FB2]  }
0x2e: {  	s3 =	simm.s32 @!p0 $0x1082;
	s9 =	sld [smem:$0x3FB3]  }
0x2f: {  	lr =	sadd.s32 s0, s3;
	s0 =	sld [smem:$0x3FAA]  }
0x30: {  	s3 =	sld [smem:$0x3FAD]  }
0x31: {  	[smem:$0x3FB6] =	sst s10  }
0x32: {  	s10 =	sld [smem:$0x3FB4];
	_ =	sdelay $0x3  }
0x33: {  	p0 =	seq.s32 s10, $0x1;
	s10 =	sld [smem:$0x3FB6];
	_ =	sdelay $0x3  }
0x34: {  	[smem:$0x3FB6] =	sst s10  }
0x35: {  	s10 =	sld [smem:$0x3FB5];
	_ =	sdelay $0x3  }
0x36: {  	p1 =	seq.s32 s10, $0x1;
	s10 =	sld [smem:$0x3FB6];
	_ =	sdelay $0x3  }
0x37: {  	[smem:$0x3FB6] =	sst s10  }
0x38: {  	s10 =	sld [smem:$0x3FB7]  }
0x39: {  	_ = 	snop;
	(pc) =	sbr.ind lr, $3  }
0x3a: {  	_ = 	snop  }
0x3b: {  	_ = 	snop  }
0x3c: {  	p2 =	seq.s32 s10, $0x1;
	s10 =	sld [smem:$0x3FB6]  }
0x3d: {  	_ =	shalt  }
0x3e: {  	_ =	shalt  }
0x3f: {  	_ =	shalt  }
0x40: {  	_ =	shalt  }
0x41: {  	_ =	shalt  }
0x42: {  	_ =	shalt  }
0x43: {  	_ =	shalt  }
0x44: {  	_ =	shalt  }
0x45: {  	_ =	shalt  }
0x46: {  	_ =	shalt  }
0x47: {  	_ =	shalt  }
0x48: {  	_ =	shalt  }
0x49: {  	_ =	shalt  }
0x4a: {  	_ =	shalt  }
0x4b: {  	_ =	shalt  }
0x4c: {  	_ =	shalt  }
0x4d: {  	_ =	shalt  }
0x4e: {  	_ =	shalt  }
0x4f: {  	_ =	shalt  }
0x50: {  	_ =	shalt  }
0x51: {  	_ =	shalt  }
0x52: {  	_ =	shalt  }
0x53: {  	_ =	shalt  }
0x54: {  	_ =	shalt  }
0x55: {  	_ =	shalt  }
0x56: {  	_ =	shalt  }
0x57: {  	_ =	shalt  }
0x58: {  	_ =	shalt  }
0x59: {  	_ =	shalt  }
0x5a: {  	_ =	shalt  }
0x5b: {  	_ =	shalt  }
0x5c: {  	_ =	shalt  }
0x5d: {  	_ =	shalt  }
0x5e: {  	_ =	shalt  }
0x5f: {  	_ =	shalt  }
0x60: {  	_ =	shalt  }
0x61: {  	_ =	shalt  }
0x62: {  	_ =	shalt  }
0x63: {  	_ =	shalt  }
0x64: {  	_ =	shalt  }
0x65: {  	_ =	shalt  }
0x66: {  	_ =	shalt  }
0x67: {  	_ =	shalt  }
0x68: {  	_ =	shalt  }
0x69: {  	_ =	shalt  }
0x6a: {  	_ =	shalt  }
0x6b: {  	_ =	shalt  }
0x6c: {  	_ =	shalt  }
0x6d: {  	_ =	shalt  }
0x6e: {  	_ =	shalt  }
0x6f: {  	_ =	shalt  }
0x70: {  	_ =	shalt  }
0x71: {  	_ =	shalt  }
0x72: {  	_ =	shalt  }
0x73: {  	_ =	shalt  }
0x74: {  	_ =	shalt  }
0x75: {  	_ =	shalt  }
0x76: {  	_ =	shalt  }
0x77: {  	_ =	shalt  }
0x78: {  	_ =	shalt  }
0x79: {  	_ =	shalt  }
0x7a: {  	_ =	shalt  }
0x7b: {  	_ =	shalt  }
0x7c: {  	_ =	shalt  }
0x7d: {  	_ =	shalt  }
0x7e: {  	_ =	shalt  }
0x7f: {  	_ =	shalt  }
0x80: {  	_ =	shalt  }
0x81: {  	_ =	shalt  }
0x82: {  	_ =	shalt  }
0x83: {  	_ =	shalt  }
0x84: {  	_ =	shalt  }
0x85: {  	_ =	shalt  }
0x86: {  	_ =	shalt  }
0x87: {  	_ =	shalt  }
.Lfunc_end0:
.L_simem_size_0:
called_computation_lowered:
.L_overlay_start_0:
0x88: {  	s2 =	sld [smem:$0x3FD9]  }
0x89: {  	s3 =	sld [smem:$0x3FFE];
	_ =	sdelay $0x1  }
0x8a: {  	s1 =	srdreg.scid  }
0x8b: {  	s0 =	sand.u32 $0x1, s1  }
0x8c: {  	s16 =	sshll.u32 s0, $0xA;
	s2 =	sadd.s32 s3, s2  }
0x8d: {  	s2 =	sadd.s32 s2, s16  }
0x8e: {  	[smem:$0x3FC2] =	sst s2  }
0x8f: {  	_ = 	snop  }
0x90: {  	(tm) =	ssettm $0x1  }
0x91: {  	s17 =	sld [smem:$0x3FFB];
	_ =	sdelay $0x3  }
0x92: {  	_ =	strace s17  }
0x93: {  	s2 =	sld [smem:$0x3FFC];
	_ =	sdelay $0x3  }
0x94: {  	_ =	strace s2  }
0x95: {  	s2 =	sld [smem:$0x3FFD];
	_ =	sdelay $0x3  }
0x96: {  	_ =	strace s2  }
0x97: {  	_ =	strace $0x8FFFFFFF  }
0x98: {  	s18 =	sld [smem:$0x3FDB];
	_ =	sdelay $0x1  }
0x99: {  	s19 =	simm.s32 $_scs_section_size  }
0x9a: {  	s4 =	simm.s32 $_size__tile_overlayer_lowered;
	s5 =	simm.s32 $_tile_overlayer_lowered  }
0x9b: {  	s22 =	simm.s32 $0x1BFF;
	s21 =	sshll.u32 s5, $0x1;
	s2 =	sadd.s32 s19, s18  }
0x9c: {  	s6 =	simm.s32 $0x0;
	s20 =	sshll.u32 s4, $0x1;
	s4 =	sadd.s32 s21, s2  }
0x9d: {  	[timem:s6], [sflag:s22] =	dma.local [hbm:s4], s20  }
0x9e: {  	_ =	swait.ge [sflag:s22], s20  }
0x9f: {  	s3 =	ssub.s32 $0x0, s20;
	[sflag:s22] =	ssyncset.done $0x0  }
0xa0: {  	[sflag:s22] =	ssyncadd.s32 s3;
	_ =	sdelay $0x1  }
0xa1: {  	s23 =	simm.s32 $0x1B8B  }
0xa2: {  	_ =	swait.ge [sflag:s23], $0x1  }
0xa3: {  	[sflag:s23] =	ssyncset.done $0x0  }
0xa4: {  	s25 =	simm.s32 $0x1B8E;
	s24 =	sld [smem:$0x3FFE];
	[sflag:s23] =	ssyncadd.s32 $0xFFFFFFFF  }
0xa5: {  	s26 =	simm.s32 $execute0_lowered;
	[smem:$0x3FD2] =	sst s25  }
0xa6: {  	s4 =	sshll.u32 s26, $0x1;
	_ =	strace $0x80000046;
	[dreg:$0x1] =	wrdreg $0xFFFFFFFF  }
0xa7: {  	s28 =	simm.s32 $_size_execute0_lowered;
	s2 =	sadd.s32 s2, s4;
	[dreg:$0x0] =	wrdreg $0x0  }
0xa8: {  	s4 =	sshll.u32 s28, $0x1;
	[dreg:$0x2] =	wrdreg s2  }
0xa9: {  	[dreg:$0x3] =	wrdreg s4  }
0xaa: {  	[dreg:$0x4] =	wrdreg $0xC0  }
0xab: {  	_ =	task [dreg:s6], $0x5FFFF  }
0xac: {  	[dreg:$0x1] =	wrdreg $0xFFFFFFFF  }
0xad: {  	[dreg:$0x0] =	wrdreg $0x60  }
0xae: {  	[dreg:$0x2] =	wrdreg s24  }
0xaf: {  	[dreg:$0x3] =	wrdreg $0x5000  }
0xb0: {  	[dreg:$0x4] =	wrdreg $0x9  }
0xb1: {  	_ =	task.clear_ibuf [dreg:s6], $0x5FFFF;
	_ =	strace $0x90000046  }
0xb2: {  	s29 =	simm.s32 $0x9;
	_ =	strace $0x80000048  }
0xb3: {  	_ =	swait.ge [sflag:s29], $0x1  }
0xb4: {  	[sflag:s29] =	ssyncadd.s32 $0xFFFFFFFF  }
0xb5: {  	_ =	strace $0x90000048  }
0xb6: {  	_ =	sfence  }
0xb7: {  	s30 =	sld [smem:$0x0];
	_ =	sdelay $0x2  }
0xb8: {  	s31 =	sshll.u32 s1, $0xD;
	s1 =	sshrl.u32 s1, $0x2  }
0xb9: {  	s3 =	sand.u32 $0x4000, s31;
	s1 =	sadd.s32 s1, s30  }
0xba: {  	s0 =	sor.u32 s3, s0;
	s1 =	sshll.u32 s1, $0x11  }
0xbb: {  	s0 =	sor.u32 s1, s0  }
0xbc: {  	s0 =	sadd.s32 $0x8F2B, s0  }
0xbd: {  	[sflag:s0] =	ssyncadd.remote.s32 $0x1  }
0xbe: {  	_ =	sfence.sel $0xFFFF  }
0xbf: {  	[dreg:$0x0] =	wrdreg $0xFFFFFFFF;
	(pc) =	sbr.abs _section_cstart, $3  }
0xc0: {  	[dreg:$0x1] =	wrdreg $0xFFFFFFFF  }
0xc1: {  	_ =	task.clear_ibuf [dreg:s6], $0x2FFFF;
	_ =	strace $0x9FFFFFFF  }
0xc2: {  	(tm) =	ssettm $0x7FFFFFFF  }
0xc3: {  	_ =	shalt  }
tec
execute0_lowered:
.L_overlay_start_1:
0x0: {  	(tag) =	ssettag $0x1  }
0x1: {  	s4 =	rddreg [dreg:$0x0]  }
0x2: {  	s2 =	rddreg [dreg:$0x1]  }
0x3: {  	s3 =	srdreg.scid;
	s1 =	stileid.u32  }
0x4: {  	s17 =	simm.s32 $0x80;
	s18 =	simm.s32 $0x100;
	s19 =	simm.s32 $0x180  }
0x5: {  	s20 =	simm.s32 $0x1;
	s21 =	simm.s32 $0x40;
	s22 =	simm.s32 $0x200  }
0x6: {  	s23 =	simm.s32 $0x2;
	s24 =	simm.s32 $0x3;
	s25 =	simm.s32 $0x4  }
0x7: {  	s26 =	simm.s32 $0x0;
	s5 =	sand.u32 $0x1, s3;
	s6 =	smul.u32 $0x280, s1  }
0x8: {  	s3 =	simm.s32 $0x0;
	s14 =	sadd.s32 $0x2200, s4;
	s10 =	smul.u32 $0x2800, s1  }
0x9: {  	s7 =	sshll.u32 s5, $0x4;
	[smem:$0x7FF] =	sst s3;
	s8 =	smul.u32 $0x2800, s5  }
0xa: {  	s9 =	smul.u32 $0x28000, s5;
	s5 =	ssub.s32 $0x2, s5;
	s7 =	sor.u32 s1, s7  }
0xb: {  	_ =	strace $0x80000047;
	s30 =	sshrl.u32 s5, $0x1;
	s7 =	smul.u32 $0x2800, s7  }
0xc: {  	s8 =	sadd.s32 s6, s8;
	s11 =	ssub.s32 s5, s30;
	s12 =	sadd.s32 s10, s9  }
0xd: {  	s5 =	sadd.s32 s6, s2;
	s8 =	sshrl.u32 s8, $0x3;
	s9 =	sor.u32 $0x180, s12  }
0xe: {  	s31 =	sor.u32 $0x140, s12;
	s15 =	sor.u32 $0x100, s12;
	s12 =	sor.u32 $0xC0, s12  }
0xf: {  	s8 =	sadd.s32 s8, s4;
	s7 =	sshrl.u32 s7, $0x3;
	s13 =	sshrl.u32 s9, $0x3  }
0x10: {  	s9 =	smax.u32 s11, $0x1;
	s15 =	sshrl.u32 s15, $0x3;
	s16 =	sshrl.u32 s12, $0x3  }
0x11: {  	s4 =	sadd.s32 s14, s7;
	s8 =	sadd.s32 $0xC200, s8;
	s11 =	sadd.s32 s13, s14  }
0x12: {  	s13 =	sshrl.u32 s31, $0x3;
	s6 =	sadd.s32 $0x8, s4;
	s7 =	sadd.s32 $0x10, s4  }
0x13: {  	s10 =	sadd.s32 $0x4F8, s4;
	s12 =	sadd.s32 s13, s14;
	s13 =	sadd.s32 s15, s14  }
0x14: {  	v0 =	vimm.f32 $1.000000000e+00;
	v1 =	vimm.f32 $0.0e+00;
	s14 =	sadd.s32 s16, s14;
	s15 =	simm.s32 $0x280;
	s16 =	simm.s32 $0x5  }
.LBB2_1:
0x15: {  	[tilespmem:$0x200] =	vst v0  }
0x16: {  	[tilespmem:$0x210] =	vst v0  }
0x17: {  	[tilespmem:$0x220] =	vst v0  }
0x18: {  	[tilespmem:$0x230] =	vst v0  }
0x19: {  	[tilespmem:$0x280] =	vst v1  }
0x1a: {  	[tilespmem:$0x290] =	vst v1  }
0x1b: {  	[tilespmem:$0x2A0] =	vst v1  }
0x1c: {  	[tilespmem:$0x2B0] =	vst v1  }
0x1d: {  	[tilespmem:$0x2C0] =	vst v1  }
0x1e: {  	[tilespmem:$0x2D0] =	vst v1  }
0x1f: {  	[tilespmem:$0x2E0] =	vst v1  }
0x20: {  	[tilespmem:$0x2F0] =	vst v1  }
0x21: {  	[tilespmem:$0x300] =	vst v1  }
0x22: {  	[tilespmem:$0x310] =	vst v1  }
0x23: {  	[tilespmem:$0x320] =	vst v1  }
0x24: {  	[tilespmem:$0x330] =	vst v1  }
0x25: {  	[tilespmem:$0x340] =	vst v1  }
0x26: {  	[tilespmem:$0x350] =	vst v1  }
0x27: {  	[tilespmem:$0x360] =	vst v1  }
0x28: {  	[tilespmem:$0x370] =	vst v1  }
0x29: {  	[tilespmem:$0x380] =	vst v1  }
0x2a: {  	[tilespmem:$0x390] =	vst v1  }
0x2b: {  	[tilespmem:$0x3A0] =	vst v1  }
0x2c: {  	[tilespmem:$0x3B0] =	vst v1  }
0x2d: {  	[tilespmem:$0x3C0] =	vst v1  }
0x2e: {  	[tilespmem:$0x3D0] =	vst v1  }
0x2f: {  	[tilespmem:$0x3E0] =	vst v1  }
0x30: {  	[tilespmem:$0x3F0] =	vst v1  }
0x31: {  	[tilespmem:$0x400] =	vst v1  }
0x32: {  	[tilespmem:$0x410] =	vst v1  }
0x33: {  	[tilespmem:$0x420] =	vst v1  }
0x34: {  	[tilespmem:$0x430] =	vst v1  }
0x35: {  	[tilespmem:$0x440] =	vst v1  }
0x36: {  	[tilespmem:$0x450] =	vst v1  }
0x37: {  	[tilespmem:$0x460] =	vst v1  }
0x38: {  	[tilespmem:$0x470] =	vst v1  }
0x39: {  	[tilespmem:$0x480] =	vst v1  }
0x3a: {  	[tilespmem:$0x490] =	vst v1  }
0x3b: {  	[tilespmem:$0x4A0] =	vst v1  }
0x3c: {  	[tilespmem:$0x4B0] =	vst v1  }
0x3d: {  	[tilespmem:$0x4C0] =	vst v1  }
0x3e: {  	[tilespmem:$0x4D0] =	vst v1  }
0x3f: {  	[tilespmem:$0x4E0] =	vst v1  }
0x40: {  	[tilespmem:$0x4F0] =	vst v1  }
0x41: {  	[spmem:s5] =	stream.linear.scatter [tilespmem:s15], [sflag:$0x5], $0x280, $0x38;
	[tilespmem:$0x780] =	vst v63  }
0x42: {  	_ =	swait.ge [sflag:s16], $0x280  }
0x43: {  	[sflag:s16] =	ssyncset.done $0x0  }
0x44: {  	[sflag:s16] =	ssyncadd.s32 $0xFFFFFD80  }
0x45: {  	[bflag:$0x0] =	sbarrier.arrive $0xFFFF  }
0x46: {  	[tilespmem:s3], [sflag:$0x1] =	stream.linear.gather [hbm4b:s4+s3], $0x40, $0x38;
	[tilespmem:$0x780] =	vst v63  }
0x47: {  	_ = 	snop  }
0x48: {  	[tilespmem:s17], [sflag:$0x2] =	stream.linear.gather [hbm4b:s6+s3], $0x40, $0x38;
	[tilespmem:$0x780] =	vst v63  }
0x49: {  	_ = 	snop  }
0x4a: {  	[tilespmem:s18], [sflag:$0x3] =	stream.linear.gather [hbm4b:s7+s3], $0x40, $0x38;
	[tilespmem:$0x780] =	vst v63  }
0x4b: {  	s28 =	sadd.s32 $0x0, s14  }
0x4c: {  	[tilespmem:s19], [sflag:$0x4] =	stream.linear.gather [hbm4b:s28+s3], $0x40, $0x38;
	[tilespmem:$0x780] =	vst v63  }
0x4d: {  	_ =	swait.ge [sflag:s20], $0x40  }
0x4e: {  	[sflag:s20] =	ssyncset.done $0x0  }
0x4f: {  	[sflag:s20] =	ssyncadd.s32 $0xFFFFFFC0  }
0x50: {  	[spmem:s2] =	stream.indirect.scatter.add.f32 [tilespmem:s22], [sflag:$0x5], $0x1, s3, s21, $0xb8;
	[tilespmem:$0x780] =	vst v63  }
0x51: {  	_ =	swait.ge [sflag:s16], $0x40  }
0x52: {  	[sflag:s16] =	ssyncset.done $0x0  }
0x53: {  	s28 =	sadd.s32 $0x0, s13;
	[sflag:s16] =	ssyncadd.s32 $0xFFFFFFC0  }
0x54: {  	[tilespmem:s3], [sflag:$0x1] =	stream.linear.gather [hbm4b:s28+s3], $0x40, $0x38;
	[tilespmem:$0x780] =	vst v63  }
0x55: {  	_ =	swait.ge [sflag:s23], $0x40  }
0x56: {  	[sflag:s23] =	ssyncset.done $0x0  }
0x57: {  	[sflag:s23] =	ssyncadd.s32 $0xFFFFFFC0  }
0x58: {  	[spmem:s2] =	stream.indirect.scatter.add.f32 [tilespmem:s22], [sflag:$0x5], $0x1, s17, s21, $0xb8;
	[tilespmem:$0x780] =	vst v63  }
0x59: {  	_ =	swait.ge [sflag:s16], $0x40  }
0x5a: {  	[sflag:s16] =	ssyncset.done $0x0  }
0x5b: {  	s28 =	sadd.s32 $0x0, s12;
	[sflag:s16] =	ssyncadd.s32 $0xFFFFFFC0  }
0x5c: {  	[tilespmem:s17], [sflag:$0x2] =	stream.linear.gather [hbm4b:s28+s3], $0x40, $0x38;
	[tilespmem:$0x780] =	vst v63  }
0x5d: {  	_ =	swait.ge [sflag:s24], $0x40  }
0x5e: {  	[sflag:s24] =	ssyncset.done $0x0  }
0x5f: {  	[sflag:s24] =	ssyncadd.s32 $0xFFFFFFC0  }
0x60: {  	[spmem:s2] =	stream.indirect.scatter.add.f32 [tilespmem:s22], [sflag:$0x5], $0x1, s18, s21, $0xb8;
	[tilespmem:$0x780] =	vst v63  }
0x61: {  	_ =	swait.ge [sflag:s16], $0x40  }
0x62: {  	[sflag:s16] =	ssyncset.done $0x0  }
0x63: {  	s28 =	sadd.s32 $0x0, s11;
	[sflag:s16] =	ssyncadd.s32 $0xFFFFFFC0  }
0x64: {  	[tilespmem:s18], [sflag:$0x3] =	stream.linear.gather [hbm4b:s28+s3], $0x40, $0x38;
	[tilespmem:$0x780] =	vst v63  }
0x65: {  	_ =	swait.ge [sflag:s25], $0x40  }
0x66: {  	[sflag:s25] =	ssyncset.done $0x0  }
0x67: {  	[sflag:s25] =	ssyncadd.s32 $0xFFFFFFC0  }
0x68: {  	[spmem:s2] =	stream.indirect.scatter.add.f32 [tilespmem:s22], [sflag:$0x5], $0x1, s19, s21, $0xb8;
	[tilespmem:$0x780] =	vst v63  }
0x69: {  	_ =	swait.ge [sflag:s16], $0x40  }
0x6a: {  	s30 =	simm.s32 $0x40;
	s28 =	simm.s32 $0x20;
	[sflag:s16] =	ssyncset.done $0x0  }
.LBB2_2:
0x6b: {  	s31 =	sadd.s32 s28, s14  }
0x6c: {  	[sflag:s16] =	ssyncadd.s32 $0xFFFFFFC0;
	s0 =	smov.u32 s30;
	s29 =	sadd.s32 $0x20, s30  }
0x6d: {  	[tilespmem:s19], [sflag:$0x4] =	stream.linear.gather [hbm4b:s31+s3], $0x40, $0x38;
	[tilespmem:$0x780] =	vst v63  }
0x6e: {  	p0 =	sne.s32 s30, $0x4C0;
	_ =	swait.ge [sflag:s20], $0x40  }
0x6f: {  	[sflag:s20] =	ssyncset.done $0x0  }
0x70: {  	[sflag:s20] =	ssyncadd.s32 $0xFFFFFFC0  }
0x71: {  	[spmem:s2] =	stream.indirect.scatter.add.f32 [tilespmem:s22], [sflag:$0x5], $0x1, s3, s21, $0xb8;
	[tilespmem:$0x780] =	vst v63  }
0x72: {  	_ =	swait.ge [sflag:s16], $0x40  }
0x73: {  	[sflag:s16] =	ssyncset.done $0x0  }
0x74: {  	s30 =	sadd.s32 s28, s13;
	[sflag:s16] =	ssyncadd.s32 $0xFFFFFFC0  }
0x75: {  	[tilespmem:s3], [sflag:$0x1] =	stream.linear.gather [hbm4b:s30+s3], $0x40, $0x38;
	[tilespmem:$0x780] =	vst v63  }
0x76: {  	_ =	swait.ge [sflag:s23], $0x40  }
0x77: {  	[sflag:s23] =	ssyncset.done $0x0  }
0x78: {  	[sflag:s23] =	ssyncadd.s32 $0xFFFFFFC0  }
0x79: {  	[spmem:s2] =	stream.indirect.scatter.add.f32 [tilespmem:s22], [sflag:$0x5], $0x1, s17, s21, $0xb8;
	[tilespmem:$0x780] =	vst v63  }
0x7a: {  	_ =	swait.ge [sflag:s16], $0x40  }
0x7b: {  	[sflag:s16] =	ssyncset.done $0x0  }
0x7c: {  	s30 =	sadd.s32 s28, s12;
	[sflag:s16] =	ssyncadd.s32 $0xFFFFFFC0  }
0x7d: {  	[tilespmem:s17], [sflag:$0x2] =	stream.linear.gather [hbm4b:s30+s3], $0x40, $0x38;
	[tilespmem:$0x780] =	vst v63  }
0x7e: {  	_ =	swait.ge [sflag:s24], $0x40  }
0x7f: {  	[sflag:s24] =	ssyncset.done $0x0  }
0x80: {  	[sflag:s24] =	ssyncadd.s32 $0xFFFFFFC0  }
0x81: {  	[spmem:s2] =	stream.indirect.scatter.add.f32 [tilespmem:s22], [sflag:$0x5], $0x1, s18, s21, $0xb8;
	[tilespmem:$0x780] =	vst v63  }
0x82: {  	_ =	swait.ge [sflag:s16], $0x40  }
0x83: {  	[sflag:s16] =	ssyncset.done $0x0  }
0x84: {  	s30 =	sadd.s32 s28, s11;
	s28 =	smov.u32 s0;
	[sflag:s16] =	ssyncadd.s32 $0xFFFFFFC0  }
0x85: {  	[tilespmem:s18], [sflag:$0x3] =	stream.linear.gather [hbm4b:s30+s3], $0x40, $0x38;
	[tilespmem:$0x780] =	vst v63  }
0x86: {  	_ =	swait.ge [sflag:s25], $0x40  }
.Ltmp0:
0x87: {  	[sflag:s25] =	ssyncset.done $0x0;
	(pc) =	sbr.rel @p0 .LBB2_2-.Ltmp0, $4  }
0x88: {  	[sflag:s25] =	ssyncadd.s32 $0xFFFFFFC0  }
0x89: {  	[spmem:s2] =	stream.indirect.scatter.add.f32 [tilespmem:s22], [sflag:$0x5], $0x1, s19, s21, $0xb8;
	[tilespmem:$0x780] =	vst v63  }
0x8a: {  	_ =	swait.ge [sflag:s16], $0x40  }
0x8b: {  	s30 =	smov.u32 s29;
	[sflag:s16] =	ssyncset.done $0x0  }
0x8c: {  	s0 =	sadd.s32 s28, s14;
	[sflag:s16] =	ssyncadd.s32 $0xFFFFFFC0  }
0x8d: {  	[tilespmem:s19], [sflag:$0x4] =	stream.linear.gather [hbm4b:s0+s3], $0x40, $0x38;
	[tilespmem:$0x780] =	vst v63  }
0x8e: {  	_ =	swait.ge [sflag:s20], $0x40  }
0x8f: {  	[sflag:s20] =	ssyncset.done $0x0  }
0x90: {  	[sflag:s20] =	ssyncadd.s32 $0xFFFFFFC0  }
0x91: {  	[spmem:s2] =	stream.indirect.scatter.add.f32 [tilespmem:s22], [sflag:$0x5], $0x1, s3, s21, $0xb8;
	[tilespmem:$0x780] =	vst v63  }
0x92: {  	_ =	swait.ge [sflag:s16], $0x40  }
0x93: {  	[sflag:s16] =	ssyncset.done $0x0  }
0x94: {  	s30 =	sadd.s32 s28, s13;
	[sflag:s16] =	ssyncadd.s32 $0xFFFFFFC0  }
0x95: {  	[tilespmem:s3], [sflag:$0x1] =	stream.linear.gather [hbm4b:s30+s3], $0x40, $0x38;
	[tilespmem:$0x780] =	vst v63  }
0x96: {  	_ =	swait.ge [sflag:s23], $0x40  }
0x97: {  	[sflag:s23] =	ssyncset.done $0x0  }
0x98: {  	[sflag:s23] =	ssyncadd.s32 $0xFFFFFFC0  }
0x99: {  	[spmem:s2] =	stream.indirect.scatter.add.f32 [tilespmem:s22], [sflag:$0x5], $0x1, s17, s21, $0xb8;
	[tilespmem:$0x780] =	vst v63  }
0x9a: {  	_ =	swait.ge [sflag:s16], $0x40  }
0x9b: {  	[sflag:s16] =	ssyncset.done $0x0  }
0x9c: {  	s31 =	sadd.s32 s28, s12;
	[sflag:s16] =	ssyncadd.s32 $0xFFFFFFC0  }
0x9d: {  	[tilespmem:s17], [sflag:$0x2] =	stream.linear.gather [hbm4b:s31+s3], $0x40, $0x38;
	[tilespmem:$0x780] =	vst v63  }
0x9e: {  	_ =	swait.ge [sflag:s24], $0x40  }
0x9f: {  	[sflag:s24] =	ssyncset.done $0x0  }
0xa0: {  	[sflag:s24] =	ssyncadd.s32 $0xFFFFFFC0  }
0xa1: {  	[spmem:s2] =	stream.indirect.scatter.add.f32 [tilespmem:s22], [sflag:$0x5], $0x1, s18, s21, $0xb8;
	[tilespmem:$0x780] =	vst v63  }
0xa2: {  	_ =	swait.ge [sflag:s16], $0x40  }
0xa3: {  	[sflag:s16] =	ssyncset.done $0x0  }
0xa4: {  	s29 =	sadd.s32 s28, s11;
	[sflag:s16] =	ssyncadd.s32 $0xFFFFFFC0  }
0xa5: {  	[tilespmem:s18], [sflag:$0x3] =	stream.linear.gather [hbm4b:s29+s3], $0x40, $0x38;
	[tilespmem:$0x780] =	vst v63  }
0xa6: {  	_ =	swait.ge [sflag:s25], $0x40  }
0xa7: {  	[sflag:s25] =	ssyncset.done $0x0  }
0xa8: {  	[sflag:s25] =	ssyncadd.s32 $0xFFFFFFC0  }
0xa9: {  	[spmem:s2] =	stream.indirect.scatter.add.f32 [tilespmem:s22], [sflag:$0x5], $0x1, s19, s21, $0xb8;
	[tilespmem:$0x780] =	vst v63  }
0xaa: {  	_ =	swait.ge [sflag:s16], $0x40  }
0xab: {  	[sflag:s16] =	ssyncset.done $0x0  }
0xac: {  	[sflag:s16] =	ssyncadd.s32 $0xFFFFFFC0  }
0xad: {  	[tilespmem:s19], [sflag:$0x4] =	stream.linear.gather [hbm4b:s10+s3], $0x40, $0x38;
	[tilespmem:$0x780] =	vst v63  }
0xae: {  	_ =	swait.ge [sflag:s20], $0x40  }
0xaf: {  	[sflag:s20] =	ssyncset.done $0x0  }
0xb0: {  	[sflag:s20] =	ssyncadd.s32 $0xFFFFFFC0  }
0xb1: {  	[spmem:s2] =	stream.indirect.scatter.add.f32 [tilespmem:s22], [sflag:$0x5], $0x1, s3, s21, $0xb8;
	[tilespmem:$0x780] =	vst v63  }
0xb2: {  	_ =	swait.ge [sflag:s16], $0x40  }
0xb3: {  	[sflag:s16] =	ssyncset.done $0x0  }
0xb4: {  	[sflag:s16] =	ssyncadd.s32 $0xFFFFFFC0  }
0xb5: {  	_ =	swait.ge [sflag:s23], $0x40  }
0xb6: {  	[sflag:s23] =	ssyncset.done $0x0  }
0xb7: {  	[sflag:s23] =	ssyncadd.s32 $0xFFFFFFC0  }
0xb8: {  	[spmem:s2] =	stream.indirect.scatter.add.f32 [tilespmem:s22], [sflag:$0x5], $0x1, s17, s21, $0xb8;
	[tilespmem:$0x780] =	vst v63  }
0xb9: {  	_ =	swait.ge [sflag:s16], $0x40  }
0xba: {  	[sflag:s16] =	ssyncset.done $0x0  }
0xbb: {  	[sflag:s16] =	ssyncadd.s32 $0xFFFFFFC0  }
0xbc: {  	_ =	swait.ge [sflag:s24], $0x40  }
0xbd: {  	[sflag:s24] =	ssyncset.done $0x0  }
0xbe: {  	[sflag:s24] =	ssyncadd.s32 $0xFFFFFFC0  }
0xbf: {  	[spmem:s2] =	stream.indirect.scatter.add.f32 [tilespmem:s22], [sflag:$0x5], $0x1, s18, s21, $0xb8;
	[tilespmem:$0x780] =	vst v63  }
0xc0: {  	_ =	swait.ge [sflag:s16], $0x40  }
0xc1: {  	[sflag:s16] =	ssyncset.done $0x0  }
0xc2: {  	[sflag:s16] =	ssyncadd.s32 $0xFFFFFFC0  }
0xc3: {  	_ =	swait.ge [sflag:s25], $0x40  }
0xc4: {  	[sflag:s25] =	ssyncset.done $0x0  }
0xc5: {  	[sflag:s25] =	ssyncadd.s32 $0xFFFFFFC0  }
0xc6: {  	[spmem:s2] =	stream.indirect.scatter.add.f32 [tilespmem:s22], [sflag:$0x5], $0x1, s19, s21, $0xb8;
	[tilespmem:$0x780] =	vst v63  }
0xc7: {  	_ =	swait.ge [sflag:s16], $0x40  }
0xc8: {  	s26 =	sadd.s32 $0x1, s26;
	s30 =	sshll.u32 s1, $0x6;
	[sflag:s16] =	ssyncset.done $0x0  }
0xc9: {  	p0 =	sne.s32 s26, s9;
	s0 =	sor.u32 $0x1C05, s30;
	[sflag:s16] =	ssyncadd.s32 $0xFFFFFFC0  }
.Ltmp1:
0xca: {  	s31 =	sshrl.u32 s5, $0x3;
	[bflag:$0x0] =	sbarrier.arrive $0xFFFF;
	(pc) =	sbr.rel @p0 .LBB2_1-.Ltmp1, $4  }
0xcb: {  	[hbm:s8], [sflag:s0] =	dma.local [spmem:s31], $0x50  }
0xcc: {  	_ =	swait.ge [sflag:s16], $0x50  }
0xcd: {  	[sflag:s16] =	ssyncset.done $0x0  }
0xce: {  	[sflag:s16] =	ssyncadd.s32 $0xFFFFFFB0  }
0xcf: {  	_ =	sfence.sel $0x180000  }
0xd0: {  	[bflag:$0x0] =	sbarrier.arrive $0xFFFF  }
0xd1: {  	_ =	strace $0x90000047  }
0xd2: {  	[bflag:$0x2] =	sbarrier.arrive $0xFFFF  }
0xd3: {  	p0 =	sne.s32 s1, $0x0;
	s0 =	rddreg [dreg:$0x2]  }
0xd4: {  	s0 =	sadd.s32 @!p0 $0x100000, s0  }
0xd5: {  	[sflag:s0] =	ssyncadd.tile.s32 @!p0 $0x1;
	_ =	shalt  }
.Lfunc_end2:
_tile_overlayer_lowered:
.L_overlay_start_2:
0xd6: {  	(tag) =	ssettag $0x2  }
0xd7: {  	s0 =	rddreg [dreg:$0x0];
	s2 =	stileid.u32  }
0xd8: {  	s1 =	rddreg [dreg:$0x1];
	p0 =	sne.s32 s2, $0x0  }
0xd9: {  	s3 =	rddreg [dreg:$0x2];
	[bflag:$0x3] =	sbarrier.arrive $0xFFFF;
	s2 =	simm.s32 @!p0 $0x1C05  }
0xda: {  	[timem:s3], [sflag:s2] =	dma.local @!p0 [hbm:s0], s1  }
0xdb: {  	s0 =	simm.s32 @!p0 $0x5  }
0xdc: {  	_ =	swait.ge @!p0 [sflag:s0], s1  }
0xdd: {  	s1 =	ssub.s32 @!p0 $0x0, s1;
	[sflag:s0] =	ssyncset.done @!p0 $0x0  }
0xde: {  	[sflag:s0] =	ssyncadd.s32 @!p0 s1  }
0xdf: {  	[bflag:$0x3] =	sbarrier.arrive $0xFFFF  }
0xe0: {  	_ =	shalt  }

</sc_bundles>
